<compile_context>
chip_gen: v7x
topology: tpu7x:2x2x1
jax: 0.10.2.dev20260603
libtpu: 0.0.44.dev20260713+nightly
codegen_flags: <defaults>
</compile_context>

<pallas_src>
import functools

import jax
import jax.numpy as jnp
from jax import lax
from jax.experimental import pallas as pl
from jax.experimental.pallas import tpu as pltpu
from jax.experimental.pallas import tpu_sc as plsc

NN = 100000
EE = 3200000
HID = 32
GG = 64

NC, NS = 2, 16
NW = NC * NS
NPAD = 100352
STRIPE = NPAD // NS
ROWS2D = NPAD // 128
RPW = 784
KT = 56
NT = RPW // KT
EPW = RPW * 128
EPAD = NW * EPW

RBLK = 2048
NSTEPS = NPAD // RBLK

_f32 = jnp.float32


def _zero_acc(sid, ztile, acc):
    @pl.loop(0, STRIPE, step=16)
    def _(i):
        ztile[pl.ds(i, 16)] = jnp.zeros((16,), _f32)

    pltpu.sync_copy(ztile, acc.at[pl.ds(sid * STRIPE, STRIPE)])


def _writeback(cid, sid, acc, out_hbm):
    pltpu.sync_copy(acc.at[pl.ds(sid * STRIPE, STRIPE)],
                    out_hbm.at[cid, pl.ds(sid * STRIPE, STRIPE)])


def _fire_scatters(val, idx, acc, sem):
    @pl.loop(0, KT)
    def _(j):
        pltpu.async_copy(val.at[j], acc.at[idx.at[j]], sem, add=True)


def _drain_scatters(val, idx, acc, sem):
    @pl.loop(0, KT)
    def _(j):
        pltpu.make_async_copy(val.at[j], acc.at[idx.at[j]], sem).wait()


def _fire_gathers(tab_hbm, idx, val, sem):
    @pl.loop(0, KT)
    def _(j):
        pltpu.async_copy(tab_hbm.at[idx.at[j]], val.at[j], sem)


def _drain_gathers(tab_hbm, idx, val, sem):
    @pl.loop(0, KT)
    def _(j):
        pltpu.make_async_copy(tab_hbm.at[idx.at[j]], val.at[j], sem).wait()


def _sc_hist(dst_hbm, out_hbm, idxa, idxb, ones_t, ztile, acc, sema, semb):
    cid = lax.axis_index("c")
    sid = lax.axis_index("s")
    wid = cid * NS + sid

    @pl.loop(0, 128, step=16)
    def _(i):
        ones_t[pl.ds(i, 16)] = jnp.ones((16,), _f32)

    _zero_acc(sid, ztile, acc)
    plsc.subcore_barrier()

    @pl.loop(0, NT, step=2)
    def _(t):
        pltpu.sync_copy(dst_hbm.at[wid, pl.ds(t * KT, KT)], idxa)

        @pl.loop(0, KT)
        def _(j):
            pltpu.async_copy(ones_t, acc.at[idxa.at[j]], sema, add=True)

        pltpu.sync_copy(dst_hbm.at[wid, pl.ds((t + 1) * KT, KT)], idxb)

        @pl.loop(0, KT)
        def _(j):
            pltpu.async_copy(ones_t, acc.at[idxb.at[j]], semb, add=True)

        @pl.loop(0, KT)
        def _(j):
            pltpu.make_async_copy(ones_t, acc.at[idxa.at[j]], sema).wait()

        @pl.loop(0, KT)
        def _(j):
            pltpu.make_async_copy(ones_t, acc.at[idxb.at[j]], semb).wait()

    plsc.subcore_barrier()
    _writeback(cid, sid, acc, out_hbm)


def _sc_agg1(src_hbm, dst_hbm, y_hbm, out_hbm,
             sidxa, sidxb, didxa, didxb, vala, valb, ztile, acc, ysh,
             gsema, gsemb, ssema, ssemb):
    cid = lax.axis_index("c")
    sid = lax.axis_index("s")
    wid = cid * NS + sid

    _zero_acc(sid, ztile, acc)
    pltpu.sync_copy(y_hbm.at[pl.ds(sid * STRIPE, STRIPE)], ztile)
    pltpu.sync_copy(ztile, ysh.at[pl.ds(sid * STRIPE, STRIPE)])
    plsc.subcore_barrier()

    @pl.loop(0, NT, step=2)
    def _(t):
        pltpu.sync_copy(src_hbm.at[wid, pl.ds(t * KT, KT)], sidxa)
        pltpu.sync_copy(dst_hbm.at[wid, pl.ds(t * KT, KT)], didxa)
        _fire_gathers(ysh, sidxa, vala, gsema)
        pltpu.sync_copy(src_hbm.at[wid, pl.ds((t + 1) * KT, KT)], sidxb)
        pltpu.sync_copy(dst_hbm.at[wid, pl.ds((t + 1) * KT, KT)], didxb)
        _fire_gathers(ysh, sidxb, valb, gsemb)
        _drain_gathers(ysh, sidxa, vala, gsema)
        _fire_scatters(vala, didxa, acc, ssema)
        _drain_gathers(ysh, sidxb, valb, gsemb)
        _fire_scatters(valb, didxb, acc, ssemb)
        _drain_scatters(vala, didxa, acc, ssema)
        _drain_scatters(valb, didxb, acc, ssemb)

    plsc.subcore_barrier()
    _writeback(cid, sid, acc, out_hbm)


def _sc_agg2(src_hbm, dst_hbm, g_hbm, out_hbm,
             sidxa, sidxb, didxa, didxb, idx2a, idx2b, valga, valgb,
             ztile, accc, gsh, gsema, gsemb, ssema, ssemb):
    cid = lax.axis_index("c")
    sid = lax.axis_index("s")
    wid = cid * NS + sid

    @pl.loop(0, STRIPE, step=16)
    def _(i):
        ztile[pl.ds(i, 16)] = jnp.zeros((16,), _f32)

    pltpu.sync_copy(ztile, accc.at[pl.ds(sid * STRIPE, STRIPE)])
    pltpu.sync_copy(ztile, accc.at[pl.ds(NPAD + sid * STRIPE, STRIPE)])
    pltpu.sync_copy(g_hbm.at[pl.ds(sid * STRIPE, STRIPE)], ztile)
    pltpu.sync_copy(ztile, gsh.at[pl.ds(sid * STRIPE, STRIPE)])
    plsc.subcore_barrier()

    def transform(valg, didx, idx2):
        @pl.loop(0, KT)
        def _(j):
            @pl.loop(0, 128, step=16)
            def _(i):
                vg = valg.at[j][pl.ds(i, 16)]
                off = jnp.where(vg < 0.0, NPAD, 0).astype(jnp.int32)
                idx2.at[j][pl.ds(i, 16)] = \
                    didx.at[j][pl.ds(i, 16)] + off
                valg.at[j][pl.ds(i, 16)] = jnp.abs(vg)

    @pl.loop(0, NT, step=2)
    def _(t):
        pltpu.sync_copy(src_hbm.at[wid, pl.ds(t * KT, KT)], sidxa)
        pltpu.sync_copy(dst_hbm.at[wid, pl.ds(t * KT, KT)], didxa)
        _fire_gathers(gsh, sidxa, valga, gsema)
        pltpu.sync_copy(src_hbm.at[wid, pl.ds((t + 1) * KT, KT)], sidxb)
        pltpu.sync_copy(dst_hbm.at[wid, pl.ds((t + 1) * KT, KT)], didxb)
        _fire_gathers(gsh, sidxb, valgb, gsemb)
        _drain_gathers(gsh, sidxa, valga, gsema)
        transform(valga, didxa, idx2a)
        _fire_scatters(valga, idx2a, accc, ssema)
        _drain_gathers(gsh, sidxb, valgb, gsemb)
        transform(valgb, didxb, idx2b)
        _fire_scatters(valgb, idx2b, accc, ssemb)
        _drain_scatters(valga, idx2a, accc, ssema)
        _drain_scatters(valgb, idx2b, accc, ssemb)

    plsc.subcore_barrier()
    pltpu.sync_copy(accc.at[pl.ds(sid * STRIPE, STRIPE)],
                    out_hbm.at[cid, 0, pl.ds(sid * STRIPE, STRIPE)])
    pltpu.sync_copy(accc.at[pl.ds(NPAD + sid * STRIPE, STRIPE)],
                    out_hbm.at[cid, 1, pl.ds(sid * STRIPE, STRIPE)])


@functools.lru_cache(maxsize=1)
def _sc_kernels():
    mesh = plsc.VectorSubcoreMesh(core_axis_name="c", subcore_axis_name="s",
                                  num_cores=NC, num_subcores=NS)
    one_out = jax.ShapeDtypeStruct((NC, NPAD), _f32)
    idx_t = pltpu.VMEM((KT, 128), jnp.int32)
    val_t = pltpu.VMEM((KT, 128), _f32)
    dma = pltpu.SemaphoreType.DMA
    hist = pl.kernel(
        _sc_hist, out_type=one_out, mesh=mesh,
        scratch_types=[
            idx_t, idx_t,
            pltpu.VMEM((128,), _f32),
            pltpu.VMEM((STRIPE,), _f32),
            pltpu.VMEM_SHARED((NPAD,), _f32),
            dma, dma,
        ])
    agg1 = pl.kernel(
        _sc_agg1, out_type=one_out, mesh=mesh,
        scratch_types=[
            idx_t, idx_t, idx_t, idx_t,
            val_t, val_t,
            pltpu.VMEM((STRIPE,), _f32),
            pltpu.VMEM_SHARED((NPAD,), _f32),
            pltpu.VMEM_SHARED((NPAD,), _f32),
            dma, dma, dma, dma,
        ])
    agg2 = pl.kernel(
        _sc_agg2, out_type=jax.ShapeDtypeStruct((NC, 2, NPAD), _f32),
        mesh=mesh,
        scratch_types=[
            idx_t, idx_t, idx_t, idx_t, idx_t, idx_t,
            val_t, val_t,
            pltpu.VMEM((STRIPE,), _f32),
            pltpu.VMEM_SHARED((2 * NPAD,), _f32),
            pltpu.VMEM_SHARED((NPAD,), _f32),
            dma, dma, dma, dma,
        ])
    return hist, agg1, agg2


def _tc_prep_body(degp, x2d, dinv_o, invd_o, y_o):
    deg = degp[0] + degp[1] + 1.0
    dinv = lax.rsqrt(deg)
    invd = 1.0 / deg
    dinv_o[...] = dinv
    invd_o[...] = invd
    y_o[...] = dinv * x2d[...]


def _tc_uvwz_body(tp, dinv, invd, x2d, u_o, v_o, g_o):
    t = dinv[...] * (tp[0] + tp[1]) + x2d[...] * invd[...]
    u_o[...] = jnp.maximum(t, 0.0)
    v_o[...] = jnp.maximum(-t, 0.0)
    g_o[...] = dinv[...] * t


def _tc_uv_body(up, vp, dinv, invd, u, v, uu_o, vv_o):
    uu_o[...] = dinv[...] * (up[0] + up[1]) + u[...] * invd[...]
    vv_o[...] = dinv[...] * (vp[0] + vp[1]) + v[...] * invd[...]


def _tc_pool_body(uu, vv, bat, a, c, b2, wl1, bl1, wl2, bl2, out,
                  sums, cnt):
    i = pl.program_id(0)

    @pl.when(i == 0)
    def _():
        sums[...] = jnp.zeros_like(sums)
        cnt[...] = jnp.zeros_like(cnt)

    h2 = jnp.maximum(uu[...] * a[...] + vv[...] * c[...] + b2[...], 0.0)
    seg = lax.broadcasted_iota(jnp.int32, (RBLK, GG), 1)
    onehot = (bat[...] == seg).astype(_f32)
    sums[...] += lax.dot_general(onehot, h2, (((0,), (0,)), ((), ())),
                                 preferred_element_type=_f32)
    cnt[...] += lax.dot_general(onehot, jnp.ones((RBLK, 1), _f32),
                                (((0,), (0,)), ((), ())),
                                preferred_element_type=_f32)

    @pl.when(i == NSTEPS - 1)
    def _():
        pooled = sums[...] / jnp.maximum(cnt[...], 1.0)
        hh = jnp.maximum(
            jnp.dot(pooled, wl1[...], preferred_element_type=_f32)
            + bl1[...], 0.0)
        oo = jnp.dot(hh, wl2[...], preferred_element_type=_f32) + bl2[...]
        out[...] = jax.nn.sigmoid(oo)


def kernel(x, edge_index, batch, W1, b1, W2, b2, Wl1, bl1, Wl2, bl2):
    f32 = _f32
    src = edge_index[0].astype(jnp.int32)
    dst = edge_index[1].astype(jnp.int32)
    npad_e = EPAD - EE
    src3 = jnp.concatenate([src, jnp.zeros((npad_e,), jnp.int32)]) \
        .reshape(NW, RPW, 128)
    dst3 = jnp.concatenate([dst, jnp.full((npad_e,), NN, jnp.int32)]) \
        .reshape(NW, RPW, 128)

    xp = jnp.concatenate([x[:, 0].astype(f32),
                          jnp.zeros((NPAD - NN,), f32)])
    x2d = xp.reshape(ROWS2D, 128)

    w1row = W1[0].astype(f32)
    p = jnp.maximum(w1row, 0.0)
    q = jnp.maximum(-w1row, 0.0)
    a = (p @ W2.astype(f32)).reshape(1, HID)
    c = (q @ W2.astype(f32)).reshape(1, HID)
    b2r = b2.astype(f32).reshape(1, HID)

    sc_hist, sc_agg1, sc_agg2 = _sc_kernels()

    degp = sc_hist(dst3)

    dinv2d, invd2d, y2d = pl.pallas_call(
        _tc_prep_body,
        out_shape=[jax.ShapeDtypeStruct((ROWS2D, 128), f32)] * 3,
    )(degp.reshape(NC, ROWS2D, 128), x2d)

    tp = sc_agg1(src3, dst3, y2d.reshape(NPAD))

    u2d, v2d, g2d = pl.pallas_call(
        _tc_uvwz_body,
        out_shape=[jax.ShapeDtypeStruct((ROWS2D, 128), f32)] * 3,
    )(tp.reshape(NC, ROWS2D, 128), dinv2d, invd2d, x2d)

    upvp = sc_agg2(src3, dst3, g2d.reshape(NPAD))
    up = upvp[:, 0]
    vp = upvp[:, 1]

    uu2d, vv2d = pl.pallas_call(
        _tc_uv_body,
        out_shape=[jax.ShapeDtypeStruct((ROWS2D, 128), f32)] * 2,
    )(up.reshape(NC, ROWS2D, 128), vp.reshape(NC, ROWS2D, 128),
      dinv2d, invd2d, u2d, v2d)

    batp = jnp.concatenate([batch.astype(jnp.int32),
                            jnp.full((NPAD - NN,), GG, jnp.int32)]) \
        .reshape(NPAD, 1)

    out = pl.pallas_call(
        _tc_pool_body,
        grid=(NSTEPS,),
        in_specs=[
            pl.BlockSpec((RBLK, 1), lambda i: (i, 0)),
            pl.BlockSpec((RBLK, 1), lambda i: (i, 0)),
            pl.BlockSpec((RBLK, 1), lambda i: (i, 0)),
            pl.BlockSpec((1, HID), lambda i: (0, 0)),
            pl.BlockSpec((1, HID), lambda i: (0, 0)),
            pl.BlockSpec((1, HID), lambda i: (0, 0)),
            pl.BlockSpec((HID, 16), lambda i: (0, 0)),
            pl.BlockSpec((1, 16), lambda i: (0, 0)),
            pl.BlockSpec((16, 1), lambda i: (0, 0)),
            pl.BlockSpec((1, 1), lambda i: (0, 0)),
        ],
        out_specs=pl.BlockSpec((GG, 1), lambda i: (0, 0)),
        out_shape=jax.ShapeDtypeStruct((GG, 1), f32),
        scratch_shapes=[pltpu.VMEM((GG, HID), f32),
                        pltpu.VMEM((GG, 1), f32)],
    )(uu2d.reshape(NPAD, 1), vv2d.reshape(NPAD, 1), batp,
      a, c, b2r,
      Wl1.astype(f32), bl1.astype(f32).reshape(1, 16),
      Wl2.astype(f32), bl2.astype(f32).reshape(1, 1))

    return out.reshape(GG)

# --- scband reference (transcript-rebuilt; emitter-appended) ---
"""Pipeline reference for scband-gnnclassifier-58256936403610 (READ-ONLY COPY).

The authoritative reference and input builder live on the scoring server;
editing this copy changes nothing except your own understanding.
"""

import jax, jax.numpy as jnp
import numpy as np

N = 100000
E = 3200000
IN_DIM = 1
HID = 32
G = 64


def setup_inputs(seed: int = 0) -> dict:
    key = jax.random.key(seed)
    ks = jax.random.split(key, 12)
    x = jax.random.normal(ks[0], (N, IN_DIM), dtype=jnp.float32)
    edge_index = jax.random.randint(ks[1], (2, E), 0, N)
    batch = jnp.sort(jax.random.randint(ks[2], (N,), 0, G))
    W1 = jax.random.normal(ks[3], (IN_DIM, HID), dtype=jnp.float32) * 0.1
    b1 = jnp.zeros((HID,), dtype=jnp.float32)
    W2 = jax.random.normal(ks[4], (HID, HID), dtype=jnp.float32) * 0.1
    b2 = jnp.zeros((HID,), dtype=jnp.float32)
    Wl1 = jax.random.normal(ks[5], (HID, 16), dtype=jnp.float32) * 0.1
    bl1 = jnp.zeros((16,), dtype=jnp.float32)
    Wl2 = jax.random.normal(ks[6], (16, 1), dtype=jnp.float32) * 0.1
    bl2 = jnp.zeros((1,), dtype=jnp.float32)
    return {"x": x, "edge_index": edge_index, "batch": batch,
            "W1": W1, "b1": b1, "W2": W2, "b2": b2,
            "Wl1": Wl1, "bl1": bl1, "Wl2": Wl2, "bl2": bl2}


def gcn_conv(x, W, b, src, dst, num_nodes):
    # GCNConv with self-loops and symmetric normalization: D^-1/2 (A+I) D^-1/2 X W + b
    loop = jnp.arange(num_nodes)
    src2 = jnp.concatenate([src, loop])
    dst2 = jnp.concatenate([dst, loop])
    deg = jnp.zeros((num_nodes,), dtype=jnp.float32).at[dst2].add(1.0)
    dinv = jnp.where(deg > 0, deg ** -0.5, 0.0)
    norm = dinv[src2] * dinv[dst2]
    xw = x @ W
    msg = xw[src2] * norm[:, None]
    out = jnp.zeros((num_nodes, W.shape[1]), dtype=jnp.float32).at[dst2].add(msg)
    return out + b


def reference(x, edge_index, batch, W1, b1, W2, b2, Wl1, bl1, Wl2, bl2):
    src, dst = edge_index[0], edge_index[1]
    h = jax.nn.relu(gcn_conv(x, W1, b1, src, dst, N))
    h = jax.nn.relu(gcn_conv(h, W2, b2, src, dst, N))
    sums = jax.ops.segment_sum(h, batch, num_segments=G)
    cnts = jax.ops.segment_sum(jnp.ones((N,), dtype=jnp.float32), batch, num_segments=G)
    pooled = sums / jnp.maximum(cnts, 1.0)[:, None]
    h = jax.nn.relu(pooled @ Wl1 + bl1)
    out = jax.nn.sigmoid(h @ Wl2 + bl2)
    return out.squeeze()

if __name__ == "__main__":
    import jax
    _d = setup_inputs()
    print(jax.jit(kernel)(*tuple(_d.values())))

</pallas_src>

<mosaic_0001>
#map = affine_map<(d0, d1) -> (0, 0, 0)>
#map1 = affine_map<(d0, d1) -> (0)>
module attributes {stable_mosaic.version = 14 : i64} {
  func.func @_sc_agg2(%arg0: i32, %arg1: i32, %arg2: memref<32x784x128xi32, #tpu.memory_space<hbm>>, %arg3: memref<32x784x128xi32, #tpu.memory_space<hbm>>, %arg4: memref<100352xf32, #tpu.memory_space<hbm>>, %arg5: memref<2x2x100352xf32, #tpu.memory_space<hbm>>, %arg6: memref<56x128xi32, #tpu.memory_space<vmem>>, %arg7: memref<56x128xi32, #tpu.memory_space<vmem>>, %arg8: memref<56x128xi32, #tpu.memory_space<vmem>>, %arg9: memref<56x128xi32, #tpu.memory_space<vmem>>, %arg10: memref<56x128xi32, #tpu.memory_space<vmem>>, %arg11: memref<56x128xi32, #tpu.memory_space<vmem>>, %arg12: memref<56x128xf32, #tpu.memory_space<vmem>>, %arg13: memref<56x128xf32, #tpu.memory_space<vmem>>, %arg14: memref<6272xf32, #tpu.memory_space<vmem>>, %arg15: memref<200704xf32, #tpu.memory_space<vmem_shared>>, %arg16: memref<100352xf32, #tpu.memory_space<vmem_shared>>, %arg17: memref<!tpu.dma_semaphore, #tpu.memory_space<semaphore_mem>>, %arg18: memref<!tpu.dma_semaphore, #tpu.memory_space<semaphore_mem>>, %arg19: memref<!tpu.dma_semaphore, #tpu.memory_space<semaphore_mem>>, %arg20: memref<!tpu.dma_semaphore, #tpu.memory_space<semaphore_mem>>) attributes {dimension_semantics = [#tpu.dimension_semantics<core_parallel>, #tpu.dimension_semantics<subcore_parallel>], iteration_bounds = array<i64: 2, 16>, scalar_prefetch = 0 : i64, scratch_operands = 15 : i64, tpu.core_type = #tpu.core_type<sc_vector_subcore>, window_params = [{transform_indices = #map}, {transform_indices = #map}, {transform_indices = #map1}, {transform_indices = #map}]} {
    %mul3A = arith.constant 16 : i32
    %mul3A_0 = arith.muli %arg0, %mul3A : i32
    %add3A = arith.addi %mul3A_0, %arg1 : i32
    %scan3A = arith.constant 0 : i32
    %scan3A_1 = arith.constant 392 : i32
    %scan3A_2 = arith.addi %scan3A, %scan3A_1 : i32
    %scan3A_3 = arith.constant 1 : i32
    scf.for %scan3A_32 = %scan3A to %scan3A_2 step %scan3A_3  : i32 {
      %mul3A_33 = arith.constant 16 : i32
      %mul3A_34 = arith.muli %scan3A_32, %mul3A_33 : i32
      %add3A_35 = arith.constant 0 : i32
      %add3A_36 = arith.addi %add3A_35, %mul3A_34 : i32
      %broadcast_in_dim3A = arith.constant 0.000000e+00 : f32
      %broadcast_in_dim3A_37 = vector.broadcast %broadcast_in_dim3A : f32 to vector<16xf32>
      %swap3A = arith.index_cast %add3A_36 : i32 to index
      %swap3A_38 = tpu.vector_load %arg14[%swap3A] {strides = array<i32>} : memref<6272xf32, #tpu.memory_space<vmem>>, vector<16xf32>,
      %swap3A_39 = vector.shape_cast %swap3A_38 : vector<16xf32> to vector<16xf32>
      %swap3A_40 = vector.shape_cast %broadcast_in_dim3A_37 : vector<16xf32> to vector<16xf32>
      tpu.vector_store %arg14[%swap3A], %swap3A_40 {strides = array<i32>} : memref<6272xf32, #tpu.memory_space<vmem>>, vector<16xf32>,
    }
    %scan3A_4 = arith.constant 392 : i32
    %mul3A_5 = arith.constant 6272 : i32
    %mul3A_6 = arith.muli %arg1, %mul3A_5 : i32
    "tpu.region"() ({
      %run_scoped3A_32 = tpu.sem_alloc : memref<!tpu.dma_semaphore, #tpu.memory_space<semaphore_mem>>
      %dma_start3A = tpu.memref_slice %arg15[%mul3A_6] : memref<200704xf32, #tpu.memory_space<vmem_shared>> -> memref<6272xf32, #tpu.memory_space<vmem_shared>>
      %dma_start3A_33 = tpu.memref_slice %arg15[%mul3A_6] : memref<200704xf32, #tpu.memory_space<vmem_shared>> -> memref<6272xf32, #tpu.memory_space<vmem_shared>>
      tpu.enqueue_dma source(%arg14 : memref<6272xf32, #tpu.memory_space<vmem>>) target(%dma_start3A_33 : memref<6272xf32, #tpu.memory_space<vmem_shared>>) target_semaphore(%run_scoped3A_32 : memref<!tpu.dma_semaphore, #tpu.memory_space<semaphore_mem>>)
      %dma_wait3A = tpu.memref_slice %arg15[%mul3A_6] : memref<200704xf32, #tpu.memory_space<vmem_shared>> -> memref<6272xf32, #tpu.memory_space<vmem_shared>>
      %dma_wait3A_34 = tpu.memref_slice %arg15[%mul3A_6] : memref<200704xf32, #tpu.memory_space<vmem_shared>> -> memref<6272xf32, #tpu.memory_space<vmem_shared>>
      tpu.wait_dma2 semaphore(%run_scoped3A_32 : memref<!tpu.dma_semaphore, #tpu.memory_space<semaphore_mem>>) src(%arg14 : memref<6272xf32, #tpu.memory_space<vmem>>) dst(%dma_wait3A_34 : memref<6272xf32, #tpu.memory_space<vmem_shared>>)
      tpu.yield
    }) : () -> ()
    %mul3A_7 = arith.constant 6272 : i32
    %mul3A_8 = arith.muli %arg1, %mul3A_7 : i32
    %add3A_9 = arith.constant 100352 : i32
    %add3A_10 = arith.addi %add3A_9, %mul3A_8 : i32
    "tpu.region"() ({
      %run_scoped3A_32 = tpu.sem_alloc : memref<!tpu.dma_semaphore, #tpu.memory_space<semaphore_mem>>
      %dma_start3A = tpu.memref_slice %arg15[%add3A_10] : memref<200704xf32, #tpu.memory_space<vmem_shared>> -> memref<6272xf32, #tpu.memory_space<vmem_shared>>
      %dma_start3A_33 = tpu.memref_slice %arg15[%add3A_10] : memref<200704xf32, #tpu.memory_space<vmem_shared>> -> memref<6272xf32, #tpu.memory_space<vmem_shared>>
      tpu.enqueue_dma source(%arg14 : memref<6272xf32, #tpu.memory_space<vmem>>) target(%dma_start3A_33 : memref<6272xf32, #tpu.memory_space<vmem_shared>>) target_semaphore(%run_scoped3A_32 : memref<!tpu.dma_semaphore, #tpu.memory_space<semaphore_mem>>)
      %dma_wait3A = tpu.memref_slice %arg15[%add3A_10] : memref<200704xf32, #tpu.memory_space<vmem_shared>> -> memref<6272xf32, #tpu.memory_space<vmem_shared>>
      %dma_wait3A_34 = tpu.memref_slice %arg15[%add3A_10] : memref<200704xf32, #tpu.memory_space<vmem_shared>> -> memref<6272xf32, #tpu.memory_space<vmem_shared>>
      tpu.wait_dma2 semaphore(%run_scoped3A_32 : memref<!tpu.dma_semaphore, #tpu.memory_space<semaphore_mem>>) src(%arg14 : memref<6272xf32, #tpu.memory_space<vmem>>) dst(%dma_wait3A_34 : memref<6272xf32, #tpu.memory_space<vmem_shared>>)
      tpu.yield
    }) : () -> ()
    %mul3A_11 = arith.constant 6272 : i32
    %mul3A_12 = arith.muli %arg1, %mul3A_11 : i32
    "tpu.region"() ({
      %run_scoped3A_32 = tpu.sem_alloc : memref<!tpu.dma_semaphore, #tpu.memory_space<semaphore_mem>>
      %dma_start3A = tpu.memref_slice %arg4[%mul3A_12] : memref<100352xf32, #tpu.memory_space<hbm>> -> memref<6272xf32, #tpu.memory_space<hbm>>
      %dma_start3A_33 = tpu.memref_slice %arg4[%mul3A_12] : memref<100352xf32, #tpu.memory_space<hbm>> -> memref<6272xf32, #tpu.memory_space<hbm>>
      tpu.enqueue_dma source(%dma_start3A_33 : memref<6272xf32, #tpu.memory_space<hbm>>) target(%arg14 : memref<6272xf32, #tpu.memory_space<vmem>>) target_semaphore(%run_scoped3A_32 : memref<!tpu.dma_semaphore, #tpu.memory_space<semaphore_mem>>)
      %dma_wait3A = tpu.memref_slice %arg4[%mul3A_12] : memref<100352xf32, #tpu.memory_space<hbm>> -> memref<6272xf32, #tpu.memory_space<hbm>>
      %dma_wait3A_34 = tpu.memref_slice %arg4[%mul3A_12] : memref<100352xf32, #tpu.memory_space<hbm>> -> memref<6272xf32, #tpu.memory_space<hbm>>
      tpu.wait_dma2 semaphore(%run_scoped3A_32 : memref<!tpu.dma_semaphore, #tpu.memory_space<semaphore_mem>>) src(%dma_wait3A_34 : memref<6272xf32, #tpu.memory_space<hbm>>) dst(%arg14 : memref<6272xf32, #tpu.memory_space<vmem>>)
      tpu.yield
    }) : () -> ()
    %mul3A_13 = arith.constant 6272 : i32
    %mul3A_14 = arith.muli %arg1, %mul3A_13 : i32
    "tpu.region"() ({
      %run_scoped3A_32 = tpu.sem_alloc : memref<!tpu.dma_semaphore, #tpu.memory_space<semaphore_mem>>
      %dma_start3A = tpu.memref_slice %arg16[%mul3A_14] : memref<100352xf32, #tpu.memory_space<vmem_shared>> -> memref<6272xf32, #tpu.memory_space<vmem_shared>>
      %dma_start3A_33 = tpu.memref_slice %arg16[%mul3A_14] : memref<100352xf32, #tpu.memory_space<vmem_shared>> -> memref<6272xf32, #tpu.memory_space<vmem_shared>>
      tpu.enqueue_dma source(%arg14 : memref<6272xf32, #tpu.memory_space<vmem>>) target(%dma_start3A_33 : memref<6272xf32, #tpu.memory_space<vmem_shared>>) target_semaphore(%run_scoped3A_32 : memref<!tpu.dma_semaphore, #tpu.memory_space<semaphore_mem>>)
      %dma_wait3A = tpu.memref_slice %arg16[%mul3A_14] : memref<100352xf32, #tpu.memory_space<vmem_shared>> -> memref<6272xf32, #tpu.memory_space<vmem_shared>>
      %dma_wait3A_34 = tpu.memref_slice %arg16[%mul3A_14] : memref<100352xf32, #tpu.memory_space<vmem_shared>> -> memref<6272xf32, #tpu.memory_space<vmem_shared>>
      tpu.wait_dma2 semaphore(%run_scoped3A_32 : memref<!tpu.dma_semaphore, #tpu.memory_space<semaphore_mem>>) src(%arg14 : memref<6272xf32, #tpu.memory_space<vmem>>) dst(%dma_wait3A_34 : memref<6272xf32, #tpu.memory_space<vmem_shared>>)
      tpu.yield
    }) : () -> ()
    %barrier3A = arith.constant 0 : index
    tpu.barrier barrier_id(%barrier3A)
    %scan3A_15 = arith.constant 0 : i32
    %scan3A_16 = arith.constant 7 : i32
    %scan3A_17 = arith.addi %scan3A_15, %scan3A_16 : i32
    %scan3A_18 = arith.constant 1 : i32
    scf.for %scan3A_32 = %scan3A_15 to %scan3A_17 step %scan3A_18  : i32 {
      %mul3A_33 = arith.constant 2 : i32
      %mul3A_34 = arith.muli %scan3A_32, %mul3A_33 : i32
      %add3A_35 = arith.constant 0 : i32
      %add3A_36 = arith.addi %add3A_35, %mul3A_34 : i32
      %mul3A_37 = arith.constant 56 : i32
      %mul3A_38 = arith.muli %add3A_36, %mul3A_37 : i32
      "tpu.region"() ({
        %run_scoped3A_99 = tpu.sem_alloc : memref<!tpu.dma_semaphore, #tpu.memory_space<semaphore_mem>>
        %dma_start3A = arith.constant 0 : i32
        %dma_start3A_100 = tpu.memref_slice %arg2[%add3A, %mul3A_38, %dma_start3A] : memref<32x784x128xi32, #tpu.memory_space<hbm>> -> memref<1x56x128xi32, #tpu.memory_space<hbm>>
        %dma_start3A_101 = tpu.memref_squeeze %dma_start3A_100 : memref<1x56x128xi32, #tpu.memory_space<hbm>> -> memref<56x128xi32, #tpu.memory_space<hbm>>
        %dma_start3A_102 = arith.constant 0 : i32
        %dma_start3A_103 = tpu.memref_slice %arg2[%add3A, %mul3A_38, %dma_start3A_102] : memref<32x784x128xi32, #tpu.memory_space<hbm>> -> memref<1x56x128xi32, #tpu.memory_space<hbm>>
        %dma_start3A_104 = tpu.memref_squeeze %dma_start3A_103 : memref<1x56x128xi32, #tpu.memory_space<hbm>> -> memref<56x128xi32, #tpu.memory_space<hbm>>
        tpu.enqueue_dma source(%dma_start3A_104 : memref<56x128xi32, #tpu.memory_space<hbm>>) target(%arg6 : memref<56x128xi32, #tpu.memory_space<vmem>>) target_semaphore(%run_scoped3A_99 : memref<!tpu.dma_semaphore, #tpu.memory_space<semaphore_mem>>)
        %dma_wait3A = arith.constant 0 : i32
        %dma_wait3A_105 = tpu.memref_slice %arg2[%add3A, %mul3A_38, %dma_wait3A] : memref<32x784x128xi32, #tpu.memory_space<hbm>> -> memref<1x56x128xi32, #tpu.memory_space<hbm>>
        %dma_wait3A_106 = tpu.memref_squeeze %dma_wait3A_105 : memref<1x56x128xi32, #tpu.memory_space<hbm>> -> memref<56x128xi32, #tpu.memory_space<hbm>>
        %dma_wait3A_107 = arith.constant 0 : i32
        %dma_wait3A_108 = tpu.memref_slice %arg2[%add3A, %mul3A_38, %dma_wait3A_107] : memref<32x784x128xi32, #tpu.memory_space<hbm>> -> memref<1x56x128xi32, #tpu.memory_space<hbm>>
        %dma_wait3A_109 = tpu.memref_squeeze %dma_wait3A_108 : memref<1x56x128xi32, #tpu.memory_space<hbm>> -> memref<56x128xi32, #tpu.memory_space<hbm>>
        tpu.wait_dma2 semaphore(%run_scoped3A_99 : memref<!tpu.dma_semaphore, #tpu.memory_space<semaphore_mem>>) src(%dma_wait3A_109 : memref<56x128xi32, #tpu.memory_space<hbm>>) dst(%arg6 : memref<56x128xi32, #tpu.memory_space<vmem>>)
        tpu.yield
      }) : () -> ()
      %mul3A_39 = arith.constant 56 : i32
      %mul3A_40 = arith.muli %add3A_36, %mul3A_39 : i32
      "tpu.region"() ({
        %run_scoped3A_99 = tpu.sem_alloc : memref<!tpu.dma_semaphore, #tpu.memory_space<semaphore_mem>>
        %dma_start3A = arith.constant 0 : i32
        %dma_start3A_100 = tpu.memref_slice %arg3[%add3A, %mul3A_40, %dma_start3A] : memref<32x784x128xi32, #tpu.memory_space<hbm>> -> memref<1x56x128xi32, #tpu.memory_space<hbm>>
        %dma_start3A_101 = tpu.memref_squeeze %dma_start3A_100 : memref<1x56x128xi32, #tpu.memory_space<hbm>> -> memref<56x128xi32, #tpu.memory_space<hbm>>
        %dma_start3A_102 = arith.constant 0 : i32
        %dma_start3A_103 = tpu.memref_slice %arg3[%add3A, %mul3A_40, %dma_start3A_102] : memref<32x784x128xi32, #tpu.memory_space<hbm>> -> memref<1x56x128xi32, #tpu.memory_space<hbm>>
        %dma_start3A_104 = tpu.memref_squeeze %dma_start3A_103 : memref<1x56x128xi32, #tpu.memory_space<hbm>> -> memref<56x128xi32, #tpu.memory_space<hbm>>
        tpu.enqueue_dma source(%dma_start3A_104 : memref<56x128xi32, #tpu.memory_space<hbm>>) target(%arg8 : memref<56x128xi32, #tpu.memory_space<vmem>>) target_semaphore(%run_scoped3A_99 : memref<!tpu.dma_semaphore, #tpu.memory_space<semaphore_mem>>)
        %dma_wait3A = arith.constant 0 : i32
        %dma_wait3A_105 = tpu.memref_slice %arg3[%add3A, %mul3A_40, %dma_wait3A] : memref<32x784x128xi32, #tpu.memory_space<hbm>> -> memref<1x56x128xi32, #tpu.memory_space<hbm>>
        %dma_wait3A_106 = tpu.memref_squeeze %dma_wait3A_105 : memref<1x56x128xi32, #tpu.memory_space<hbm>> -> memref<56x128xi32, #tpu.memory_space<hbm>>
        %dma_wait3A_107 = arith.constant 0 : i32
        %dma_wait3A_108 = tpu.memref_slice %arg3[%add3A, %mul3A_40, %dma_wait3A_107] : memref<32x784x128xi32, #tpu.memory_space<hbm>> -> memref<1x56x128xi32, #tpu.memory_space<hbm>>
        %dma_wait3A_109 = tpu.memref_squeeze %dma_wait3A_108 : memref<1x56x128xi32, #tpu.memory_space<hbm>> -> memref<56x128xi32, #tpu.memory_space<hbm>>
        tpu.wait_dma2 semaphore(%run_scoped3A_99 : memref<!tpu.dma_semaphore, #tpu.memory_space<semaphore_mem>>) src(%dma_wait3A_109 : memref<56x128xi32, #tpu.memory_space<hbm>>) dst(%arg8 : memref<56x128xi32, #tpu.memory_space<vmem>>)
        tpu.yield
      }) : () -> ()
      %scan3A_41 = arith.constant 0 : i32
      %scan3A_42 = arith.constant 56 : i32
      %scan3A_43 = arith.addi %scan3A_41, %scan3A_42 : i32
      %scan3A_44 = arith.constant 1 : i32
      scf.for %scan3A_99 = %scan3A_41 to %scan3A_43 step %scan3A_44  : i32 {
        %mul3A_100 = arith.constant 1 : i32
        %mul3A_101 = arith.muli %scan3A_99, %mul3A_100 : i32
        %add3A_102 = arith.constant 0 : i32
        %add3A_103 = arith.addi %add3A_102, %mul3A_101 : i32
        %dma_start3A = arith.constant 0 : i32
        %dma_start3A_104 = tpu.memref_slice %arg12[%add3A_103, %dma_start3A] : memref<56x128xf32, #tpu.memory_space<vmem>> -> memref<1x128xf32, #tpu.memory_space<vmem>>
        %dma_start3A_105 = tpu.memref_squeeze %dma_start3A_104 : memref<1x128xf32, #tpu.memory_space<vmem>> -> memref<128xf32, #tpu.memory_space<vmem>>
        %dma_start3A_106 = arith.constant 0 : i32
        %dma_start3A_107 = tpu.memref_slice %arg6[%add3A_103, %dma_start3A_106] : memref<56x128xi32, #tpu.memory_space<vmem>> -> memref<1x128xi32, #tpu.memory_space<vmem>>
        %dma_start3A_108 = tpu.memref_squeeze %dma_start3A_107 : memref<1x128xi32, #tpu.memory_space<vmem>> -> memref<128xi32, #tpu.memory_space<vmem>>
        %dma_start3A_109 = arith.constant 0 : i32
        %dma_start3A_110 = tpu.memref_slice %arg16[%dma_start3A_109] : memref<100352xf32, #tpu.memory_space<vmem_shared>> -> memref<100352xf32, #tpu.memory_space<vmem_shared>>
        tpu.enqueue_indirect_dma source(%dma_start3A_110 : memref<100352xf32, #tpu.memory_space<vmem_shared>>) target(%dma_start3A_105 : memref<128xf32, #tpu.memory_space<vmem>>) offsets(%dma_start3A_108 : memref<128xi32, #tpu.memory_space<vmem>>) semaphore(%arg17 : memref<!tpu.dma_semaphore, #tpu.memory_space<semaphore_mem>>)
      }
      %scan3A_45 = arith.constant 56 : i32
      %add3A_46 = arith.constant 1 : i32
      %add3A_47 = arith.addi %add3A_36, %add3A_46 : i32
      %mul3A_48 = arith.constant 56 : i32
      %mul3A_49 = arith.muli %add3A_47, %mul3A_48 : i32
      "tpu.region"() ({
        %run_scoped3A_99 = tpu.sem_alloc : memref<!tpu.dma_semaphore, #tpu.memory_space<semaphore_mem>>
        %dma_start3A = arith.constant 0 : i32
        %dma_start3A_100 = tpu.memref_slice %arg2[%add3A, %mul3A_49, %dma_start3A] : memref<32x784x128xi32, #tpu.memory_space<hbm>> -> memref<1x56x128xi32, #tpu.memory_space<hbm>>
        %dma_start3A_101 = tpu.memref_squeeze %dma_start3A_100 : memref<1x56x128xi32, #tpu.memory_space<hbm>> -> memref<56x128xi32, #tpu.memory_space<hbm>>
        %dma_start3A_102 = arith.constant 0 : i32
        %dma_start3A_103 = tpu.memref_slice %arg2[%add3A, %mul3A_49, %dma_start3A_102] : memref<32x784x128xi32, #tpu.memory_space<hbm>> -> memref<1x56x128xi32, #tpu.memory_space<hbm>>
        %dma_start3A_104 = tpu.memref_squeeze %dma_start3A_103 : memref<1x56x128xi32, #tpu.memory_space<hbm>> -> memref<56x128xi32, #tpu.memory_space<hbm>>
        tpu.enqueue_dma source(%dma_start3A_104 : memref<56x128xi32, #tpu.memory_space<hbm>>) target(%arg7 : memref<56x128xi32, #tpu.memory_space<vmem>>) target_semaphore(%run_scoped3A_99 : memref<!tpu.dma_semaphore, #tpu.memory_space<semaphore_mem>>)
        %dma_wait3A = arith.constant 0 : i32
        %dma_wait3A_105 = tpu.memref_slice %arg2[%add3A, %mul3A_49, %dma_wait3A] : memref<32x784x128xi32, #tpu.memory_space<hbm>> -> memref<1x56x128xi32, #tpu.memory_space<hbm>>
        %dma_wait3A_106 = tpu.memref_squeeze %dma_wait3A_105 : memref<1x56x128xi32, #tpu.memory_space<hbm>> -> memref<56x128xi32, #tpu.memory_space<hbm>>
        %dma_wait3A_107 = arith.constant 0 : i32
        %dma_wait3A_108 = tpu.memref_slice %arg2[%add3A, %mul3A_49, %dma_wait3A_107] : memref<32x784x128xi32, #tpu.memory_space<hbm>> -> memref<1x56x128xi32, #tpu.memory_space<hbm>>
        %dma_wait3A_109 = tpu.memref_squeeze %dma_wait3A_108 : memref<1x56x128xi32, #tpu.memory_space<hbm>> -> memref<56x128xi32, #tpu.memory_space<hbm>>
        tpu.wait_dma2 semaphore(%run_scoped3A_99 : memref<!tpu.dma_semaphore, #tpu.memory_space<semaphore_mem>>) src(%dma_wait3A_109 : memref<56x128xi32, #tpu.memory_space<hbm>>) dst(%arg7 : memref<56x128xi32, #tpu.memory_space<vmem>>)
        tpu.yield
      }) : () -> ()
      %add3A_50 = arith.constant 1 : i32
      %add3A_51 = arith.addi %add3A_36, %add3A_50 : i32
      %mul3A_52 = arith.constant 56 : i32
      %mul3A_53 = arith.muli %add3A_51, %mul3A_52 : i32
      "tpu.region"() ({
        %run_scoped3A_99 = tpu.sem_alloc : memref<!tpu.dma_semaphore, #tpu.memory_space<semaphore_mem>>
        %dma_start3A = arith.constant 0 : i32
        %dma_start3A_100 = tpu.memref_slice %arg3[%add3A, %mul3A_53, %dma_start3A] : memref<32x784x128xi32, #tpu.memory_space<hbm>> -> memref<1x56x128xi32, #tpu.memory_space<hbm>>
        %dma_start3A_101 = tpu.memref_squeeze %dma_start3A_100 : memref<1x56x128xi32, #tpu.memory_space<hbm>> -> memref<56x128xi32, #tpu.memory_space<hbm>>
        %dma_start3A_102 = arith.constant 0 : i32
        %dma_start3A_103 = tpu.memref_slice %arg3[%add3A, %mul3A_53, %dma_start3A_102] : memref<32x784x128xi32, #tpu.memory_space<hbm>> -> memref<1x56x128xi32, #tpu.memory_space<hbm>>
        %dma_start3A_104 = tpu.memref_squeeze %dma_start3A_103 : memref<1x56x128xi32, #tpu.memory_space<hbm>> -> memref<56x128xi32, #tpu.memory_space<hbm>>
        tpu.enqueue_dma source(%dma_start3A_104 : memref<56x128xi32, #tpu.memory_space<hbm>>) target(%arg9 : memref<56x128xi32, #tpu.memory_space<vmem>>) target_semaphore(%run_scoped3A_99 : memref<!tpu.dma_semaphore, #tpu.memory_space<semaphore_mem>>)
        %dma_wait3A = arith.constant 0 : i32
        %dma_wait3A_105 = tpu.memref_slice %arg3[%add3A, %mul3A_53, %dma_wait3A] : memref<32x784x128xi32, #tpu.memory_space<hbm>> -> memref<1x56x128xi32, #tpu.memory_space<hbm>>
        %dma_wait3A_106 = tpu.memref_squeeze %dma_wait3A_105 : memref<1x56x128xi32, #tpu.memory_space<hbm>> -> memref<56x128xi32, #tpu.memory_space<hbm>>
        %dma_wait3A_107 = arith.constant 0 : i32
        %dma_wait3A_108 = tpu.memref_slice %arg3[%add3A, %mul3A_53, %dma_wait3A_107] : memref<32x784x128xi32, #tpu.memory_space<hbm>> -> memref<1x56x128xi32, #tpu.memory_space<hbm>>
        %dma_wait3A_109 = tpu.memref_squeeze %dma_wait3A_108 : memref<1x56x128xi32, #tpu.memory_space<hbm>> -> memref<56x128xi32, #tpu.memory_space<hbm>>
        tpu.wait_dma2 semaphore(%run_scoped3A_99 : memref<!tpu.dma_semaphore, #tpu.memory_space<semaphore_mem>>) src(%dma_wait3A_109 : memref<56x128xi32, #tpu.memory_space<hbm>>) dst(%arg9 : memref<56x128xi32, #tpu.memory_space<vmem>>)
        tpu.yield
      }) : () -> ()
      %scan3A_54 = arith.constant 0 : i32
      %scan3A_55 = arith.constant 56 : i32
      %scan3A_56 = arith.addi %scan3A_54, %scan3A_55 : i32
      %scan3A_57 = arith.constant 1 : i32
      scf.for %scan3A_99 = %scan3A_54 to %scan3A_56 step %scan3A_57  : i32 {
        %mul3A_100 = arith.constant 1 : i32
        %mul3A_101 = arith.muli %scan3A_99, %mul3A_100 : i32
        %add3A_102 = arith.constant 0 : i32
        %add3A_103 = arith.addi %add3A_102, %mul3A_101 : i32
        %dma_start3A = arith.constant 0 : i32
        %dma_start3A_104 = tpu.memref_slice %arg13[%add3A_103, %dma_start3A] : memref<56x128xf32, #tpu.memory_space<vmem>> -> memref<1x128xf32, #tpu.memory_space<vmem>>
        %dma_start3A_105 = tpu.memref_squeeze %dma_start3A_104 : memref<1x128xf32, #tpu.memory_space<vmem>> -> memref<128xf32, #tpu.memory_space<vmem>>
        %dma_start3A_106 = arith.constant 0 : i32
        %dma_start3A_107 = tpu.memref_slice %arg7[%add3A_103, %dma_start3A_106] : memref<56x128xi32, #tpu.memory_space<vmem>> -> memref<1x128xi32, #tpu.memory_space<vmem>>
        %dma_start3A_108 = tpu.memref_squeeze %dma_start3A_107 : memref<1x128xi32, #tpu.memory_space<vmem>> -> memref<128xi32, #tpu.memory_space<vmem>>
        %dma_start3A_109 = arith.constant 0 : i32
        %dma_start3A_110 = tpu.memref_slice %arg16[%dma_start3A_109] : memref<100352xf32, #tpu.memory_space<vmem_shared>> -> memref<100352xf32, #tpu.memory_space<vmem_shared>>
        tpu.enqueue_indirect_dma source(%dma_start3A_110 : memref<100352xf32, #tpu.memory_space<vmem_shared>>) target(%dma_start3A_105 : memref<128xf32, #tpu.memory_space<vmem>>) offsets(%dma_start3A_108 : memref<128xi32, #tpu.memory_space<vmem>>) semaphore(%arg18 : memref<!tpu.dma_semaphore, #tpu.memory_space<semaphore_mem>>)
      }
      %scan3A_58 = arith.constant 56 : i32
      %scan3A_59 = arith.constant 0 : i32
      %scan3A_60 = arith.constant 56 : i32
      %scan3A_61 = arith.addi %scan3A_59, %scan3A_60 : i32
      %scan3A_62 = arith.constant 1 : i32
      scf.for %scan3A_99 = %scan3A_59 to %scan3A_61 step %scan3A_62  : i32 {
        %mul3A_100 = arith.constant 1 : i32
        %mul3A_101 = arith.muli %scan3A_99, %mul3A_100 : i32
        %add3A_102 = arith.constant 0 : i32
        %add3A_103 = arith.addi %add3A_102, %mul3A_101 : i32
        %dma_wait3A = arith.constant 0 : i32
        %dma_wait3A_104 = tpu.memref_slice %arg12[%add3A_103, %dma_wait3A] : memref<56x128xf32, #tpu.memory_space<vmem>> -> memref<1x128xf32, #tpu.memory_space<vmem>>
        %dma_wait3A_105 = tpu.memref_squeeze %dma_wait3A_104 : memref<1x128xf32, #tpu.memory_space<vmem>> -> memref<128xf32, #tpu.memory_space<vmem>>
        %dma_wait3A_106 = arith.constant 0 : i32
        %dma_wait3A_107 = tpu.memref_slice %arg6[%add3A_103, %dma_wait3A_106] : memref<56x128xi32, #tpu.memory_space<vmem>> -> memref<1x128xi32, #tpu.memory_space<vmem>>
        %dma_wait3A_108 = tpu.memref_squeeze %dma_wait3A_107 : memref<1x128xi32, #tpu.memory_space<vmem>> -> memref<128xi32, #tpu.memory_space<vmem>>
        %dma_wait3A_109 = arith.constant 0 : i32
        %dma_wait3A_110 = tpu.memref_slice %arg16[%dma_wait3A_109] : memref<100352xf32, #tpu.memory_space<vmem_shared>> -> memref<100352xf32, #tpu.memory_space<vmem_shared>>
        tpu.wait_indirect_dma semaphore(%arg17 : memref<!tpu.dma_semaphore, #tpu.memory_space<semaphore_mem>>) src(%dma_wait3A_110 : memref<100352xf32, #tpu.memory_space<vmem_shared>>) dst(%dma_wait3A_105 : memref<128xf32, #tpu.memory_space<vmem>>)
      }
      %scan3A_63 = arith.constant 56 : i32
      %scan3A_64 = arith.constant 0 : i32
      %scan3A_65 = arith.constant 56 : i32
      %scan3A_66 = arith.addi %scan3A_64, %scan3A_65 : i32
      %scan3A_67 = arith.constant 1 : i32
      scf.for %scan3A_99 = %scan3A_64 to %scan3A_66 step %scan3A_67  : i32 {
        %mul3A_100 = arith.constant 1 : i32
        %mul3A_101 = arith.muli %scan3A_99, %mul3A_100 : i32
        %add3A_102 = arith.constant 0 : i32
        %add3A_103 = arith.addi %add3A_102, %mul3A_101 : i32
        %scan3A_104 = arith.constant 0 : i32
        %scan3A_105 = arith.constant 8 : i32
        %scan3A_106 = arith.addi %scan3A_104, %scan3A_105 : i32
        %scan3A_107 = arith.constant 1 : i32
        scf.for %scan3A_109 = %scan3A_104 to %scan3A_106 step %scan3A_107  : i32 {
          %mul3A_110 = arith.constant 16 : i32
          %mul3A_111 = arith.muli %scan3A_109, %mul3A_110 : i32
          %add3A_112 = arith.constant 0 : i32
          %add3A_113 = arith.addi %add3A_112, %mul3A_111 : i32
          %get3A = arith.constant 0 : i32
          %get3A_114 = tpu.memref_slice %arg12[%add3A_103, %get3A] : memref<56x128xf32, #tpu.memory_space<vmem>> -> memref<1x128xf32, #tpu.memory_space<vmem>>
          %get3A_115 = tpu.memref_squeeze %get3A_114 : memref<1x128xf32, #tpu.memory_space<vmem>> -> memref<128xf32, #tpu.memory_space<vmem>>
          %get3A_116 = arith.index_cast %add3A_113 : i32 to index
          %get3A_117 = tpu.vector_load %get3A_115[%get3A_116] {strides = array<i32>} : memref<128xf32, #tpu.memory_space<vmem>>, vector<16xf32>,
          %get3A_118 = vector.shape_cast %get3A_117 : vector<16xf32> to vector<16xf32>
          %lt3A = arith.constant 0.000000e+00 : f32
          %lt3A_119 = vector.broadcast %lt3A : f32 to vector<16xf32>
          %lt3A_120 = arith.cmpf olt, %get3A_118, %lt3A_119 : vector<16xf32>
          %jit3A = arith.constant 100352 : i32
          %jit3A_121 = arith.constant 0 : i32
          %broadcast_in_dim3A = vector.broadcast %jit3A : i32 to vector<16xi32>
          %broadcast_in_dim3A_122 = vector.broadcast %jit3A_121 : i32 to vector<16xi32>
          %select_n3A = arith.select %lt3A_120, %broadcast_in_dim3A, %broadcast_in_dim3A_122 : vector<16xi1>, vector<16xi32>
          %get3A_123 = arith.constant 0 : i32
          %get3A_124 = tpu.memref_slice %arg8[%add3A_103, %get3A_123] : memref<56x128xi32, #tpu.memory_space<vmem>> -> memref<1x128xi32, #tpu.memory_space<vmem>>
          %get3A_125 = tpu.memref_squeeze %get3A_124 : memref<1x128xi32, #tpu.memory_space<vmem>> -> memref<128xi32, #tpu.memory_space<vmem>>
          %get3A_126 = arith.index_cast %add3A_113 : i32 to index
          %get3A_127 = tpu.vector_load %get3A_125[%get3A_126] {strides = array<i32>} : memref<128xi32, #tpu.memory_space<vmem>>, vector<16xi32>,
          %get3A_128 = vector.shape_cast %get3A_127 : vector<16xi32> to vector<16xi32>
          %add3A_129 = arith.addi %get3A_128, %select_n3A : vector<16xi32>
          %swap3A = arith.constant 0 : i32
          %swap3A_130 = tpu.memref_slice %arg10[%add3A_103, %swap3A] : memref<56x128xi32, #tpu.memory_space<vmem>> -> memref<1x128xi32, #tpu.memory_space<vmem>>
          %swap3A_131 = tpu.memref_squeeze %swap3A_130 : memref<1x128xi32, #tpu.memory_space<vmem>> -> memref<128xi32, #tpu.memory_space<vmem>>
          %swap3A_132 = arith.index_cast %add3A_113 : i32 to index
          %swap3A_133 = tpu.vector_load %swap3A_131[%swap3A_132] {strides = array<i32>} : memref<128xi32, #tpu.memory_space<vmem>>, vector<16xi32>,
          %swap3A_134 = vector.shape_cast %swap3A_133 : vector<16xi32> to vector<16xi32>
          %swap3A_135 = vector.shape_cast %add3A_129 : vector<16xi32> to vector<16xi32>
          tpu.vector_store %swap3A_131[%swap3A_132], %swap3A_135 {strides = array<i32>} : memref<128xi32, #tpu.memory_space<vmem>>, vector<16xi32>,
          %abs3A = math.absf %get3A_118 : vector<16xf32>
          %swap3A_136 = arith.constant 0 : i32
          %swap3A_137 = tpu.memref_slice %arg12[%add3A_103, %swap3A_136] : memref<56x128xf32, #tpu.memory_space<vmem>> -> memref<1x128xf32, #tpu.memory_space<vmem>>
          %swap3A_138 = tpu.memref_squeeze %swap3A_137 : memref<1x128xf32, #tpu.memory_space<vmem>> -> memref<128xf32, #tpu.memory_space<vmem>>
          %swap3A_139 = arith.index_cast %add3A_113 : i32 to index
          %swap3A_140 = tpu.vector_load %swap3A_138[%swap3A_139] {strides = array<i32>} : memref<128xf32, #tpu.memory_space<vmem>>, vector<16xf32>,
          %swap3A_141 = vector.shape_cast %swap3A_140 : vector<16xf32> to vector<16xf32>
          %swap3A_142 = vector.shape_cast %abs3A : vector<16xf32> to vector<16xf32>
          tpu.vector_store %swap3A_138[%swap3A_139], %swap3A_142 {strides = array<i32>} : memref<128xf32, #tpu.memory_space<vmem>>, vector<16xf32>,
        }
        %scan3A_108 = arith.constant 8 : i32
      }
      %scan3A_68 = arith.constant 56 : i32
      %scan3A_69 = arith.constant 0 : i32
      %scan3A_70 = arith.constant 56 : i32
      %scan3A_71 = arith.addi %scan3A_69, %scan3A_70 : i32
      %scan3A_72 = arith.constant 1 : i32
      scf.for %scan3A_99 = %scan3A_69 to %scan3A_71 step %scan3A_72  : i32 {
        %mul3A_100 = arith.constant 1 : i32
        %mul3A_101 = arith.muli %scan3A_99, %mul3A_100 : i32
        %add3A_102 = arith.constant 0 : i32
        %add3A_103 = arith.addi %add3A_102, %mul3A_101 : i32
        %dma_start3A = arith.constant 0 : i32
        %dma_start3A_104 = tpu.memref_slice %arg12[%add3A_103, %dma_start3A] : memref<56x128xf32, #tpu.memory_space<vmem>> -> memref<1x128xf32, #tpu.memory_space<vmem>>
        %dma_start3A_105 = tpu.memref_squeeze %dma_start3A_104 : memref<1x128xf32, #tpu.memory_space<vmem>> -> memref<128xf32, #tpu.memory_space<vmem>>
        %dma_start3A_106 = arith.constant 0 : i32
        %dma_start3A_107 = tpu.memref_slice %arg10[%add3A_103, %dma_start3A_106] : memref<56x128xi32, #tpu.memory_space<vmem>> -> memref<1x128xi32, #tpu.memory_space<vmem>>
        %dma_start3A_108 = tpu.memref_squeeze %dma_start3A_107 : memref<1x128xi32, #tpu.memory_space<vmem>> -> memref<128xi32, #tpu.memory_space<vmem>>
        %dma_start3A_109 = arith.constant 0 : i32
        %dma_start3A_110 = tpu.memref_slice %arg15[%dma_start3A_109] : memref<200704xf32, #tpu.memory_space<vmem_shared>> -> memref<200704xf32, #tpu.memory_space<vmem_shared>>
        tpu.enqueue_indirect_dma source(%dma_start3A_105 : memref<128xf32, #tpu.memory_space<vmem>>) target(%dma_start3A_110 : memref<200704xf32, #tpu.memory_space<vmem_shared>>) offsets(%dma_start3A_108 : memref<128xi32, #tpu.memory_space<vmem>>) semaphore(%arg19 : memref<!tpu.dma_semaphore, #tpu.memory_space<semaphore_mem>>) {add = true}
      }
      %scan3A_73 = arith.constant 56 : i32
      %scan3A_74 = arith.constant 0 : i32
      %scan3A_75 = arith.constant 56 : i32
      %scan3A_76 = arith.addi %scan3A_74, %scan3A_75 : i32
      %scan3A_77 = arith.constant 1 : i32
      scf.for %scan3A_99 = %scan3A_74 to %scan3A_76 step %scan3A_77  : i32 {
        %mul3A_100 = arith.constant 1 : i32
        %mul3A_101 = arith.muli %scan3A_99, %mul3A_100 : i32
        %add3A_102 = arith.constant 0 : i32
        %add3A_103 = arith.addi %add3A_102, %mul3A_101 : i32
        %dma_wait3A = arith.constant 0 : i32
        %dma_wait3A_104 = tpu.memref_slice %arg13[%add3A_103, %dma_wait3A] : memref<56x128xf32, #tpu.memory_space<vmem>> -> memref<1x128xf32, #tpu.memory_space<vmem>>
        %dma_wait3A_105 = tpu.memref_squeeze %dma_wait3A_104 : memref<1x128xf32, #tpu.memory_space<vmem>> -> memref<128xf32, #tpu.memory_space<vmem>>
        %dma_wait3A_106 = arith.constant 0 : i32
        %dma_wait3A_107 = tpu.memref_slice %arg7[%add3A_103, %dma_wait3A_106] : memref<56x128xi32, #tpu.memory_space<vmem>> -> memref<1x128xi32, #tpu.memory_space<vmem>>
        %dma_wait3A_108 = tpu.memref_squeeze %dma_wait3A_107 : memref<1x128xi32, #tpu.memory_space<vmem>> -> memref<128xi32, #tpu.memory_space<vmem>>
        %dma_wait3A_109 = arith.constant 0 : i32
        %dma_wait3A_110 = tpu.memref_slice %arg16[%dma_wait3A_109] : memref<100352xf32, #tpu.memory_space<vmem_shared>> -> memref<100352xf32, #tpu.memory_space<vmem_shared>>
        tpu.wait_indirect_dma semaphore(%arg18 : memref<!tpu.dma_semaphore, #tpu.memory_space<semaphore_mem>>) src(%dma_wait3A_110 : memref<100352xf32, #tpu.memory_space<vmem_shared>>) dst(%dma_wait3A_105 : memref<128xf32, #tpu.memory_space<vmem>>)
      }
      %scan3A_78 = arith.constant 56 : i32
      %scan3A_79 = arith.constant 0 : i32
      %scan3A_80 = arith.constant 56 : i32
      %scan3A_81 = arith.addi %scan3A_79, %scan3A_80 : i32
      %scan3A_82 = arith.constant 1 : i32
      scf.for %scan3A_99 = %scan3A_79 to %scan3A_81 step %scan3A_82  : i32 {
        %mul3A_100 = arith.constant 1 : i32
        %mul3A_101 = arith.muli %scan3A_99, %mul3A_100 : i32
        %add3A_102 = arith.constant 0 : i32
        %add3A_103 = arith.addi %add3A_102, %mul3A_101 : i32
        %scan3A_104 = arith.constant 0 : i32
        %scan3A_105 = arith.constant 8 : i32
        %scan3A_106 = arith.addi %scan3A_104, %scan3A_105 : i32
        %scan3A_107 = arith.constant 1 : i32
        scf.for %scan3A_109 = %scan3A_104 to %scan3A_106 step %scan3A_107  : i32 {
          %mul3A_110 = arith.constant 16 : i32
          %mul3A_111 = arith.muli %scan3A_109, %mul3A_110 : i32
          %add3A_112 = arith.constant 0 : i32
          %add3A_113 = arith.addi %add3A_112, %mul3A_111 : i32
          %get3A = arith.constant 0 : i32
          %get3A_114 = tpu.memref_slice %arg13[%add3A_103, %get3A] : memref<56x128xf32, #tpu.memory_space<vmem>> -> memref<1x128xf32, #tpu.memory_space<vmem>>
          %get3A_115 = tpu.memref_squeeze %get3A_114 : memref<1x128xf32, #tpu.memory_space<vmem>> -> memref<128xf32, #tpu.memory_space<vmem>>
          %get3A_116 = arith.index_cast %add3A_113 : i32 to index
          %get3A_117 = tpu.vector_load %get3A_115[%get3A_116] {strides = array<i32>} : memref<128xf32, #tpu.memory_space<vmem>>, vector<16xf32>,
          %get3A_118 = vector.shape_cast %get3A_117 : vector<16xf32> to vector<16xf32>
          %lt3A = arith.constant 0.000000e+00 : f32
          %lt3A_119 = vector.broadcast %lt3A : f32 to vector<16xf32>
          %lt3A_120 = arith.cmpf olt, %get3A_118, %lt3A_119 : vector<16xf32>
          %jit3A = arith.constant 100352 : i32
          %jit3A_121 = arith.constant 0 : i32
          %broadcast_in_dim3A = vector.broadcast %jit3A : i32 to vector<16xi32>
          %broadcast_in_dim3A_122 = vector.broadcast %jit3A_121 : i32 to vector<16xi32>
          %select_n3A = arith.select %lt3A_120, %broadcast_in_dim3A, %broadcast_in_dim3A_122 : vector<16xi1>, vector<16xi32>
          %get3A_123 = arith.constant 0 : i32
          %get3A_124 = tpu.memref_slice %arg9[%add3A_103, %get3A_123] : memref<56x128xi32, #tpu.memory_space<vmem>> -> memref<1x128xi32, #tpu.memory_space<vmem>>
          %get3A_125 = tpu.memref_squeeze %get3A_124 : memref<1x128xi32, #tpu.memory_space<vmem>> -> memref<128xi32, #tpu.memory_space<vmem>>
          %get3A_126 = arith.index_cast %add3A_113 : i32 to index
          %get3A_127 = tpu.vector_load %get3A_125[%get3A_126] {strides = array<i32>} : memref<128xi32, #tpu.memory_space<vmem>>, vector<16xi32>,
          %get3A_128 = vector.shape_cast %get3A_127 : vector<16xi32> to vector<16xi32>
          %add3A_129 = arith.addi %get3A_128, %select_n3A : vector<16xi32>
          %swap3A = arith.constant 0 : i32
          %swap3A_130 = tpu.memref_slice %arg11[%add3A_103, %swap3A] : memref<56x128xi32, #tpu.memory_space<vmem>> -> memref<1x128xi32, #tpu.memory_space<vmem>>
          %swap3A_131 = tpu.memref_squeeze %swap3A_130 : memref<1x128xi32, #tpu.memory_space<vmem>> -> memref<128xi32, #tpu.memory_space<vmem>>
          %swap3A_132 = arith.index_cast %add3A_113 : i32 to index
          %swap3A_133 = tpu.vector_load %swap3A_131[%swap3A_132] {strides = array<i32>} : memref<128xi32, #tpu.memory_space<vmem>>, vector<16xi32>,
          %swap3A_134 = vector.shape_cast %swap3A_133 : vector<16xi32> to vector<16xi32>
          %swap3A_135 = vector.shape_cast %add3A_129 : vector<16xi32> to vector<16xi32>
          tpu.vector_store %swap3A_131[%swap3A_132], %swap3A_135 {strides = array<i32>} : memref<128xi32, #tpu.memory_space<vmem>>, vector<16xi32>,
          %abs3A = math.absf %get3A_118 : vector<16xf32>
          %swap3A_136 = arith.constant 0 : i32
          %swap3A_137 = tpu.memref_slice %arg13[%add3A_103, %swap3A_136] : memref<56x128xf32, #tpu.memory_space<vmem>> -> memref<1x128xf32, #tpu.memory_space<vmem>>
          %swap3A_138 = tpu.memref_squeeze %swap3A_137 : memref<1x128xf32, #tpu.memory_space<vmem>> -> memref<128xf32, #tpu.memory_space<vmem>>
          %swap3A_139 = arith.index_cast %add3A_113 : i32 to index
          %swap3A_140 = tpu.vector_load %swap3A_138[%swap3A_139] {strides = array<i32>} : memref<128xf32, #tpu.memory_space<vmem>>, vector<16xf32>,
          %swap3A_141 = vector.shape_cast %swap3A_140 : vector<16xf32> to vector<16xf32>
          %swap3A_142 = vector.shape_cast %abs3A : vector<16xf32> to vector<16xf32>
          tpu.vector_store %swap3A_138[%swap3A_139], %swap3A_142 {strides = array<i32>} : memref<128xf32, #tpu.memory_space<vmem>>, vector<16xf32>,
        }
        %scan3A_108 = arith.constant 8 : i32
      }
      %scan3A_83 = arith.constant 56 : i32
      %scan3A_84 = arith.constant 0 : i32
      %scan3A_85 = arith.constant 56 : i32
      %scan3A_86 = arith.addi %scan3A_84, %scan3A_85 : i32
      %scan3A_87 = arith.constant 1 : i32
      scf.for %scan3A_99 = %scan3A_84 to %scan3A_86 step %scan3A_87  : i32 {
        %mul3A_100 = arith.constant 1 : i32
        %mul3A_101 = arith.muli %scan3A_99, %mul3A_100 : i32
        %add3A_102 = arith.constant 0 : i32
        %add3A_103 = arith.addi %add3A_102, %mul3A_101 : i32
        %dma_start3A = arith.constant 0 : i32
        %dma_start3A_104 = tpu.memref_slice %arg13[%add3A_103, %dma_start3A] : memref<56x128xf32, #tpu.memory_space<vmem>> -> memref<1x128xf32, #tpu.memory_space<vmem>>
        %dma_start3A_105 = tpu.memref_squeeze %dma_start3A_104 : memref<1x128xf32, #tpu.memory_space<vmem>> -> memref<128xf32, #tpu.memory_space<vmem>>
        %dma_start3A_106 = arith.constant 0 : i32
        %dma_start3A_107 = tpu.memref_slice %arg11[%add3A_103, %dma_start3A_106] : memref<56x128xi32, #tpu.memory_space<vmem>> -> memref<1x128xi32, #tpu.memory_space<vmem>>
        %dma_start3A_108 = tpu.memref_squeeze %dma_start3A_107 : memref<1x128xi32, #tpu.memory_space<vmem>> -> memref<128xi32, #tpu.memory_space<vmem>>
        %dma_start3A_109 = arith.constant 0 : i32
        %dma_start3A_110 = tpu.memref_slice %arg15[%dma_start3A_109] : memref<200704xf32, #tpu.memory_space<vmem_shared>> -> memref<200704xf32, #tpu.memory_space<vmem_shared>>
        tpu.enqueue_indirect_dma source(%dma_start3A_105 : memref<128xf32, #tpu.memory_space<vmem>>) target(%dma_start3A_110 : memref<200704xf32, #tpu.memory_space<vmem_shared>>) offsets(%dma_start3A_108 : memref<128xi32, #tpu.memory_space<vmem>>) semaphore(%arg20 : memref<!tpu.dma_semaphore, #tpu.memory_space<semaphore_mem>>) {add = true}
      }
      %scan3A_88 = arith.constant 56 : i32
      %scan3A_89 = arith.constant 0 : i32
      %scan3A_90 = arith.constant 56 : i32
      %scan3A_91 = arith.addi %scan3A_89, %scan3A_90 : i32
      %scan3A_92 = arith.constant 1 : i32
      scf.for %scan3A_99 = %scan3A_89 to %scan3A_91 step %scan3A_92  : i32 {
        %mul3A_100 = arith.constant 1 : i32
        %mul3A_101 = arith.muli %scan3A_99, %mul3A_100 : i32
        %add3A_102 = arith.constant 0 : i32
        %add3A_103 = arith.addi %add3A_102, %mul3A_101 : i32
        %dma_wait3A = arith.constant 0 : i32
        %dma_wait3A_104 = tpu.memref_slice %arg12[%add3A_103, %dma_wait3A] : memref<56x128xf32, #tpu.memory_space<vmem>> -> memref<1x128xf32, #tpu.memory_space<vmem>>
        %dma_wait3A_105 = tpu.memref_squeeze %dma_wait3A_104 : memref<1x128xf32, #tpu.memory_space<vmem>> -> memref<128xf32, #tpu.memory_space<vmem>>
        %dma_wait3A_106 = arith.constant 0 : i32
        %dma_wait3A_107 = tpu.memref_slice %arg10[%add3A_103, %dma_wait3A_106] : memref<56x128xi32, #tpu.memory_space<vmem>> -> memref<1x128xi32, #tpu.memory_space<vmem>>
        %dma_wait3A_108 = tpu.memref_squeeze %dma_wait3A_107 : memref<1x128xi32, #tpu.memory_space<vmem>> -> memref<128xi32, #tpu.memory_space<vmem>>
        %dma_wait3A_109 = arith.constant 0 : i32
        %dma_wait3A_110 = tpu.memref_slice %arg15[%dma_wait3A_109] : memref<200704xf32, #tpu.memory_space<vmem_shared>> -> memref<200704xf32, #tpu.memory_space<vmem_shared>>
        tpu.wait_indirect_dma semaphore(%arg19 : memref<!tpu.dma_semaphore, #tpu.memory_space<semaphore_mem>>) src(%dma_wait3A_105 : memref<128xf32, #tpu.memory_space<vmem>>) dst(%dma_wait3A_110 : memref<200704xf32, #tpu.memory_space<vmem_shared>>)
      }
      %scan3A_93 = arith.constant 56 : i32
      %scan3A_94 = arith.constant 0 : i32
      %scan3A_95 = arith.constant 56 : i32
      %scan3A_96 = arith.addi %scan3A_94, %scan3A_95 : i32
      %scan3A_97 = arith.constant 1 : i32
      scf.for %scan3A_99 = %scan3A_94 to %scan3A_96 step %scan3A_97  : i32 {
        %mul3A_100 = arith.constant 1 : i32
        %mul3A_101 = arith.muli %scan3A_99, %mul3A_100 : i32
        %add3A_102 = arith.constant 0 : i32
        %add3A_103 = arith.addi %add3A_102, %mul3A_101 : i32
        %dma_wait3A = arith.constant 0 : i32
        %dma_wait3A_104 = tpu.memref_slice %arg13[%add3A_103, %dma_wait3A] : memref<56x128xf32, #tpu.memory_space<vmem>> -> memref<1x128xf32, #tpu.memory_space<vmem>>
        %dma_wait3A_105 = tpu.memref_squeeze %dma_wait3A_104 : memref<1x128xf32, #tpu.memory_space<vmem>> -> memref<128xf32, #tpu.memory_space<vmem>>
        %dma_wait3A_106 = arith.constant 0 : i32
        %dma_wait3A_107 = tpu.memref_slice %arg11[%add3A_103, %dma_wait3A_106] : memref<56x128xi32, #tpu.memory_space<vmem>> -> memref<1x128xi32, #tpu.memory_space<vmem>>
        %dma_wait3A_108 = tpu.memref_squeeze %dma_wait3A_107 : memref<1x128xi32, #tpu.memory_space<vmem>> -> memref<128xi32, #tpu.memory_space<vmem>>
        %dma_wait3A_109 = arith.constant 0 : i32
        %dma_wait3A_110 = tpu.memref_slice %arg15[%dma_wait3A_109] : memref<200704xf32, #tpu.memory_space<vmem_shared>> -> memref<200704xf32, #tpu.memory_space<vmem_shared>>
        tpu.wait_indirect_dma semaphore(%arg20 : memref<!tpu.dma_semaphore, #tpu.memory_space<semaphore_mem>>) src(%dma_wait3A_105 : memref<128xf32, #tpu.memory_space<vmem>>) dst(%dma_wait3A_110 : memref<200704xf32, #tpu.memory_space<vmem_shared>>)
      }
      %scan3A_98 = arith.constant 56 : i32
    }
    %scan3A_19 = arith.constant 7 : i32
    %barrier3A_20 = arith.constant 0 : index
    tpu.barrier barrier_id(%barrier3A_20)
    %mul3A_21 = arith.constant 6272 : i32
    %mul3A_22 = arith.muli %arg1, %mul3A_21 : i32
    %mul3A_23 = arith.constant 6272 : i32
    %mul3A_24 = arith.muli %arg1, %mul3A_23 : i32
    %run_scoped3A = arith.constant 0 : i32
    "tpu.region"() ({
      %run_scoped3A_32 = tpu.sem_alloc : memref<!tpu.dma_semaphore, #tpu.memory_space<semaphore_mem>>
      %dma_start3A = tpu.memref_slice %arg5[%arg0, %run_scoped3A, %mul3A_24] : memref<2x2x100352xf32, #tpu.memory_space<hbm>> -> memref<1x1x6272xf32, #tpu.memory_space<hbm>>
      %dma_start3A_33 = tpu.memref_squeeze %dma_start3A : memref<1x1x6272xf32, #tpu.memory_space<hbm>> -> memref<6272xf32, #tpu.memory_space<hbm>>
      %dma_start3A_34 = tpu.memref_slice %arg15[%mul3A_22] : memref<200704xf32, #tpu.memory_space<vmem_shared>> -> memref<6272xf32, #tpu.memory_space<vmem_shared>>
      tpu.enqueue_dma source(%dma_start3A_34 : memref<6272xf32, #tpu.memory_space<vmem_shared>>) target(%dma_start3A_33 : memref<6272xf32, #tpu.memory_space<hbm>>) target_semaphore(%run_scoped3A_32 : memref<!tpu.dma_semaphore, #tpu.memory_space<semaphore_mem>>)
      %dma_wait3A = tpu.memref_slice %arg5[%arg0, %run_scoped3A, %mul3A_24] : memref<2x2x100352xf32, #tpu.memory_space<hbm>> -> memref<1x1x6272xf32, #tpu.memory_space<hbm>>
      %dma_wait3A_35 = tpu.memref_squeeze %dma_wait3A : memref<1x1x6272xf32, #tpu.memory_space<hbm>> -> memref<6272xf32, #tpu.memory_space<hbm>>
      %dma_wait3A_36 = tpu.memref_slice %arg15[%mul3A_22] : memref<200704xf32, #tpu.memory_space<vmem_shared>> -> memref<6272xf32, #tpu.memory_space<vmem_shared>>
      tpu.wait_dma2 semaphore(%run_scoped3A_32 : memref<!tpu.dma_semaphore, #tpu.memory_space<semaphore_mem>>) src(%dma_wait3A_36 : memref<6272xf32, #tpu.memory_space<vmem_shared>>) dst(%dma_wait3A_35 : memref<6272xf32, #tpu.memory_space<hbm>>)
      tpu.yield
    }) : () -> ()
    %mul3A_25 = arith.constant 6272 : i32
    %mul3A_26 = arith.muli %arg1, %mul3A_25 : i32
    %add3A_27 = arith.constant 100352 : i32
    %add3A_28 = arith.addi %add3A_27, %mul3A_26 : i32
    %mul3A_29 = arith.constant 6272 : i32
    %mul3A_30 = arith.muli %arg1, %mul3A_29 : i32
    %run_scoped3A_31 = arith.constant 1 : i32
    "tpu.region"() ({
      %run_scoped3A_32 = tpu.sem_alloc : memref<!tpu.dma_semaphore, #tpu.memory_space<semaphore_mem>>
      %dma_start3A = tpu.memref_slice %arg5[%arg0, %run_scoped3A_31, %mul3A_30] : memref<2x2x100352xf32, #tpu.memory_space<hbm>> -> memref<1x1x6272xf32, #tpu.memory_space<hbm>>
      %dma_start3A_33 = tpu.memref_squeeze %dma_start3A : memref<1x1x6272xf32, #tpu.memory_space<hbm>> -> memref<6272xf32, #tpu.memory_space<hbm>>
      %dma_start3A_34 = tpu.memref_slice %arg15[%add3A_28] : memref<200704xf32, #tpu.memory_space<vmem_shared>> -> memref<6272xf32, #tpu.memory_space<vmem_shared>>
      tpu.enqueue_dma source(%dma_start3A_34 : memref<6272xf32, #tpu.memory_space<vmem_shared>>) target(%dma_start3A_33 : memref<6272xf32, #tpu.memory_space<hbm>>) target_semaphore(%run_scoped3A_32 : memref<!tpu.dma_semaphore, #tpu.memory_space<semaphore_mem>>)
      %dma_wait3A = tpu.memref_slice %arg5[%arg0, %run_scoped3A_31, %mul3A_30] : memref<2x2x100352xf32, #tpu.memory_space<hbm>> -> memref<1x1x6272xf32, #tpu.memory_space<hbm>>
      %dma_wait3A_35 = tpu.memref_squeeze %dma_wait3A : memref<1x1x6272xf32, #tpu.memory_space<hbm>> -> memref<6272xf32, #tpu.memory_space<hbm>>
      %dma_wait3A_36 = tpu.memref_slice %arg15[%add3A_28] : memref<200704xf32, #tpu.memory_space<vmem_shared>> -> memref<6272xf32, #tpu.memory_space<vmem_shared>>
      tpu.wait_dma2 semaphore(%run_scoped3A_32 : memref<!tpu.dma_semaphore, #tpu.memory_space<semaphore_mem>>) src(%dma_wait3A_36 : memref<6272xf32, #tpu.memory_space<vmem_shared>>) dst(%dma_wait3A_35 : memref<6272xf32, #tpu.memory_space<hbm>>)
      tpu.yield
    }) : () -> ()
    return
  }
}

#map = affine_map<(d0, d1) -> (0, 0, 0)>
#map1 = affine_map<(d0, d1) -> (0)>
#map2 = affine_map<(d0, d1) -> (0, 0)>
module attributes {stable_mosaic.version = 14 : i64} {
  func.func @_sc_agg1(%arg0: i32, %arg1: i32, %arg2: memref<32x784x128xi32, #tpu.memory_space<hbm>>, %arg3: memref<32x784x128xi32, #tpu.memory_space<hbm>>, %arg4: memref<100352xf32, #tpu.memory_space<hbm>>, %arg5: memref<2x100352xf32, #tpu.memory_space<hbm>>, %arg6: memref<56x128xi32, #tpu.memory_space<vmem>>, %arg7: memref<56x128xi32, #tpu.memory_space<vmem>>, %arg8: memref<56x128xi32, #tpu.memory_space<vmem>>, %arg9: memref<56x128xi32, #tpu.memory_space<vmem>>, %arg10: memref<56x128xf32, #tpu.memory_space<vmem>>, %arg11: memref<56x128xf32, #tpu.memory_space<vmem>>, %arg12: memref<6272xf32, #tpu.memory_space<vmem>>, %arg13: memref<100352xf32, #tpu.memory_space<vmem_shared>>, %arg14: memref<100352xf32, #tpu.memory_space<vmem_shared>>, %arg15: memref<!tpu.dma_semaphore, #tpu.memory_space<semaphore_mem>>, %arg16: memref<!tpu.dma_semaphore, #tpu.memory_space<semaphore_mem>>, %arg17: memref<!tpu.dma_semaphore, #tpu.memory_space<semaphore_mem>>, %arg18: memref<!tpu.dma_semaphore, #tpu.memory_space<semaphore_mem>>) attributes {dimension_semantics = [#tpu.dimension_semantics<core_parallel>, #tpu.dimension_semantics<subcore_parallel>], iteration_bounds = array<i64: 2, 16>, scalar_prefetch = 0 : i64, scratch_operands = 13 : i64, tpu.core_type = #tpu.core_type<sc_vector_subcore>, window_params = [{transform_indices = #map}, {transform_indices = #map}, {transform_indices = #map1}, {transform_indices = #map2}]} {
    %mul3A = arith.constant 16 : i32
    %mul3A_0 = arith.muli %arg0, %mul3A : i32
    %add3A = arith.addi %mul3A_0, %arg1 : i32
    %scan3A = arith.constant 0 : i32
    %scan3A_1 = arith.constant 392 : i32
    %scan3A_2 = arith.addi %scan3A, %scan3A_1 : i32
    %scan3A_3 = arith.constant 1 : i32
    scf.for %scan3A_21 = %scan3A to %scan3A_2 step %scan3A_3  : i32 {
      %mul3A_22 = arith.constant 16 : i32
      %mul3A_23 = arith.muli %scan3A_21, %mul3A_22 : i32
      %add3A_24 = arith.constant 0 : i32
      %add3A_25 = arith.addi %add3A_24, %mul3A_23 : i32
      %broadcast_in_dim3A = arith.constant 0.000000e+00 : f32
      %broadcast_in_dim3A_26 = vector.broadcast %broadcast_in_dim3A : f32 to vector<16xf32>
      %swap3A = arith.index_cast %add3A_25 : i32 to index
      %swap3A_27 = tpu.vector_load %arg12[%swap3A] {strides = array<i32>} : memref<6272xf32, #tpu.memory_space<vmem>>, vector<16xf32>,
      %swap3A_28 = vector.shape_cast %swap3A_27 : vector<16xf32> to vector<16xf32>
      %swap3A_29 = vector.shape_cast %broadcast_in_dim3A_26 : vector<16xf32> to vector<16xf32>
      tpu.vector_store %arg12[%swap3A], %swap3A_29 {strides = array<i32>} : memref<6272xf32, #tpu.memory_space<vmem>>, vector<16xf32>,
    }
    %scan3A_4 = arith.constant 392 : i32
    %mul3A_5 = arith.constant 6272 : i32
    %mul3A_6 = arith.muli %arg1, %mul3A_5 : i32
    "tpu.region"() ({
      %run_scoped3A = tpu.sem_alloc : memref<!tpu.dma_semaphore, #tpu.memory_space<semaphore_mem>>
      %dma_start3A = tpu.memref_slice %arg13[%mul3A_6] : memref<100352xf32, #tpu.memory_space<vmem_shared>> -> memref<6272xf32, #tpu.memory_space<vmem_shared>>
      %dma_start3A_21 = tpu.memref_slice %arg13[%mul3A_6] : memref<100352xf32, #tpu.memory_space<vmem_shared>> -> memref<6272xf32, #tpu.memory_space<vmem_shared>>
      tpu.enqueue_dma source(%arg12 : memref<6272xf32, #tpu.memory_space<vmem>>) target(%dma_start3A_21 : memref<6272xf32, #tpu.memory_space<vmem_shared>>) target_semaphore(%run_scoped3A : memref<!tpu.dma_semaphore, #tpu.memory_space<semaphore_mem>>)
      %dma_wait3A = tpu.memref_slice %arg13[%mul3A_6] : memref<100352xf32, #tpu.memory_space<vmem_shared>> -> memref<6272xf32, #tpu.memory_space<vmem_shared>>
      %dma_wait3A_22 = tpu.memref_slice %arg13[%mul3A_6] : memref<100352xf32, #tpu.memory_space<vmem_shared>> -> memref<6272xf32, #tpu.memory_space<vmem_shared>>
      tpu.wait_dma2 semaphore(%run_scoped3A : memref<!tpu.dma_semaphore, #tpu.memory_space<semaphore_mem>>) src(%arg12 : memref<6272xf32, #tpu.memory_space<vmem>>) dst(%dma_wait3A_22 : memref<6272xf32, #tpu.memory_space<vmem_shared>>)
      tpu.yield
    }) : () -> ()
    %mul3A_7 = arith.constant 6272 : i32
    %mul3A_8 = arith.muli %arg1, %mul3A_7 : i32
    "tpu.region"() ({
      %run_scoped3A = tpu.sem_alloc : memref<!tpu.dma_semaphore, #tpu.memory_space<semaphore_mem>>
      %dma_start3A = tpu.memref_slice %arg4[%mul3A_8] : memref<100352xf32, #tpu.memory_space<hbm>> -> memref<6272xf32, #tpu.memory_space<hbm>>
      %dma_start3A_21 = tpu.memref_slice %arg4[%mul3A_8] : memref<100352xf32, #tpu.memory_space<hbm>> -> memref<6272xf32, #tpu.memory_space<hbm>>
      tpu.enqueue_dma source(%dma_start3A_21 : memref<6272xf32, #tpu.memory_space<hbm>>) target(%arg12 : memref<6272xf32, #tpu.memory_space<vmem>>) target_semaphore(%run_scoped3A : memref<!tpu.dma_semaphore, #tpu.memory_space<semaphore_mem>>)
      %dma_wait3A = tpu.memref_slice %arg4[%mul3A_8] : memref<100352xf32, #tpu.memory_space<hbm>> -> memref<6272xf32, #tpu.memory_space<hbm>>
      %dma_wait3A_22 = tpu.memref_slice %arg4[%mul3A_8] : memref<100352xf32, #tpu.memory_space<hbm>> -> memref<6272xf32, #tpu.memory_space<hbm>>
      tpu.wait_dma2 semaphore(%run_scoped3A : memref<!tpu.dma_semaphore, #tpu.memory_space<semaphore_mem>>) src(%dma_wait3A_22 : memref<6272xf32, #tpu.memory_space<hbm>>) dst(%arg12 : memref<6272xf32, #tpu.memory_space<vmem>>)
      tpu.yield
    }) : () -> ()
    %mul3A_9 = arith.constant 6272 : i32
    %mul3A_10 = arith.muli %arg1, %mul3A_9 : i32
    "tpu.region"() ({
      %run_scoped3A = tpu.sem_alloc : memref<!tpu.dma_semaphore, #tpu.memory_space<semaphore_mem>>
      %dma_start3A = tpu.memref_slice %arg14[%mul3A_10] : memref<100352xf32, #tpu.memory_space<vmem_shared>> -> memref<6272xf32, #tpu.memory_space<vmem_shared>>
      %dma_start3A_21 = tpu.memref_slice %arg14[%mul3A_10] : memref<100352xf32, #tpu.memory_space<vmem_shared>> -> memref<6272xf32, #tpu.memory_space<vmem_shared>>
      tpu.enqueue_dma source(%arg12 : memref<6272xf32, #tpu.memory_space<vmem>>) target(%dma_start3A_21 : memref<6272xf32, #tpu.memory_space<vmem_shared>>) target_semaphore(%run_scoped3A : memref<!tpu.dma_semaphore, #tpu.memory_space<semaphore_mem>>)
      %dma_wait3A = tpu.memref_slice %arg14[%mul3A_10] : memref<100352xf32, #tpu.memory_space<vmem_shared>> -> memref<6272xf32, #tpu.memory_space<vmem_shared>>
      %dma_wait3A_22 = tpu.memref_slice %arg14[%mul3A_10] : memref<100352xf32, #tpu.memory_space<vmem_shared>> -> memref<6272xf32, #tpu.memory_space<vmem_shared>>
      tpu.wait_dma2 semaphore(%run_scoped3A : memref<!tpu.dma_semaphore, #tpu.memory_space<semaphore_mem>>) src(%arg12 : memref<6272xf32, #tpu.memory_space<vmem>>) dst(%dma_wait3A_22 : memref<6272xf32, #tpu.memory_space<vmem_shared>>)
      tpu.yield
    }) : () -> ()
    %barrier3A = arith.constant 0 : index
    tpu.barrier barrier_id(%barrier3A)
    %scan3A_11 = arith.constant 0 : i32
    %scan3A_12 = arith.constant 7 : i32
    %scan3A_13 = arith.addi %scan3A_11, %scan3A_12 : i32
    %scan3A_14 = arith.constant 1 : i32
    scf.for %scan3A_21 = %scan3A_11 to %scan3A_13 step %scan3A_14  : i32 {
      %mul3A_22 = arith.constant 2 : i32
      %mul3A_23 = arith.muli %scan3A_21, %mul3A_22 : i32
      %add3A_24 = arith.constant 0 : i32
      %add3A_25 = arith.addi %add3A_24, %mul3A_23 : i32
      %mul3A_26 = arith.constant 56 : i32
      %mul3A_27 = arith.muli %add3A_25, %mul3A_26 : i32
      "tpu.region"() ({
        %run_scoped3A = tpu.sem_alloc : memref<!tpu.dma_semaphore, #tpu.memory_space<semaphore_mem>>
        %dma_start3A = arith.constant 0 : i32
        %dma_start3A_78 = tpu.memref_slice %arg2[%add3A, %mul3A_27, %dma_start3A] : memref<32x784x128xi32, #tpu.memory_space<hbm>> -> memref<1x56x128xi32, #tpu.memory_space<hbm>>
        %dma_start3A_79 = tpu.memref_squeeze %dma_start3A_78 : memref<1x56x128xi32, #tpu.memory_space<hbm>> -> memref<56x128xi32, #tpu.memory_space<hbm>>
        %dma_start3A_80 = arith.constant 0 : i32
        %dma_start3A_81 = tpu.memref_slice %arg2[%add3A, %mul3A_27, %dma_start3A_80] : memref<32x784x128xi32, #tpu.memory_space<hbm>> -> memref<1x56x128xi32, #tpu.memory_space<hbm>>
        %dma_start3A_82 = tpu.memref_squeeze %dma_start3A_81 : memref<1x56x128xi32, #tpu.memory_space<hbm>> -> memref<56x128xi32, #tpu.memory_space<hbm>>
        tpu.enqueue_dma source(%dma_start3A_82 : memref<56x128xi32, #tpu.memory_space<hbm>>) target(%arg6 : memref<56x128xi32, #tpu.memory_space<vmem>>) target_semaphore(%run_scoped3A : memref<!tpu.dma_semaphore, #tpu.memory_space<semaphore_mem>>)
        %dma_wait3A = arith.constant 0 : i32
        %dma_wait3A_83 = tpu.memref_slice %arg2[%add3A, %mul3A_27, %dma_wait3A] : memref<32x784x128xi32, #tpu.memory_space<hbm>> -> memref<1x56x128xi32, #tpu.memory_space<hbm>>
        %dma_wait3A_84 = tpu.memref_squeeze %dma_wait3A_83 : memref<1x56x128xi32, #tpu.memory_space<hbm>> -> memref<56x128xi32, #tpu.memory_space<hbm>>
        %dma_wait3A_85 = arith.constant 0 : i32
        %dma_wait3A_86 = tpu.memref_slice %arg2[%add3A, %mul3A_27, %dma_wait3A_85] : memref<32x784x128xi32, #tpu.memory_space<hbm>> -> memref<1x56x128xi32, #tpu.memory_space<hbm>>
        %dma_wait3A_87 = tpu.memref_squeeze %dma_wait3A_86 : memref<1x56x128xi32, #tpu.memory_space<hbm>> -> memref<56x128xi32, #tpu.memory_space<hbm>>
        tpu.wait_dma2 semaphore(%run_scoped3A : memref<!tpu.dma_semaphore, #tpu.memory_space<semaphore_mem>>) src(%dma_wait3A_87 : memref<56x128xi32, #tpu.memory_space<hbm>>) dst(%arg6 : memref<56x128xi32, #tpu.memory_space<vmem>>)
        tpu.yield
      }) : () -> ()
      %mul3A_28 = arith.constant 56 : i32
      %mul3A_29 = arith.muli %add3A_25, %mul3A_28 : i32
      "tpu.region"() ({
        %run_scoped3A = tpu.sem_alloc : memref<!tpu.dma_semaphore, #tpu.memory_space<semaphore_mem>>
        %dma_start3A = arith.constant 0 : i32
        %dma_start3A_78 = tpu.memref_slice %arg3[%add3A, %mul3A_29, %dma_start3A] : memref<32x784x128xi32, #tpu.memory_space<hbm>> -> memref<1x56x128xi32, #tpu.memory_space<hbm>>
        %dma_start3A_79 = tpu.memref_squeeze %dma_start3A_78 : memref<1x56x128xi32, #tpu.memory_space<hbm>> -> memref<56x128xi32, #tpu.memory_space<hbm>>
        %dma_start3A_80 = arith.constant 0 : i32
        %dma_start3A_81 = tpu.memref_slice %arg3[%add3A, %mul3A_29, %dma_start3A_80] : memref<32x784x128xi32, #tpu.memory_space<hbm>> -> memref<1x56x128xi32, #tpu.memory_space<hbm>>
        %dma_start3A_82 = tpu.memref_squeeze %dma_start3A_81 : memref<1x56x128xi32, #tpu.memory_space<hbm>> -> memref<56x128xi32, #tpu.memory_space<hbm>>
        tpu.enqueue_dma source(%dma_start3A_82 : memref<56x128xi32, #tpu.memory_space<hbm>>) target(%arg8 : memref<56x128xi32, #tpu.memory_space<vmem>>) target_semaphore(%run_scoped3A : memref<!tpu.dma_semaphore, #tpu.memory_space<semaphore_mem>>)
        %dma_wait3A = arith.constant 0 : i32
        %dma_wait3A_83 = tpu.memref_slice %arg3[%add3A, %mul3A_29, %dma_wait3A] : memref<32x784x128xi32, #tpu.memory_space<hbm>> -> memref<1x56x128xi32, #tpu.memory_space<hbm>>
        %dma_wait3A_84 = tpu.memref_squeeze %dma_wait3A_83 : memref<1x56x128xi32, #tpu.memory_space<hbm>> -> memref<56x128xi32, #tpu.memory_space<hbm>>
        %dma_wait3A_85 = arith.constant 0 : i32
        %dma_wait3A_86 = tpu.memref_slice %arg3[%add3A, %mul3A_29, %dma_wait3A_85] : memref<32x784x128xi32, #tpu.memory_space<hbm>> -> memref<1x56x128xi32, #tpu.memory_space<hbm>>
        %dma_wait3A_87 = tpu.memref_squeeze %dma_wait3A_86 : memref<1x56x128xi32, #tpu.memory_space<hbm>> -> memref<56x128xi32, #tpu.memory_space<hbm>>
        tpu.wait_dma2 semaphore(%run_scoped3A : memref<!tpu.dma_semaphore, #tpu.memory_space<semaphore_mem>>) src(%dma_wait3A_87 : memref<56x128xi32, #tpu.memory_space<hbm>>) dst(%arg8 : memref<56x128xi32, #tpu.memory_space<vmem>>)
        tpu.yield
      }) : () -> ()
      %scan3A_30 = arith.constant 0 : i32
      %scan3A_31 = arith.constant 56 : i32
      %scan3A_32 = arith.addi %scan3A_30, %scan3A_31 : i32
      %scan3A_33 = arith.constant 1 : i32
      scf.for %scan3A_78 = %scan3A_30 to %scan3A_32 step %scan3A_33  : i32 {
        %mul3A_79 = arith.constant 1 : i32
        %mul3A_80 = arith.muli %scan3A_78, %mul3A_79 : i32
        %add3A_81 = arith.constant 0 : i32
        %add3A_82 = arith.addi %add3A_81, %mul3A_80 : i32
        %dma_start3A = arith.constant 0 : i32
        %dma_start3A_83 = tpu.memref_slice %arg10[%add3A_82, %dma_start3A] : memref<56x128xf32, #tpu.memory_space<vmem>> -> memref<1x128xf32, #tpu.memory_space<vmem>>
        %dma_start3A_84 = tpu.memref_squeeze %dma_start3A_83 : memref<1x128xf32, #tpu.memory_space<vmem>> -> memref<128xf32, #tpu.memory_space<vmem>>
        %dma_start3A_85 = arith.constant 0 : i32
        %dma_start3A_86 = tpu.memref_slice %arg6[%add3A_82, %dma_start3A_85] : memref<56x128xi32, #tpu.memory_space<vmem>> -> memref<1x128xi32, #tpu.memory_space<vmem>>
        %dma_start3A_87 = tpu.memref_squeeze %dma_start3A_86 : memref<1x128xi32, #tpu.memory_space<vmem>> -> memref<128xi32, #tpu.memory_space<vmem>>
        %dma_start3A_88 = arith.constant 0 : i32
        %dma_start3A_89 = tpu.memref_slice %arg14[%dma_start3A_88] : memref<100352xf32, #tpu.memory_space<vmem_shared>> -> memref<100352xf32, #tpu.memory_space<vmem_shared>>
        tpu.enqueue_indirect_dma source(%dma_start3A_89 : memref<100352xf32, #tpu.memory_space<vmem_shared>>) target(%dma_start3A_84 : memref<128xf32, #tpu.memory_space<vmem>>) offsets(%dma_start3A_87 : memref<128xi32, #tpu.memory_space<vmem>>) semaphore(%arg15 : memref<!tpu.dma_semaphore, #tpu.memory_space<semaphore_mem>>)
      }
      %scan3A_34 = arith.constant 56 : i32
      %add3A_35 = arith.constant 1 : i32
      %add3A_36 = arith.addi %add3A_25, %add3A_35 : i32
      %mul3A_37 = arith.constant 56 : i32
      %mul3A_38 = arith.muli %add3A_36, %mul3A_37 : i32
      "tpu.region"() ({
        %run_scoped3A = tpu.sem_alloc : memref<!tpu.dma_semaphore, #tpu.memory_space<semaphore_mem>>
        %dma_start3A = arith.constant 0 : i32
        %dma_start3A_78 = tpu.memref_slice %arg2[%add3A, %mul3A_38, %dma_start3A] : memref<32x784x128xi32, #tpu.memory_space<hbm>> -> memref<1x56x128xi32, #tpu.memory_space<hbm>>
        %dma_start3A_79 = tpu.memref_squeeze %dma_start3A_78 : memref<1x56x128xi32, #tpu.memory_space<hbm>> -> memref<56x128xi32, #tpu.memory_space<hbm>>
        %dma_start3A_80 = arith.constant 0 : i32
        %dma_start3A_81 = tpu.memref_slice %arg2[%add3A, %mul3A_38, %dma_start3A_80] : memref<32x784x128xi32, #tpu.memory_space<hbm>> -> memref<1x56x128xi32, #tpu.memory_space<hbm>>
        %dma_start3A_82 = tpu.memref_squeeze %dma_start3A_81 : memref<1x56x128xi32, #tpu.memory_space<hbm>> -> memref<56x128xi32, #tpu.memory_space<hbm>>
        tpu.enqueue_dma source(%dma_start3A_82 : memref<56x128xi32, #tpu.memory_space<hbm>>) target(%arg7 : memref<56x128xi32, #tpu.memory_space<vmem>>) target_semaphore(%run_scoped3A : memref<!tpu.dma_semaphore, #tpu.memory_space<semaphore_mem>>)
        %dma_wait3A = arith.constant 0 : i32
        %dma_wait3A_83 = tpu.memref_slice %arg2[%add3A, %mul3A_38, %dma_wait3A] : memref<32x784x128xi32, #tpu.memory_space<hbm>> -> memref<1x56x128xi32, #tpu.memory_space<hbm>>
        %dma_wait3A_84 = tpu.memref_squeeze %dma_wait3A_83 : memref<1x56x128xi32, #tpu.memory_space<hbm>> -> memref<56x128xi32, #tpu.memory_space<hbm>>
        %dma_wait3A_85 = arith.constant 0 : i32
        %dma_wait3A_86 = tpu.memref_slice %arg2[%add3A, %mul3A_38, %dma_wait3A_85] : memref<32x784x128xi32, #tpu.memory_space<hbm>> -> memref<1x56x128xi32, #tpu.memory_space<hbm>>
        %dma_wait3A_87 = tpu.memref_squeeze %dma_wait3A_86 : memref<1x56x128xi32, #tpu.memory_space<hbm>> -> memref<56x128xi32, #tpu.memory_space<hbm>>
        tpu.wait_dma2 semaphore(%run_scoped3A : memref<!tpu.dma_semaphore, #tpu.memory_space<semaphore_mem>>) src(%dma_wait3A_87 : memref<56x128xi32, #tpu.memory_space<hbm>>) dst(%arg7 : memref<56x128xi32, #tpu.memory_space<vmem>>)
        tpu.yield
      }) : () -> ()
      %add3A_39 = arith.constant 1 : i32
      %add3A_40 = arith.addi %add3A_25, %add3A_39 : i32
      %mul3A_41 = arith.constant 56 : i32
      %mul3A_42 = arith.muli %add3A_40, %mul3A_41 : i32
      "tpu.region"() ({
        %run_scoped3A = tpu.sem_alloc : memref<!tpu.dma_semaphore, #tpu.memory_space<semaphore_mem>>
        %dma_start3A = arith.constant 0 : i32
        %dma_start3A_78 = tpu.memref_slice %arg3[%add3A, %mul3A_42, %dma_start3A] : memref<32x784x128xi32, #tpu.memory_space<hbm>> -> memref<1x56x128xi32, #tpu.memory_space<hbm>>
        %dma_start3A_79 = tpu.memref_squeeze %dma_start3A_78 : memref<1x56x128xi32, #tpu.memory_space<hbm>> -> memref<56x128xi32, #tpu.memory_space<hbm>>
        %dma_start3A_80 = arith.constant 0 : i32
        %dma_start3A_81 = tpu.memref_slice %arg3[%add3A, %mul3A_42, %dma_start3A_80] : memref<32x784x128xi32, #tpu.memory_space<hbm>> -> memref<1x56x128xi32, #tpu.memory_space<hbm>>
        %dma_start3A_82 = tpu.memref_squeeze %dma_start3A_81 : memref<1x56x128xi32, #tpu.memory_space<hbm>> -> memref<56x128xi32, #tpu.memory_space<hbm>>
        tpu.enqueue_dma source(%dma_start3A_82 : memref<56x128xi32, #tpu.memory_space<hbm>>) target(%arg9 : memref<56x128xi32, #tpu.memory_space<vmem>>) target_semaphore(%run_scoped3A : memref<!tpu.dma_semaphore, #tpu.memory_space<semaphore_mem>>)
        %dma_wait3A = arith.constant 0 : i32
        %dma_wait3A_83 = tpu.memref_slice %arg3[%add3A, %mul3A_42, %dma_wait3A] : memref<32x784x128xi32, #tpu.memory_space<hbm>> -> memref<1x56x128xi32, #tpu.memory_space<hbm>>
        %dma_wait3A_84 = tpu.memref_squeeze %dma_wait3A_83 : memref<1x56x128xi32, #tpu.memory_space<hbm>> -> memref<56x128xi32, #tpu.memory_space<hbm>>
        %dma_wait3A_85 = arith.constant 0 : i32
        %dma_wait3A_86 = tpu.memref_slice %arg3[%add3A, %mul3A_42, %dma_wait3A_85] : memref<32x784x128xi32, #tpu.memory_space<hbm>> -> memref<1x56x128xi32, #tpu.memory_space<hbm>>
        %dma_wait3A_87 = tpu.memref_squeeze %dma_wait3A_86 : memref<1x56x128xi32, #tpu.memory_space<hbm>> -> memref<56x128xi32, #tpu.memory_space<hbm>>
        tpu.wait_dma2 semaphore(%run_scoped3A : memref<!tpu.dma_semaphore, #tpu.memory_space<semaphore_mem>>) src(%dma_wait3A_87 : memref<56x128xi32, #tpu.memory_space<hbm>>) dst(%arg9 : memref<56x128xi32, #tpu.memory_space<vmem>>)
        tpu.yield
      }) : () -> ()
      %scan3A_43 = arith.constant 0 : i32
      %scan3A_44 = arith.constant 56 : i32
      %scan3A_45 = arith.addi %scan3A_43, %scan3A_44 : i32
      %scan3A_46 = arith.constant 1 : i32
      scf.for %scan3A_78 = %scan3A_43 to %scan3A_45 step %scan3A_46  : i32 {
        %mul3A_79 = arith.constant 1 : i32
        %mul3A_80 = arith.muli %scan3A_78, %mul3A_79 : i32
        %add3A_81 = arith.constant 0 : i32
        %add3A_82 = arith.addi %add3A_81, %mul3A_80 : i32
        %dma_start3A = arith.constant 0 : i32
        %dma_start3A_83 = tpu.memref_slice %arg11[%add3A_82, %dma_start3A] : memref<56x128xf32, #tpu.memory_space<vmem>> -> memref<1x128xf32, #tpu.memory_space<vmem>>
        %dma_start3A_84 = tpu.memref_squeeze %dma_start3A_83 : memref<1x128xf32, #tpu.memory_space<vmem>> -> memref<128xf32, #tpu.memory_space<vmem>>
        %dma_start3A_85 = arith.constant 0 : i32
        %dma_start3A_86 = tpu.memref_slice %arg7[%add3A_82, %dma_start3A_85] : memref<56x128xi32, #tpu.memory_space<vmem>> -> memref<1x128xi32, #tpu.memory_space<vmem>>
        %dma_start3A_87 = tpu.memref_squeeze %dma_start3A_86 : memref<1x128xi32, #tpu.memory_space<vmem>> -> memref<128xi32, #tpu.memory_space<vmem>>
        %dma_start3A_88 = arith.constant 0 : i32
        %dma_start3A_89 = tpu.memref_slice %arg14[%dma_start3A_88] : memref<100352xf32, #tpu.memory_space<vmem_shared>> -> memref<100352xf32, #tpu.memory_space<vmem_shared>>
        tpu.enqueue_indirect_dma source(%dma_start3A_89 : memref<100352xf32, #tpu.memory_space<vmem_shared>>) target(%dma_start3A_84 : memref<128xf32, #tpu.memory_space<vmem>>) offsets(%dma_start3A_87 : memref<128xi32, #tpu.memory_space<vmem>>) semaphore(%arg16 : memref<!tpu.dma_semaphore, #tpu.memory_space<semaphore_mem>>)
      }
      %scan3A_47 = arith.constant 56 : i32
      %scan3A_48 = arith.constant 0 : i32
      %scan3A_49 = arith.constant 56 : i32
      %scan3A_50 = arith.addi %scan3A_48, %scan3A_49 : i32
      %scan3A_51 = arith.constant 1 : i32
      scf.for %scan3A_78 = %scan3A_48 to %scan3A_50 step %scan3A_51  : i32 {
        %mul3A_79 = arith.constant 1 : i32
        %mul3A_80 = arith.muli %scan3A_78, %mul3A_79 : i32
        %add3A_81 = arith.constant 0 : i32
        %add3A_82 = arith.addi %add3A_81, %mul3A_80 : i32
        %dma_wait3A = arith.constant 0 : i32
        %dma_wait3A_83 = tpu.memref_slice %arg10[%add3A_82, %dma_wait3A] : memref<56x128xf32, #tpu.memory_space<vmem>> -> memref<1x128xf32, #tpu.memory_space<vmem>>
        %dma_wait3A_84 = tpu.memref_squeeze %dma_wait3A_83 : memref<1x128xf32, #tpu.memory_space<vmem>> -> memref<128xf32, #tpu.memory_space<vmem>>
        %dma_wait3A_85 = arith.constant 0 : i32
        %dma_wait3A_86 = tpu.memref_slice %arg6[%add3A_82, %dma_wait3A_85] : memref<56x128xi32, #tpu.memory_space<vmem>> -> memref<1x128xi32, #tpu.memory_space<vmem>>
        %dma_wait3A_87 = tpu.memref_squeeze %dma_wait3A_86 : memref<1x128xi32, #tpu.memory_space<vmem>> -> memref<128xi32, #tpu.memory_space<vmem>>
        %dma_wait3A_88 = arith.constant 0 : i32
        %dma_wait3A_89 = tpu.memref_slice %arg14[%dma_wait3A_88] : memref<100352xf32, #tpu.memory_space<vmem_shared>> -> memref<100352xf32, #tpu.memory_space<vmem_shared>>
        tpu.wait_indirect_dma semaphore(%arg15 : memref<!tpu.dma_semaphore, #tpu.memory_space<semaphore_mem>>) src(%dma_wait3A_89 : memref<100352xf32, #tpu.memory_space<vmem_shared>>) dst(%dma_wait3A_84 : memref<128xf32, #tpu.memory_space<vmem>>)
      }
      %scan3A_52 = arith.constant 56 : i32
      %scan3A_53 = arith.constant 0 : i32
      %scan3A_54 = arith.constant 56 : i32
      %scan3A_55 = arith.addi %scan3A_53, %scan3A_54 : i32
      %scan3A_56 = arith.constant 1 : i32
      scf.for %scan3A_78 = %scan3A_53 to %scan3A_55 step %scan3A_56  : i32 {
        %mul3A_79 = arith.constant 1 : i32
        %mul3A_80 = arith.muli %scan3A_78, %mul3A_79 : i32
        %add3A_81 = arith.constant 0 : i32
        %add3A_82 = arith.addi %add3A_81, %mul3A_80 : i32
        %dma_start3A = arith.constant 0 : i32
        %dma_start3A_83 = tpu.memref_slice %arg10[%add3A_82, %dma_start3A] : memref<56x128xf32, #tpu.memory_space<vmem>> -> memref<1x128xf32, #tpu.memory_space<vmem>>
        %dma_start3A_84 = tpu.memref_squeeze %dma_start3A_83 : memref<1x128xf32, #tpu.memory_space<vmem>> -> memref<128xf32, #tpu.memory_space<vmem>>
        %dma_start3A_85 = arith.constant 0 : i32
        %dma_start3A_86 = tpu.memref_slice %arg8[%add3A_82, %dma_start3A_85] : memref<56x128xi32, #tpu.memory_space<vmem>> -> memref<1x128xi32, #tpu.memory_space<vmem>>
        %dma_start3A_87 = tpu.memref_squeeze %dma_start3A_86 : memref<1x128xi32, #tpu.memory_space<vmem>> -> memref<128xi32, #tpu.memory_space<vmem>>
        %dma_start3A_88 = arith.constant 0 : i32
        %dma_start3A_89 = tpu.memref_slice %arg13[%dma_start3A_88] : memref<100352xf32, #tpu.memory_space<vmem_shared>> -> memref<100352xf32, #tpu.memory_space<vmem_shared>>
        tpu.enqueue_indirect_dma source(%dma_start3A_84 : memref<128xf32, #tpu.memory_space<vmem>>) target(%dma_start3A_89 : memref<100352xf32, #tpu.memory_space<vmem_shared>>) offsets(%dma_start3A_87 : memref<128xi32, #tpu.memory_space<vmem>>) semaphore(%arg17 : memref<!tpu.dma_semaphore, #tpu.memory_space<semaphore_mem>>) {add = true}
      }
      %scan3A_57 = arith.constant 56 : i32
      %scan3A_58 = arith.constant 0 : i32
      %scan3A_59 = arith.constant 56 : i32
      %scan3A_60 = arith.addi %scan3A_58, %scan3A_59 : i32
      %scan3A_61 = arith.constant 1 : i32
      scf.for %scan3A_78 = %scan3A_58 to %scan3A_60 step %scan3A_61  : i32 {
        %mul3A_79 = arith.constant 1 : i32
        %mul3A_80 = arith.muli %scan3A_78, %mul3A_79 : i32
        %add3A_81 = arith.constant 0 : i32
        %add3A_82 = arith.addi %add3A_81, %mul3A_80 : i32
        %dma_wait3A = arith.constant 0 : i32
        %dma_wait3A_83 = tpu.memref_slice %arg11[%add3A_82, %dma_wait3A] : memref<56x128xf32, #tpu.memory_space<vmem>> -> memref<1x128xf32, #tpu.memory_space<vmem>>
        %dma_wait3A_84 = tpu.memref_squeeze %dma_wait3A_83 : memref<1x128xf32, #tpu.memory_space<vmem>> -> memref<128xf32, #tpu.memory_space<vmem>>
        %dma_wait3A_85 = arith.constant 0 : i32
        %dma_wait3A_86 = tpu.memref_slice %arg7[%add3A_82, %dma_wait3A_85] : memref<56x128xi32, #tpu.memory_space<vmem>> -> memref<1x128xi32, #tpu.memory_space<vmem>>
        %dma_wait3A_87 = tpu.memref_squeeze %dma_wait3A_86 : memref<1x128xi32, #tpu.memory_space<vmem>> -> memref<128xi32, #tpu.memory_space<vmem>>
        %dma_wait3A_88 = arith.constant 0 : i32
        %dma_wait3A_89 = tpu.memref_slice %arg14[%dma_wait3A_88] : memref<100352xf32, #tpu.memory_space<vmem_shared>> -> memref<100352xf32, #tpu.memory_space<vmem_shared>>
        tpu.wait_indirect_dma semaphore(%arg16 : memref<!tpu.dma_semaphore, #tpu.memory_space<semaphore_mem>>) src(%dma_wait3A_89 : memref<100352xf32, #tpu.memory_space<vmem_shared>>) dst(%dma_wait3A_84 : memref<128xf32, #tpu.memory_space<vmem>>)
      }
      %scan3A_62 = arith.constant 56 : i32
      %scan3A_63 = arith.constant 0 : i32
      %scan3A_64 = arith.constant 56 : i32
      %scan3A_65 = arith.addi %scan3A_63, %scan3A_64 : i32
      %scan3A_66 = arith.constant 1 : i32
      scf.for %scan3A_78 = %scan3A_63 to %scan3A_65 step %scan3A_66  : i32 {
        %mul3A_79 = arith.constant 1 : i32
        %mul3A_80 = arith.muli %scan3A_78, %mul3A_79 : i32
        %add3A_81 = arith.constant 0 : i32
        %add3A_82 = arith.addi %add3A_81, %mul3A_80 : i32
        %dma_start3A = arith.constant 0 : i32
        %dma_start3A_83 = tpu.memref_slice %arg11[%add3A_82, %dma_start3A] : memref<56x128xf32, #tpu.memory_space<vmem>> -> memref<1x128xf32, #tpu.memory_space<vmem>>
        %dma_start3A_84 = tpu.memref_squeeze %dma_start3A_83 : memref<1x128xf32, #tpu.memory_space<vmem>> -> memref<128xf32, #tpu.memory_space<vmem>>
        %dma_start3A_85 = arith.constant 0 : i32
        %dma_start3A_86 = tpu.memref_slice %arg9[%add3A_82, %dma_start3A_85] : memref<56x128xi32, #tpu.memory_space<vmem>> -> memref<1x128xi32, #tpu.memory_space<vmem>>
        %dma_start3A_87 = tpu.memref_squeeze %dma_start3A_86 : memref<1x128xi32, #tpu.memory_space<vmem>> -> memref<128xi32, #tpu.memory_space<vmem>>
        %dma_start3A_88 = arith.constant 0 : i32
        %dma_start3A_89 = tpu.memref_slice %arg13[%dma_start3A_88] : memref<100352xf32, #tpu.memory_space<vmem_shared>> -> memref<100352xf32, #tpu.memory_space<vmem_shared>>
        tpu.enqueue_indirect_dma source(%dma_start3A_84 : memref<128xf32, #tpu.memory_space<vmem>>) target(%dma_start3A_89 : memref<100352xf32, #tpu.memory_space<vmem_shared>>) offsets(%dma_start3A_87 : memref<128xi32, #tpu.memory_space<vmem>>) semaphore(%arg18 : memref<!tpu.dma_semaphore, #tpu.memory_space<semaphore_mem>>) {add = true}
      }
      %scan3A_67 = arith.constant 56 : i32
      %scan3A_68 = arith.constant 0 : i32
      %scan3A_69 = arith.constant 56 : i32
      %scan3A_70 = arith.addi %scan3A_68, %scan3A_69 : i32
      %scan3A_71 = arith.constant 1 : i32
      scf.for %scan3A_78 = %scan3A_68 to %scan3A_70 step %scan3A_71  : i32 {
        %mul3A_79 = arith.constant 1 : i32
        %mul3A_80 = arith.muli %scan3A_78, %mul3A_79 : i32
        %add3A_81 = arith.constant 0 : i32
        %add3A_82 = arith.addi %add3A_81, %mul3A_80 : i32
        %dma_wait3A = arith.constant 0 : i32
        %dma_wait3A_83 = tpu.memref_slice %arg10[%add3A_82, %dma_wait3A] : memref<56x128xf32, #tpu.memory_space<vmem>> -> memref<1x128xf32, #tpu.memory_space<vmem>>
        %dma_wait3A_84 = tpu.memref_squeeze %dma_wait3A_83 : memref<1x128xf32, #tpu.memory_space<vmem>> -> memref<128xf32, #tpu.memory_space<vmem>>
        %dma_wait3A_85 = arith.constant 0 : i32
        %dma_wait3A_86 = tpu.memref_slice %arg8[%add3A_82, %dma_wait3A_85] : memref<56x128xi32, #tpu.memory_space<vmem>> -> memref<1x128xi32, #tpu.memory_space<vmem>>
        %dma_wait3A_87 = tpu.memref_squeeze %dma_wait3A_86 : memref<1x128xi32, #tpu.memory_space<vmem>> -> memref<128xi32, #tpu.memory_space<vmem>>
        %dma_wait3A_88 = arith.constant 0 : i32
        %dma_wait3A_89 = tpu.memref_slice %arg13[%dma_wait3A_88] : memref<100352xf32, #tpu.memory_space<vmem_shared>> -> memref<100352xf32, #tpu.memory_space<vmem_shared>>
        tpu.wait_indirect_dma semaphore(%arg17 : memref<!tpu.dma_semaphore, #tpu.memory_space<semaphore_mem>>) src(%dma_wait3A_84 : memref<128xf32, #tpu.memory_space<vmem>>) dst(%dma_wait3A_89 : memref<100352xf32, #tpu.memory_space<vmem_shared>>)
      }
      %scan3A_72 = arith.constant 56 : i32
      %scan3A_73 = arith.constant 0 : i32
      %scan3A_74 = arith.constant 56 : i32
      %scan3A_75 = arith.addi %scan3A_73, %scan3A_74 : i32
      %scan3A_76 = arith.constant 1 : i32
      scf.for %scan3A_78 = %scan3A_73 to %scan3A_75 step %scan3A_76  : i32 {
        %mul3A_79 = arith.constant 1 : i32
        %mul3A_80 = arith.muli %scan3A_78, %mul3A_79 : i32
        %add3A_81 = arith.constant 0 : i32
        %add3A_82 = arith.addi %add3A_81, %mul3A_80 : i32
        %dma_wait3A = arith.constant 0 : i32
        %dma_wait3A_83 = tpu.memref_slice %arg11[%add3A_82, %dma_wait3A] : memref<56x128xf32, #tpu.memory_space<vmem>> -> memref<1x128xf32, #tpu.memory_space<vmem>>
        %dma_wait3A_84 = tpu.memref_squeeze %dma_wait3A_83 : memref<1x128xf32, #tpu.memory_space<vmem>> -> memref<128xf32, #tpu.memory_space<vmem>>
        %dma_wait3A_85 = arith.constant 0 : i32
        %dma_wait3A_86 = tpu.memref_slice %arg9[%add3A_82, %dma_wait3A_85] : memref<56x128xi32, #tpu.memory_space<vmem>> -> memref<1x128xi32, #tpu.memory_space<vmem>>
        %dma_wait3A_87 = tpu.memref_squeeze %dma_wait3A_86 : memref<1x128xi32, #tpu.memory_space<vmem>> -> memref<128xi32, #tpu.memory_space<vmem>>
        %dma_wait3A_88 = arith.constant 0 : i32
        %dma_wait3A_89 = tpu.memref_slice %arg13[%dma_wait3A_88] : memref<100352xf32, #tpu.memory_space<vmem_shared>> -> memref<100352xf32, #tpu.memory_space<vmem_shared>>
        tpu.wait_indirect_dma semaphore(%arg18 : memref<!tpu.dma_semaphore, #tpu.memory_space<semaphore_mem>>) src(%dma_wait3A_84 : memref<128xf32, #tpu.memory_space<vmem>>) dst(%dma_wait3A_89 : memref<100352xf32, #tpu.memory_space<vmem_shared>>)
      }
      %scan3A_77 = arith.constant 56 : i32
    }
    %scan3A_15 = arith.constant 7 : i32
    %barrier3A_16 = arith.constant 0 : index
    tpu.barrier barrier_id(%barrier3A_16)
    %mul3A_17 = arith.constant 6272 : i32
    %mul3A_18 = arith.muli %arg1, %mul3A_17 : i32
    %mul3A_19 = arith.constant 6272 : i32
    %mul3A_20 = arith.muli %arg1, %mul3A_19 : i32
    "tpu.region"() ({
      %run_scoped3A = tpu.sem_alloc : memref<!tpu.dma_semaphore, #tpu.memory_space<semaphore_mem>>
      %dma_start3A = tpu.memref_slice %arg5[%arg0, %mul3A_20] : memref<2x100352xf32, #tpu.memory_space<hbm>> -> memref<1x6272xf32, #tpu.memory_space<hbm>>
      %dma_start3A_21 = tpu.memref_squeeze %dma_start3A : memref<1x6272xf32, #tpu.memory_space<hbm>> -> memref<6272xf32, #tpu.memory_space<hbm>>
      %dma_start3A_22 = tpu.memref_slice %arg13[%mul3A_18] : memref<100352xf32, #tpu.memory_space<vmem_shared>> -> memref<6272xf32, #tpu.memory_space<vmem_shared>>
      tpu.enqueue_dma source(%dma_start3A_22 : memref<6272xf32, #tpu.memory_space<vmem_shared>>) target(%dma_start3A_21 : memref<6272xf32, #tpu.memory_space<hbm>>) target_semaphore(%run_scoped3A : memref<!tpu.dma_semaphore, #tpu.memory_space<semaphore_mem>>)
      %dma_wait3A = tpu.memref_slice %arg5[%arg0, %mul3A_20] : memref<2x100352xf32, #tpu.memory_space<hbm>> -> memref<1x6272xf32, #tpu.memory_space<hbm>>
      %dma_wait3A_23 = tpu.memref_squeeze %dma_wait3A : memref<1x6272xf32, #tpu.memory_space<hbm>> -> memref<6272xf32, #tpu.memory_space<hbm>>
      %dma_wait3A_24 = tpu.memref_slice %arg13[%mul3A_18] : memref<100352xf32, #tpu.memory_space<vmem_shared>> -> memref<6272xf32, #tpu.memory_space<vmem_shared>>
      tpu.wait_dma2 semaphore(%run_scoped3A : memref<!tpu.dma_semaphore, #tpu.memory_space<semaphore_mem>>) src(%dma_wait3A_24 : memref<6272xf32, #tpu.memory_space<vmem_shared>>) dst(%dma_wait3A_23 : memref<6272xf32, #tpu.memory_space<hbm>>)
      tpu.yield
    }) : () -> ()
    return
  }
}

#map = affine_map<(d0, d1) -> (0, 0, 0)>
#map1 = affine_map<(d0, d1) -> (0, 0)>
module attributes {stable_mosaic.version = 14 : i64} {
  func.func @_sc_hist(%arg0: i32, %arg1: i32, %arg2: memref<32x784x128xi32, #tpu.memory_space<hbm>>, %arg3: memref<2x100352xf32, #tpu.memory_space<hbm>>, %arg4: memref<56x128xi32, #tpu.memory_space<vmem>>, %arg5: memref<56x128xi32, #tpu.memory_space<vmem>>, %arg6: memref<128xf32, #tpu.memory_space<vmem>>, %arg7: memref<6272xf32, #tpu.memory_space<vmem>>, %arg8: memref<100352xf32, #tpu.memory_space<vmem_shared>>, %arg9: memref<!tpu.dma_semaphore, #tpu.memory_space<semaphore_mem>>, %arg10: memref<!tpu.dma_semaphore, #tpu.memory_space<semaphore_mem>>) attributes {dimension_semantics = [#tpu.dimension_semantics<core_parallel>, #tpu.dimension_semantics<subcore_parallel>], iteration_bounds = array<i64: 2, 16>, scalar_prefetch = 0 : i64, scratch_operands = 7 : i64, tpu.core_type = #tpu.core_type<sc_vector_subcore>, window_params = [{transform_indices = #map}, {transform_indices = #map1}]} {
    %mul3A = arith.constant 16 : i32
    %mul3A_0 = arith.muli %arg0, %mul3A : i32
    %add3A = arith.addi %mul3A_0, %arg1 : i32
    %scan3A = arith.constant 0 : i32
    %scan3A_1 = arith.constant 8 : i32
    %scan3A_2 = arith.addi %scan3A, %scan3A_1 : i32
    %scan3A_3 = arith.constant 1 : i32
    scf.for %scan3A_22 = %scan3A to %scan3A_2 step %scan3A_3  : i32 {
      %mul3A_23 = arith.constant 16 : i32
      %mul3A_24 = arith.muli %scan3A_22, %mul3A_23 : i32
      %add3A_25 = arith.constant 0 : i32
      %add3A_26 = arith.addi %add3A_25, %mul3A_24 : i32
      %broadcast_in_dim3A = arith.constant 1.000000e+00 : f32
      %broadcast_in_dim3A_27 = vector.broadcast %broadcast_in_dim3A : f32 to vector<16xf32>
      %swap3A = arith.index_cast %add3A_26 : i32 to index
      %swap3A_28 = tpu.vector_load %arg6[%swap3A] {strides = array<i32>} : memref<128xf32, #tpu.memory_space<vmem>>, vector<16xf32>,
      %swap3A_29 = vector.shape_cast %swap3A_28 : vector<16xf32> to vector<16xf32>
      %swap3A_30 = vector.shape_cast %broadcast_in_dim3A_27 : vector<16xf32> to vector<16xf32>
      tpu.vector_store %arg6[%swap3A], %swap3A_30 {strides = array<i32>} : memref<128xf32, #tpu.memory_space<vmem>>, vector<16xf32>,
    }
    %scan3A_4 = arith.constant 8 : i32
    %scan3A_5 = arith.constant 0 : i32
    %scan3A_6 = arith.constant 392 : i32
    %scan3A_7 = arith.addi %scan3A_5, %scan3A_6 : i32
    %scan3A_8 = arith.constant 1 : i32
    scf.for %scan3A_22 = %scan3A_5 to %scan3A_7 step %scan3A_8  : i32 {
      %mul3A_23 = arith.constant 16 : i32
      %mul3A_24 = arith.muli %scan3A_22, %mul3A_23 : i32
      %add3A_25 = arith.constant 0 : i32
      %add3A_26 = arith.addi %add3A_25, %mul3A_24 : i32
      %broadcast_in_dim3A = arith.constant 0.000000e+00 : f32
      %broadcast_in_dim3A_27 = vector.broadcast %broadcast_in_dim3A : f32 to vector<16xf32>
      %swap3A = arith.index_cast %add3A_26 : i32 to index
      %swap3A_28 = tpu.vector_load %arg7[%swap3A] {strides = array<i32>} : memref<6272xf32, #tpu.memory_space<vmem>>, vector<16xf32>,
      %swap3A_29 = vector.shape_cast %swap3A_28 : vector<16xf32> to vector<16xf32>
      %swap3A_30 = vector.shape_cast %broadcast_in_dim3A_27 : vector<16xf32> to vector<16xf32>
      tpu.vector_store %arg7[%swap3A], %swap3A_30 {strides = array<i32>} : memref<6272xf32, #tpu.memory_space<vmem>>, vector<16xf32>,
    }
    %scan3A_9 = arith.constant 392 : i32
    %mul3A_10 = arith.constant 6272 : i32
    %mul3A_11 = arith.muli %arg1, %mul3A_10 : i32
    "tpu.region"() ({
      %run_scoped3A = tpu.sem_alloc : memref<!tpu.dma_semaphore, #tpu.memory_space<semaphore_mem>>
      %dma_start3A = tpu.memref_slice %arg8[%mul3A_11] : memref<100352xf32, #tpu.memory_space<vmem_shared>> -> memref<6272xf32, #tpu.memory_space<vmem_shared>>
      %dma_start3A_22 = tpu.memref_slice %arg8[%mul3A_11] : memref<100352xf32, #tpu.memory_space<vmem_shared>> -> memref<6272xf32, #tpu.memory_space<vmem_shared>>
      tpu.enqueue_dma source(%arg7 : memref<6272xf32, #tpu.memory_space<vmem>>) target(%dma_start3A_22 : memref<6272xf32, #tpu.memory_space<vmem_shared>>) target_semaphore(%run_scoped3A : memref<!tpu.dma_semaphore, #tpu.memory_space<semaphore_mem>>)
      %dma_wait3A = tpu.memref_slice %arg8[%mul3A_11] : memref<100352xf32, #tpu.memory_space<vmem_shared>> -> memref<6272xf32, #tpu.memory_space<vmem_shared>>
      %dma_wait3A_23 = tpu.memref_slice %arg8[%mul3A_11] : memref<100352xf32, #tpu.memory_space<vmem_shared>> -> memref<6272xf32, #tpu.memory_space<vmem_shared>>
      tpu.wait_dma2 semaphore(%run_scoped3A : memref<!tpu.dma_semaphore, #tpu.memory_space<semaphore_mem>>) src(%arg7 : memref<6272xf32, #tpu.memory_space<vmem>>) dst(%dma_wait3A_23 : memref<6272xf32, #tpu.memory_space<vmem_shared>>)
      tpu.yield
    }) : () -> ()
    %barrier3A = arith.constant 0 : index
    tpu.barrier barrier_id(%barrier3A)
    %scan3A_12 = arith.constant 0 : i32
    %scan3A_13 = arith.constant 7 : i32
    %scan3A_14 = arith.addi %scan3A_12, %scan3A_13 : i32
    %scan3A_15 = arith.constant 1 : i32
    scf.for %scan3A_22 = %scan3A_12 to %scan3A_14 step %scan3A_15  : i32 {
      %mul3A_23 = arith.constant 2 : i32
      %mul3A_24 = arith.muli %scan3A_22, %mul3A_23 : i32
      %add3A_25 = arith.constant 0 : i32
      %add3A_26 = arith.addi %add3A_25, %mul3A_24 : i32
      %mul3A_27 = arith.constant 56 : i32
      %mul3A_28 = arith.muli %add3A_26, %mul3A_27 : i32
      "tpu.region"() ({
        %run_scoped3A = tpu.sem_alloc : memref<!tpu.dma_semaphore, #tpu.memory_space<semaphore_mem>>
        %dma_start3A = arith.constant 0 : i32
        %dma_start3A_53 = tpu.memref_slice %arg2[%add3A, %mul3A_28, %dma_start3A] : memref<32x784x128xi32, #tpu.memory_space<hbm>> -> memref<1x56x128xi32, #tpu.memory_space<hbm>>
        %dma_start3A_54 = tpu.memref_squeeze %dma_start3A_53 : memref<1x56x128xi32, #tpu.memory_space<hbm>> -> memref<56x128xi32, #tpu.memory_space<hbm>>
        %dma_start3A_55 = arith.constant 0 : i32
        %dma_start3A_56 = tpu.memref_slice %arg2[%add3A, %mul3A_28, %dma_start3A_55] : memref<32x784x128xi32, #tpu.memory_space<hbm>> -> memref<1x56x128xi32, #tpu.memory_space<hbm>>
        %dma_start3A_57 = tpu.memref_squeeze %dma_start3A_56 : memref<1x56x128xi32, #tpu.memory_space<hbm>> -> memref<56x128xi32, #tpu.memory_space<hbm>>
        tpu.enqueue_dma source(%dma_start3A_57 : memref<56x128xi32, #tpu.memory_space<hbm>>) target(%arg4 : memref<56x128xi32, #tpu.memory_space<vmem>>) target_semaphore(%run_scoped3A : memref<!tpu.dma_semaphore, #tpu.memory_space<semaphore_mem>>)
        %dma_wait3A = arith.constant 0 : i32
        %dma_wait3A_58 = tpu.memref_slice %arg2[%add3A, %mul3A_28, %dma_wait3A] : memref<32x784x128xi32, #tpu.memory_space<hbm>> -> memref<1x56x128xi32, #tpu.memory_space<hbm>>
        %dma_wait3A_59 = tpu.memref_squeeze %dma_wait3A_58 : memref<1x56x128xi32, #tpu.memory_space<hbm>> -> memref<56x128xi32, #tpu.memory_space<hbm>>
        %dma_wait3A_60 = arith.constant 0 : i32
        %dma_wait3A_61 = tpu.memref_slice %arg2[%add3A, %mul3A_28, %dma_wait3A_60] : memref<32x784x128xi32, #tpu.memory_space<hbm>> -> memref<1x56x128xi32, #tpu.memory_space<hbm>>
        %dma_wait3A_62 = tpu.memref_squeeze %dma_wait3A_61 : memref<1x56x128xi32, #tpu.memory_space<hbm>> -> memref<56x128xi32, #tpu.memory_space<hbm>>
        tpu.wait_dma2 semaphore(%run_scoped3A : memref<!tpu.dma_semaphore, #tpu.memory_space<semaphore_mem>>) src(%dma_wait3A_62 : memref<56x128xi32, #tpu.memory_space<hbm>>) dst(%arg4 : memref<56x128xi32, #tpu.memory_space<vmem>>)
        tpu.yield
      }) : () -> ()
      %scan3A_29 = arith.constant 0 : i32
      %scan3A_30 = arith.constant 56 : i32
      %scan3A_31 = arith.addi %scan3A_29, %scan3A_30 : i32
      %scan3A_32 = arith.constant 1 : i32
      scf.for %scan3A_53 = %scan3A_29 to %scan3A_31 step %scan3A_32  : i32 {
        %mul3A_54 = arith.constant 1 : i32
        %mul3A_55 = arith.muli %scan3A_53, %mul3A_54 : i32
        %add3A_56 = arith.constant 0 : i32
        %add3A_57 = arith.addi %add3A_56, %mul3A_55 : i32
        %dma_start3A = arith.constant 0 : i32
        %dma_start3A_58 = tpu.memref_slice %arg4[%add3A_57, %dma_start3A] : memref<56x128xi32, #tpu.memory_space<vmem>> -> memref<1x128xi32, #tpu.memory_space<vmem>>
        %dma_start3A_59 = tpu.memref_squeeze %dma_start3A_58 : memref<1x128xi32, #tpu.memory_space<vmem>> -> memref<128xi32, #tpu.memory_space<vmem>>
        %dma_start3A_60 = arith.constant 0 : i32
        %dma_start3A_61 = tpu.memref_slice %arg8[%dma_start3A_60] : memref<100352xf32, #tpu.memory_space<vmem_shared>> -> memref<100352xf32, #tpu.memory_space<vmem_shared>>
        tpu.enqueue_indirect_dma source(%arg6 : memref<128xf32, #tpu.memory_space<vmem>>) target(%dma_start3A_61 : memref<100352xf32, #tpu.memory_space<vmem_shared>>) offsets(%dma_start3A_59 : memref<128xi32, #tpu.memory_space<vmem>>) semaphore(%arg9 : memref<!tpu.dma_semaphore, #tpu.memory_space<semaphore_mem>>) {add = true}
      }
      %scan3A_33 = arith.constant 56 : i32
      %add3A_34 = arith.constant 1 : i32
      %add3A_35 = arith.addi %add3A_26, %add3A_34 : i32
      %mul3A_36 = arith.constant 56 : i32
      %mul3A_37 = arith.muli %add3A_35, %mul3A_36 : i32
      "tpu.region"() ({
        %run_scoped3A = tpu.sem_alloc : memref<!tpu.dma_semaphore, #tpu.memory_space<semaphore_mem>>
        %dma_start3A = arith.constant 0 : i32
        %dma_start3A_53 = tpu.memref_slice %arg2[%add3A, %mul3A_37, %dma_start3A] : memref<32x784x128xi32, #tpu.memory_space<hbm>> -> memref<1x56x128xi32, #tpu.memory_space<hbm>>
        %dma_start3A_54 = tpu.memref_squeeze %dma_start3A_53 : memref<1x56x128xi32, #tpu.memory_space<hbm>> -> memref<56x128xi32, #tpu.memory_space<hbm>>
        %dma_start3A_55 = arith.constant 0 : i32
        %dma_start3A_56 = tpu.memref_slice %arg2[%add3A, %mul3A_37, %dma_start3A_55] : memref<32x784x128xi32, #tpu.memory_space<hbm>> -> memref<1x56x128xi32, #tpu.memory_space<hbm>>
        %dma_start3A_57 = tpu.memref_squeeze %dma_start3A_56 : memref<1x56x128xi32, #tpu.memory_space<hbm>> -> memref<56x128xi32, #tpu.memory_space<hbm>>
        tpu.enqueue_dma source(%dma_start3A_57 : memref<56x128xi32, #tpu.memory_space<hbm>>) target(%arg5 : memref<56x128xi32, #tpu.memory_space<vmem>>) target_semaphore(%run_scoped3A : memref<!tpu.dma_semaphore, #tpu.memory_space<semaphore_mem>>)
        %dma_wait3A = arith.constant 0 : i32
        %dma_wait3A_58 = tpu.memref_slice %arg2[%add3A, %mul3A_37, %dma_wait3A] : memref<32x784x128xi32, #tpu.memory_space<hbm>> -> memref<1x56x128xi32, #tpu.memory_space<hbm>>
        %dma_wait3A_59 = tpu.memref_squeeze %dma_wait3A_58 : memref<1x56x128xi32, #tpu.memory_space<hbm>> -> memref<56x128xi32, #tpu.memory_space<hbm>>
        %dma_wait3A_60 = arith.constant 0 : i32
        %dma_wait3A_61 = tpu.memref_slice %arg2[%add3A, %mul3A_37, %dma_wait3A_60] : memref<32x784x128xi32, #tpu.memory_space<hbm>> -> memref<1x56x128xi32, #tpu.memory_space<hbm>>
        %dma_wait3A_62 = tpu.memref_squeeze %dma_wait3A_61 : memref<1x56x128xi32, #tpu.memory_space<hbm>> -> memref<56x128xi32, #tpu.memory_space<hbm>>
        tpu.wait_dma2 semaphore(%run_scoped3A : memref<!tpu.dma_semaphore, #tpu.memory_space<semaphore_mem>>) src(%dma_wait3A_62 : memref<56x128xi32, #tpu.memory_space<hbm>>) dst(%arg5 : memref<56x128xi32, #tpu.memory_space<vmem>>)
        tpu.yield
      }) : () -> ()
      %scan3A_38 = arith.constant 0 : i32
      %scan3A_39 = arith.constant 56 : i32
      %scan3A_40 = arith.addi %scan3A_38, %scan3A_39 : i32
      %scan3A_41 = arith.constant 1 : i32
      scf.for %scan3A_53 = %scan3A_38 to %scan3A_40 step %scan3A_41  : i32 {
        %mul3A_54 = arith.constant 1 : i32
        %mul3A_55 = arith.muli %scan3A_53, %mul3A_54 : i32
        %add3A_56 = arith.constant 0 : i32
        %add3A_57 = arith.addi %add3A_56, %mul3A_55 : i32
        %dma_start3A = arith.constant 0 : i32
        %dma_start3A_58 = tpu.memref_slice %arg5[%add3A_57, %dma_start3A] : memref<56x128xi32, #tpu.memory_space<vmem>> -> memref<1x128xi32, #tpu.memory_space<vmem>>
        %dma_start3A_59 = tpu.memref_squeeze %dma_start3A_58 : memref<1x128xi32, #tpu.memory_space<vmem>> -> memref<128xi32, #tpu.memory_space<vmem>>
        %dma_start3A_60 = arith.constant 0 : i32
        %dma_start3A_61 = tpu.memref_slice %arg8[%dma_start3A_60] : memref<100352xf32, #tpu.memory_space<vmem_shared>> -> memref<100352xf32, #tpu.memory_space<vmem_shared>>
        tpu.enqueue_indirect_dma source(%arg6 : memref<128xf32, #tpu.memory_space<vmem>>) target(%dma_start3A_61 : memref<100352xf32, #tpu.memory_space<vmem_shared>>) offsets(%dma_start3A_59 : memref<128xi32, #tpu.memory_space<vmem>>) semaphore(%arg10 : memref<!tpu.dma_semaphore, #tpu.memory_space<semaphore_mem>>) {add = true}
      }
      %scan3A_42 = arith.constant 56 : i32
      %scan3A_43 = arith.constant 0 : i32
      %scan3A_44 = arith.constant 56 : i32
      %scan3A_45 = arith.addi %scan3A_43, %scan3A_44 : i32
      %scan3A_46 = arith.constant 1 : i32
      scf.for %scan3A_53 = %scan3A_43 to %scan3A_45 step %scan3A_46  : i32 {
        %mul3A_54 = arith.constant 1 : i32
        %mul3A_55 = arith.muli %scan3A_53, %mul3A_54 : i32
        %add3A_56 = arith.constant 0 : i32
        %add3A_57 = arith.addi %add3A_56, %mul3A_55 : i32
        %dma_wait3A = arith.constant 0 : i32
        %dma_wait3A_58 = tpu.memref_slice %arg4[%add3A_57, %dma_wait3A] : memref<56x128xi32, #tpu.memory_space<vmem>> -> memref<1x128xi32, #tpu.memory_space<vmem>>
        %dma_wait3A_59 = tpu.memref_squeeze %dma_wait3A_58 : memref<1x128xi32, #tpu.memory_space<vmem>> -> memref<128xi32, #tpu.memory_space<vmem>>
        %dma_wait3A_60 = arith.constant 0 : i32
        %dma_wait3A_61 = tpu.memref_slice %arg8[%dma_wait3A_60] : memref<100352xf32, #tpu.memory_space<vmem_shared>> -> memref<100352xf32, #tpu.memory_space<vmem_shared>>
        tpu.wait_indirect_dma semaphore(%arg9 : memref<!tpu.dma_semaphore, #tpu.memory_space<semaphore_mem>>) src(%arg6 : memref<128xf32, #tpu.memory_space<vmem>>) dst(%dma_wait3A_61 : memref<100352xf32, #tpu.memory_space<vmem_shared>>)
      }
      %scan3A_47 = arith.constant 56 : i32
      %scan3A_48 = arith.constant 0 : i32
      %scan3A_49 = arith.constant 56 : i32
      %scan3A_50 = arith.addi %scan3A_48, %scan3A_49 : i32
      %scan3A_51 = arith.constant 1 : i32
      scf.for %scan3A_53 = %scan3A_48 to %scan3A_50 step %scan3A_51  : i32 {
        %mul3A_54 = arith.constant 1 : i32
        %mul3A_55 = arith.muli %scan3A_53, %mul3A_54 : i32
        %add3A_56 = arith.constant 0 : i32
        %add3A_57 = arith.addi %add3A_56, %mul3A_55 : i32
        %dma_wait3A = arith.constant 0 : i32
        %dma_wait3A_58 = tpu.memref_slice %arg5[%add3A_57, %dma_wait3A] : memref<56x128xi32, #tpu.memory_space<vmem>> -> memref<1x128xi32, #tpu.memory_space<vmem>>
        %dma_wait3A_59 = tpu.memref_squeeze %dma_wait3A_58 : memref<1x128xi32, #tpu.memory_space<vmem>> -> memref<128xi32, #tpu.memory_space<vmem>>
        %dma_wait3A_60 = arith.constant 0 : i32
        %dma_wait3A_61 = tpu.memref_slice %arg8[%dma_wait3A_60] : memref<100352xf32, #tpu.memory_space<vmem_shared>> -> memref<100352xf32, #tpu.memory_space<vmem_shared>>
        tpu.wait_indirect_dma semaphore(%arg10 : memref<!tpu.dma_semaphore, #tpu.memory_space<semaphore_mem>>) src(%arg6 : memref<128xf32, #tpu.memory_space<vmem>>) dst(%dma_wait3A_61 : memref<100352xf32, #tpu.memory_space<vmem_shared>>)
      }
      %scan3A_52 = arith.constant 56 : i32
    }
    %scan3A_16 = arith.constant 7 : i32
    %barrier3A_17 = arith.constant 0 : index
    tpu.barrier barrier_id(%barrier3A_17)
    %mul3A_18 = arith.constant 6272 : i32
    %mul3A_19 = arith.muli %arg1, %mul3A_18 : i32
    %mul3A_20 = arith.constant 6272 : i32
    %mul3A_21 = arith.muli %arg1, %mul3A_20 : i32
    "tpu.region"() ({
      %run_scoped3A = tpu.sem_alloc : memref<!tpu.dma_semaphore, #tpu.memory_space<semaphore_mem>>
      %dma_start3A = tpu.memref_slice %arg3[%arg0, %mul3A_21] : memref<2x100352xf32, #tpu.memory_space<hbm>> -> memref<1x6272xf32, #tpu.memory_space<hbm>>
      %dma_start3A_22 = tpu.memref_squeeze %dma_start3A : memref<1x6272xf32, #tpu.memory_space<hbm>> -> memref<6272xf32, #tpu.memory_space<hbm>>
      %dma_start3A_23 = tpu.memref_slice %arg8[%mul3A_19] : memref<100352xf32, #tpu.memory_space<vmem_shared>> -> memref<6272xf32, #tpu.memory_space<vmem_shared>>
      tpu.enqueue_dma source(%dma_start3A_23 : memref<6272xf32, #tpu.memory_space<vmem_shared>>) target(%dma_start3A_22 : memref<6272xf32, #tpu.memory_space<hbm>>) target_semaphore(%run_scoped3A : memref<!tpu.dma_semaphore, #tpu.memory_space<semaphore_mem>>)
      %dma_wait3A = tpu.memref_slice %arg3[%arg0, %mul3A_21] : memref<2x100352xf32, #tpu.memory_space<hbm>> -> memref<1x6272xf32, #tpu.memory_space<hbm>>
      %dma_wait3A_24 = tpu.memref_squeeze %dma_wait3A : memref<1x6272xf32, #tpu.memory_space<hbm>> -> memref<6272xf32, #tpu.memory_space<hbm>>
      %dma_wait3A_25 = tpu.memref_slice %arg8[%mul3A_19] : memref<100352xf32, #tpu.memory_space<vmem_shared>> -> memref<6272xf32, #tpu.memory_space<vmem_shared>>
      tpu.wait_dma2 semaphore(%run_scoped3A : memref<!tpu.dma_semaphore, #tpu.memory_space<semaphore_mem>>) src(%dma_wait3A_25 : memref<6272xf32, #tpu.memory_space<vmem_shared>>) dst(%dma_wait3A_24 : memref<6272xf32, #tpu.memory_space<hbm>>)
      tpu.yield
    }) : () -> ()
    return
  }
}

module attributes {stable_mosaic.version = 14 : i64} {
  func.func @_tc_prep_body(%arg0: memref<2x784x128xf32, #tpu.memory_space<vmem>>, %arg1: memref<784x128xf32, #tpu.memory_space<vmem>>, %arg2: memref<784x128xf32, #tpu.memory_space<vmem>>, %arg3: memref<784x128xf32, #tpu.memory_space<vmem>>, %arg4: memref<784x128xf32, #tpu.memory_space<vmem>>) attributes {dimension_semantics = [], scalar_prefetch = 0 : i64, scratch_operands = 0 : i64, tpu.core_type = #tpu.core_type<tc>} {
    %get3A = arith.constant 0 : index
    %get3A_0 = arith.constant 0 : index
    %get3A_1 = arith.constant 0 : index
    %get3A_2 = vector.load %arg0[%get3A, %get3A_0, %get3A_1] : memref<2x784x128xf32, #tpu.memory_space<vmem>>, vector<1x784x128xf32>
    %get3A_3 = vector.shape_cast %get3A_2 : vector<1x784x128xf32> to vector<784x128xf32>
    %get3A_4 = arith.constant 1 : index
    %get3A_5 = arith.constant 0 : index
    %get3A_6 = arith.constant 0 : index
    %get3A_7 = vector.load %arg0[%get3A_4, %get3A_5, %get3A_6] : memref<2x784x128xf32, #tpu.memory_space<vmem>>, vector<1x784x128xf32>
    %get3A_8 = vector.shape_cast %get3A_7 : vector<1x784x128xf32> to vector<784x128xf32>
    %add3A = arith.addf %get3A_3, %get3A_8 : vector<784x128xf32>
    %add3A_9 = arith.constant 1.000000e+00 : f32
    %add3A_10 = vector.broadcast %add3A_9 : f32 to vector<784x128xf32>
    %add3A_11 = arith.addf %add3A, %add3A_10 : vector<784x128xf32>
    %rsqrt3A = math.rsqrt %add3A_11 : vector<784x128xf32>
    %div3A = arith.constant 1.000000e+00 : f32
    %div3A_12 = vector.broadcast %div3A : f32 to vector<784x128xf32>
    %div3A_13 = arith.divf %div3A_12, %add3A_11 : vector<784x128xf32>
    %swap3A = arith.constant 0 : index
    %swap3A_14 = arith.constant 0 : index
    %swap3A_15 = vector.load %arg2[%swap3A, %swap3A_14] : memref<784x128xf32, #tpu.memory_space<vmem>>, vector<784x128xf32>
    tpu.vector_store %arg2[%swap3A, %swap3A_14], %rsqrt3A {strides = array<i32>} : memref<784x128xf32, #tpu.memory_space<vmem>>, vector<784x128xf32>,
    %swap3A_16 = arith.constant 0 : index
    %swap3A_17 = arith.constant 0 : index
    %swap3A_18 = vector.load %arg3[%swap3A_16, %swap3A_17] : memref<784x128xf32, #tpu.memory_space<vmem>>, vector<784x128xf32>
    tpu.vector_store %arg3[%swap3A_16, %swap3A_17], %div3A_13 {strides = array<i32>} : memref<784x128xf32, #tpu.memory_space<vmem>>, vector<784x128xf32>,
    %get3A_19 = arith.constant 0 : index
    %get3A_20 = arith.constant 0 : index
    %get3A_21 = vector.load %arg1[%get3A_19, %get3A_20] : memref<784x128xf32, #tpu.memory_space<vmem>>, vector<784x128xf32>
    %mul3A = arith.mulf %rsqrt3A, %get3A_21 : vector<784x128xf32>
    %swap3A_22 = arith.constant 0 : index
    %swap3A_23 = arith.constant 0 : index
    %swap3A_24 = vector.load %arg4[%swap3A_22, %swap3A_23] : memref<784x128xf32, #tpu.memory_space<vmem>>, vector<784x128xf32>
    tpu.vector_store %arg4[%swap3A_22, %swap3A_23], %mul3A {strides = array<i32>} : memref<784x128xf32, #tpu.memory_space<vmem>>, vector<784x128xf32>,
    return
  }
}

module attributes {stable_mosaic.version = 14 : i64} {
  func.func @_tc_uvwz_body(%arg0: memref<2x784x128xf32, #tpu.memory_space<vmem>>, %arg1: memref<784x128xf32, #tpu.memory_space<vmem>>, %arg2: memref<784x128xf32, #tpu.memory_space<vmem>>, %arg3: memref<784x128xf32, #tpu.memory_space<vmem>>, %arg4: memref<784x128xf32, #tpu.memory_space<vmem>>, %arg5: memref<784x128xf32, #tpu.memory_space<vmem>>, %arg6: memref<784x128xf32, #tpu.memory_space<vmem>>) attributes {dimension_semantics = [], scalar_prefetch = 0 : i64, scratch_operands = 0 : i64, tpu.core_type = #tpu.core_type<tc>} {
    %get3A = arith.constant 0 : index
    %get3A_0 = arith.constant 0 : index
    %get3A_1 = vector.load %arg1[%get3A, %get3A_0] : memref<784x128xf32, #tpu.memory_space<vmem>>, vector<784x128xf32>
    %get3A_2 = arith.constant 0 : index
    %get3A_3 = arith.constant 0 : index
    %get3A_4 = arith.constant 0 : index
    %get3A_5 = vector.load %arg0[%get3A_2, %get3A_3, %get3A_4] : memref<2x784x128xf32, #tpu.memory_space<vmem>>, vector<1x784x128xf32>
    %get3A_6 = vector.shape_cast %get3A_5 : vector<1x784x128xf32> to vector<784x128xf32>
    %get3A_7 = arith.constant 1 : index
    %get3A_8 = arith.constant 0 : index
    %get3A_9 = arith.constant 0 : index
    %get3A_10 = vector.load %arg0[%get3A_7, %get3A_8, %get3A_9] : memref<2x784x128xf32, #tpu.memory_space<vmem>>, vector<1x784x128xf32>
    %get3A_11 = vector.shape_cast %get3A_10 : vector<1x784x128xf32> to vector<784x128xf32>
    %add3A = arith.addf %get3A_6, %get3A_11 : vector<784x128xf32>
    %mul3A = arith.mulf %get3A_1, %add3A : vector<784x128xf32>
    %get3A_12 = arith.constant 0 : index
    %get3A_13 = arith.constant 0 : index
    %get3A_14 = vector.load %arg3[%get3A_12, %get3A_13] : memref<784x128xf32, #tpu.memory_space<vmem>>, vector<784x128xf32>
    %get3A_15 = arith.constant 0 : index
    %get3A_16 = arith.constant 0 : index
    %get3A_17 = vector.load %arg2[%get3A_15, %get3A_16] : memref<784x128xf32, #tpu.memory_space<vmem>>, vector<784x128xf32>
    %mul3A_18 = arith.mulf %get3A_14, %get3A_17 : vector<784x128xf32>
    %add3A_19 = arith.addf %mul3A, %mul3A_18 : vector<784x128xf32>
    %max3A = arith.constant 0.000000e+00 : f32
    %max3A_20 = vector.broadcast %max3A : f32 to vector<784x128xf32>
    %max3A_21 = arith.maximumf %add3A_19, %max3A_20 : vector<784x128xf32>
    %swap3A = arith.constant 0 : index
    %swap3A_22 = arith.constant 0 : index
    %swap3A_23 = vector.load %arg4[%swap3A, %swap3A_22] : memref<784x128xf32, #tpu.memory_space<vmem>>, vector<784x128xf32>
    tpu.vector_store %arg4[%swap3A, %swap3A_22], %max3A_21 {strides = array<i32>} : memref<784x128xf32, #tpu.memory_space<vmem>>, vector<784x128xf32>,
    %neg3A = arith.constant 0.000000e+00 : f32
    %neg3A_24 = vector.broadcast %neg3A : f32 to vector<784x128xf32>
    %neg3A_25 = arith.subf %neg3A_24, %add3A_19 : vector<784x128xf32>
    %max3A_26 = arith.constant 0.000000e+00 : f32
    %max3A_27 = vector.broadcast %max3A_26 : f32 to vector<784x128xf32>
    %max3A_28 = arith.maximumf %neg3A_25, %max3A_27 : vector<784x128xf32>
    %swap3A_29 = arith.constant 0 : index
    %swap3A_30 = arith.constant 0 : index
    %swap3A_31 = vector.load %arg5[%swap3A_29, %swap3A_30] : memref<784x128xf32, #tpu.memory_space<vmem>>, vector<784x128xf32>
    tpu.vector_store %arg5[%swap3A_29, %swap3A_30], %max3A_28 {strides = array<i32>} : memref<784x128xf32, #tpu.memory_space<vmem>>, vector<784x128xf32>,
    %get3A_32 = arith.constant 0 : index
    %get3A_33 = arith.constant 0 : index
    %get3A_34 = vector.load %arg1[%get3A_32, %get3A_33] : memref<784x128xf32, #tpu.memory_space<vmem>>, vector<784x128xf32>
    %mul3A_35 = arith.mulf %get3A_34, %add3A_19 : vector<784x128xf32>
    %swap3A_36 = arith.constant 0 : index
    %swap3A_37 = arith.constant 0 : index
    %swap3A_38 = vector.load %arg6[%swap3A_36, %swap3A_37] : memref<784x128xf32, #tpu.memory_space<vmem>>, vector<784x128xf32>
    tpu.vector_store %arg6[%swap3A_36, %swap3A_37], %mul3A_35 {strides = array<i32>} : memref<784x128xf32, #tpu.memory_space<vmem>>, vector<784x128xf32>,
    return
  }
}

module attributes {stable_mosaic.version = 14 : i64} {
  func.func @_tc_uv_body(%arg0: memref<2x784x128xf32, #tpu.memory_space<vmem>>, %arg1: memref<2x784x128xf32, #tpu.memory_space<vmem>>, %arg2: memref<784x128xf32, #tpu.memory_space<vmem>>, %arg3: memref<784x128xf32, #tpu.memory_space<vmem>>, %arg4: memref<784x128xf32, #tpu.memory_space<vmem>>, %arg5: memref<784x128xf32, #tpu.memory_space<vmem>>, %arg6: memref<784x128xf32, #tpu.memory_space<vmem>>, %arg7: memref<784x128xf32, #tpu.memory_space<vmem>>) attributes {dimension_semantics = [], scalar_prefetch = 0 : i64, scratch_operands = 0 : i64, tpu.core_type = #tpu.core_type<tc>} {
    %get3A = arith.constant 0 : index
    %get3A_0 = arith.constant 0 : index
    %get3A_1 = vector.load %arg2[%get3A, %get3A_0] : memref<784x128xf32, #tpu.memory_space<vmem>>, vector<784x128xf32>
    %get3A_2 = arith.constant 0 : index
    %get3A_3 = arith.constant 0 : index
    %get3A_4 = arith.constant 0 : index
    %get3A_5 = vector.load %arg0[%get3A_2, %get3A_3, %get3A_4] : memref<2x784x128xf32, #tpu.memory_space<vmem>>, vector<1x784x128xf32>
    %get3A_6 = vector.shape_cast %get3A_5 : vector<1x784x128xf32> to vector<784x128xf32>
    %get3A_7 = arith.constant 1 : index
    %get3A_8 = arith.constant 0 : index
    %get3A_9 = arith.constant 0 : index
    %get3A_10 = vector.load %arg0[%get3A_7, %get3A_8, %get3A_9] : memref<2x784x128xf32, #tpu.memory_space<vmem>>, vector<1x784x128xf32>
    %get3A_11 = vector.shape_cast %get3A_10 : vector<1x784x128xf32> to vector<784x128xf32>
    %add3A = arith.addf %get3A_6, %get3A_11 : vector<784x128xf32>
    %mul3A = arith.mulf %get3A_1, %add3A : vector<784x128xf32>
    %get3A_12 = arith.constant 0 : index
    %get3A_13 = arith.constant 0 : index
    %get3A_14 = vector.load %arg4[%get3A_12, %get3A_13] : memref<784x128xf32, #tpu.memory_space<vmem>>, vector<784x128xf32>
    %get3A_15 = arith.constant 0 : index
    %get3A_16 = arith.constant 0 : index
    %get3A_17 = vector.load %arg3[%get3A_15, %get3A_16] : memref<784x128xf32, #tpu.memory_space<vmem>>, vector<784x128xf32>
    %mul3A_18 = arith.mulf %get3A_14, %get3A_17 : vector<784x128xf32>
    %add3A_19 = arith.addf %mul3A, %mul3A_18 : vector<784x128xf32>
    %swap3A = arith.constant 0 : index
    %swap3A_20 = arith.constant 0 : index
    %swap3A_21 = vector.load %arg6[%swap3A, %swap3A_20] : memref<784x128xf32, #tpu.memory_space<vmem>>, vector<784x128xf32>
    tpu.vector_store %arg6[%swap3A, %swap3A_20], %add3A_19 {strides = array<i32>} : memref<784x128xf32, #tpu.memory_space<vmem>>, vector<784x128xf32>,
    %get3A_22 = arith.constant 0 : index
    %get3A_23 = arith.constant 0 : index
    %get3A_24 = vector.load %arg2[%get3A_22, %get3A_23] : memref<784x128xf32, #tpu.memory_space<vmem>>, vector<784x128xf32>
    %get3A_25 = arith.constant 0 : index
    %get3A_26 = arith.constant 0 : index
    %get3A_27 = arith.constant 0 : index
    %get3A_28 = vector.load %arg1[%get3A_25, %get3A_26, %get3A_27] : memref<2x784x128xf32, #tpu.memory_space<vmem>>, vector<1x784x128xf32>
    %get3A_29 = vector.shape_cast %get3A_28 : vector<1x784x128xf32> to vector<784x128xf32>
    %get3A_30 = arith.constant 1 : index
    %get3A_31 = arith.constant 0 : index
    %get3A_32 = arith.constant 0 : index
    %get3A_33 = vector.load %arg1[%get3A_30, %get3A_31, %get3A_32] : memref<2x784x128xf32, #tpu.memory_space<vmem>>, vector<1x784x128xf32>
    %get3A_34 = vector.shape_cast %get3A_33 : vector<1x784x128xf32> to vector<784x128xf32>
    %add3A_35 = arith.addf %get3A_29, %get3A_34 : vector<784x128xf32>
    %mul3A_36 = arith.mulf %get3A_24, %add3A_35 : vector<784x128xf32>
    %get3A_37 = arith.constant 0 : index
    %get3A_38 = arith.constant 0 : index
    %get3A_39 = vector.load %arg5[%get3A_37, %get3A_38] : memref<784x128xf32, #tpu.memory_space<vmem>>, vector<784x128xf32>
    %get3A_40 = arith.constant 0 : index
    %get3A_41 = arith.constant 0 : index
    %get3A_42 = vector.load %arg3[%get3A_40, %get3A_41] : memref<784x128xf32, #tpu.memory_space<vmem>>, vector<784x128xf32>
    %mul3A_43 = arith.mulf %get3A_39, %get3A_42 : vector<784x128xf32>
    %add3A_44 = arith.addf %mul3A_36, %mul3A_43 : vector<784x128xf32>
    %swap3A_45 = arith.constant 0 : index
    %swap3A_46 = arith.constant 0 : index
    %swap3A_47 = vector.load %arg7[%swap3A_45, %swap3A_46] : memref<784x128xf32, #tpu.memory_space<vmem>>, vector<784x128xf32>
    tpu.vector_store %arg7[%swap3A_45, %swap3A_46], %add3A_44 {strides = array<i32>} : memref<784x128xf32, #tpu.memory_space<vmem>>, vector<784x128xf32>,
    return
  }
}

module attributes {stable_mosaic.version = 14 : i64} {
  func.func @_tc_pool_body(%arg0: i32, %arg1: memref<2048x1xf32, #tpu.memory_space<vmem>>, %arg2: memref<2048x1xf32, #tpu.memory_space<vmem>>, %arg3: memref<2048x1xi32, #tpu.memory_space<vmem>>, %arg4: memref<1x32xf32, #tpu.memory_space<vmem>>, %arg5: memref<1x32xf32, #tpu.memory_space<vmem>>, %arg6: memref<1x32xf32, #tpu.memory_space<vmem>>, %arg7: memref<32x16xf32, #tpu.memory_space<vmem>>, %arg8: memref<1x16xf32, #tpu.memory_space<vmem>>, %arg9: memref<16x1xf32, #tpu.memory_space<vmem>>, %arg10: memref<1x1xf32, #tpu.memory_space<vmem>>, %arg11: memref<64x1xf32, #tpu.memory_space<vmem>>, %arg12: memref<64x32xf32, #tpu.memory_space<vmem>>, %arg13: memref<64x1xf32, #tpu.memory_space<vmem>>) attributes {dimension_semantics = [#tpu.dimension_semantics<arbitrary>], iteration_bounds = array<i64: 49>, scalar_prefetch = 0 : i64, scratch_operands = 2 : i64, tpu.core_type = #tpu.core_type<tc>, window_params = [{transform_indices = @transform_0, window_bounds = array<i64: 2048, 1>}, {transform_indices = @transform_1, window_bounds = array<i64: 2048, 1>}, {transform_indices = @transform_2, window_bounds = array<i64: 2048, 1>}, {pipeline_mode = #tpu.pipeline_mode<synchronous>, transform_indices = @transform_3, window_bounds = array<i64: 1, 32>}, {pipeline_mode = #tpu.pipeline_mode<synchronous>, transform_indices = @transform_4, window_bounds = array<i64: 1, 32>}, {pipeline_mode = #tpu.pipeline_mode<synchronous>, transform_indices = @transform_5, window_bounds = array<i64: 1, 32>}, {pipeline_mode = #tpu.pipeline_mode<synchronous>, transform_indices = @transform_6, window_bounds = array<i64: 32, 16>}, {pipeline_mode = #tpu.pipeline_mode<synchronous>, transform_indices = @transform_7, window_bounds = array<i64: 1, 16>}, {pipeline_mode = #tpu.pipeline_mode<synchronous>, transform_indices = @transform_8, window_bounds = array<i64: 16, 1>}, {pipeline_mode = #tpu.pipeline_mode<synchronous>, transform_indices = @transform_9, window_bounds = array<i64: 1, 1>}, {pipeline_mode = #tpu.pipeline_mode<synchronous>, transform_indices = @transform_10, window_bounds = array<i64: 64, 1>}]} {
    %eq3A = arith.constant 0 : i32
    %eq3A_0 = arith.cmpi eq, %arg0, %eq3A : i32
    %convert_element_type3A = arith.extui %eq3A_0 : i1 to i32
    %cond3A = arith.constant 0 : i32
    %cond3A_1 = arith.cmpi ne, %convert_element_type3A, %cond3A : i32
    scf.if %cond3A_1 {
      %broadcast_in_dim3A_54 = arith.constant 0.000000e+00 : f32
      %broadcast_in_dim3A_55 = vector.broadcast %broadcast_in_dim3A_54 : f32 to vector<64x32xf32>
      %swap3A_56 = arith.constant 0 : index
      %swap3A_57 = arith.constant 0 : index
      %swap3A_58 = vector.load %arg12[%swap3A_56, %swap3A_57] : memref<64x32xf32, #tpu.memory_space<vmem>>, vector<64x32xf32>
      tpu.vector_store %arg12[%swap3A_56, %swap3A_57], %broadcast_in_dim3A_55 {strides = array<i32>} : memref<64x32xf32, #tpu.memory_space<vmem>>, vector<64x32xf32>,
      %broadcast_in_dim3A_59 = arith.constant 0.000000e+00 : f32
      %broadcast_in_dim3A_60 = vector.broadcast %broadcast_in_dim3A_59 : f32 to vector<64x1xf32>
      %swap3A_61 = arith.constant 0 : index
      %swap3A_62 = arith.constant 0 : index
      %swap3A_63 = vector.load %arg13[%swap3A_61, %swap3A_62] : memref<64x1xf32, #tpu.memory_space<vmem>>, vector<64x1xf32>
      tpu.vector_store %arg13[%swap3A_61, %swap3A_62], %broadcast_in_dim3A_60 {strides = array<i32>} : memref<64x1xf32, #tpu.memory_space<vmem>>, vector<64x1xf32>,
    } else {
    }
    %get3A = arith.constant 0 : index
    %get3A_2 = arith.constant 0 : index
    %get3A_3 = vector.load %arg1[%get3A, %get3A_2] : memref<2048x1xf32, #tpu.memory_space<vmem>>, vector<2048x1xf32>
    %get3A_4 = arith.constant 0 : index
    %get3A_5 = arith.constant 0 : index
    %get3A_6 = vector.load %arg4[%get3A_4, %get3A_5] : memref<1x32xf32, #tpu.memory_space<vmem>>, vector<1x32xf32>
    %mul3A = vector.broadcast %get3A_3 : vector<2048x1xf32> to vector<2048x32xf32>
    %mul3A_7 = vector.broadcast %get3A_6 : vector<1x32xf32> to vector<2048x32xf32>
    %mul3A_8 = arith.mulf %mul3A, %mul3A_7 : vector<2048x32xf32>
    %get3A_9 = arith.constant 0 : index
    %get3A_10 = arith.constant 0 : index
    %get3A_11 = vector.load %arg2[%get3A_9, %get3A_10] : memref<2048x1xf32, #tpu.memory_space<vmem>>, vector<2048x1xf32>
    %get3A_12 = arith.constant 0 : index
    %get3A_13 = arith.constant 0 : index
    %get3A_14 = vector.load %arg5[%get3A_12, %get3A_13] : memref<1x32xf32, #tpu.memory_space<vmem>>, vector<1x32xf32>
    %mul3A_15 = vector.broadcast %get3A_11 : vector<2048x1xf32> to vector<2048x32xf32>
    %mul3A_16 = vector.broadcast %get3A_14 : vector<1x32xf32> to vector<2048x32xf32>
    %mul3A_17 = arith.mulf %mul3A_15, %mul3A_16 : vector<2048x32xf32>
    %add3A = arith.addf %mul3A_8, %mul3A_17 : vector<2048x32xf32>
    %get3A_18 = arith.constant 0 : index
    %get3A_19 = arith.constant 0 : index
    %get3A_20 = vector.load %arg6[%get3A_18, %get3A_19] : memref<1x32xf32, #tpu.memory_space<vmem>>, vector<1x32xf32>
    %add3A_21 = vector.broadcast %get3A_20 : vector<1x32xf32> to vector<2048x32xf32>
    %add3A_22 = arith.addf %add3A, %add3A_21 : vector<2048x32xf32>
    %max3A = arith.constant 0.000000e+00 : f32
    %max3A_23 = vector.broadcast %max3A : f32 to vector<2048x32xf32>
    %max3A_24 = arith.maximumf %add3A_22, %max3A_23 : vector<2048x32xf32>
    %iota3A = tpu.iota {dimensions = array<i32: 1>} : vector<2048x64xi32>
    %get3A_25 = arith.constant 0 : index
    %get3A_26 = arith.constant 0 : index
    %get3A_27 = vector.load %arg3[%get3A_25, %get3A_26] : memref<2048x1xi32, #tpu.memory_space<vmem>>, vector<2048x1xi32>
    %eq3A_28 = vector.broadcast %get3A_27 : vector<2048x1xi32> to vector<2048x64xi32>
    %eq3A_29 = arith.cmpi eq, %eq3A_28, %iota3A : vector<2048x64xi32>
    %convert_element_type3A_30 = arith.extui %eq3A_29 : vector<2048x64xi1> to vector<2048x64xi32>
    %convert_element_type3A_31 = arith.sitofp %convert_element_type3A_30 : vector<2048x64xi32> to vector<2048x64xf32>
    %get3A_32 = arith.constant 0 : index
    %get3A_33 = arith.constant 0 : index
    %get3A_34 = vector.load %arg12[%get3A_32, %get3A_33] : memref<64x32xf32, #tpu.memory_space<vmem>>, vector<64x32xf32>
    %dot_general3A = arith.constant dense<0.000000e+00> : vector<64x32xf32>
    %dot_general3A_35 = tpu.matmul %convert_element_type3A_31, %max3A_24, %dot_general3A {dimension_numbers = #tpu.dot_dimension_numbers<[0], [0], [1], [1], [0, 1, 1, 1], [], []>, transpose_lhs_hint = false} : vector<2048x64xf32>, vector<2048x32xf32>, vector<64x32xf32> -> vector<64x32xf32>
    %add3A_36 = arith.addf %get3A_34, %dot_general3A_35 : vector<64x32xf32>
    %swap3A = arith.constant 0 : index
    %swap3A_37 = arith.constant 0 : index
    %swap3A_38 = vector.load %arg12[%swap3A, %swap3A_37] : memref<64x32xf32, #tpu.memory_space<vmem>>, vector<64x32xf32>
    tpu.vector_store %arg12[%swap3A, %swap3A_37], %add3A_36 {strides = array<i32>} : memref<64x32xf32, #tpu.memory_space<vmem>>, vector<64x32xf32>,
    %get3A_39 = arith.constant 0 : index
    %get3A_40 = arith.constant 0 : index
    %get3A_41 = vector.load %arg13[%get3A_39, %get3A_40] : memref<64x1xf32, #tpu.memory_space<vmem>>, vector<64x1xf32>
    %broadcast_in_dim3A = arith.constant 1.000000e+00 : f32
    %broadcast_in_dim3A_42 = vector.broadcast %broadcast_in_dim3A : f32 to vector<2048x1xf32>
    %dot_general3A_43 = arith.constant dense<0.000000e+00> : vector<64x1xf32>
    %dot_general3A_44 = tpu.matmul %convert_element_type3A_31, %broadcast_in_dim3A_42, %dot_general3A_43 {dimension_numbers = #tpu.dot_dimension_numbers<[0], [0], [1], [1], [0, 1, 1, 1], [], []>, transpose_lhs_hint = false} : vector<2048x64xf32>, vector<2048x1xf32>, vector<64x1xf32> -> vector<64x1xf32>
    %add3A_45 = arith.addf %get3A_41, %dot_general3A_44 : vector<64x1xf32>
    %swap3A_46 = arith.constant 0 : index
    %swap3A_47 = arith.constant 0 : index
    %swap3A_48 = vector.load %arg13[%swap3A_46, %swap3A_47] : memref<64x1xf32, #tpu.memory_space<vmem>>, vector<64x1xf32>
    tpu.vector_store %arg13[%swap3A_46, %swap3A_47], %add3A_45 {strides = array<i32>} : memref<64x1xf32, #tpu.memory_space<vmem>>, vector<64x1xf32>,
    %eq3A_49 = arith.constant 48 : i32
    %eq3A_50 = arith.cmpi eq, %arg0, %eq3A_49 : i32
    %convert_element_type3A_51 = arith.extui %eq3A_50 : i1 to i32
    %cond3A_52 = arith.constant 0 : i32
    %cond3A_53 = arith.cmpi ne, %convert_element_type3A_51, %cond3A_52 : i32
    scf.if %cond3A_53 {
      %get3A_54 = arith.constant 0 : index
      %get3A_55 = arith.constant 0 : index
      %get3A_56 = vector.load %arg12[%get3A_54, %get3A_55] : memref<64x32xf32, #tpu.memory_space<vmem>>, vector<64x32xf32>
      %get3A_57 = arith.constant 0 : index
      %get3A_58 = arith.constant 0 : index
      %get3A_59 = vector.load %arg13[%get3A_57, %get3A_58] : memref<64x1xf32, #tpu.memory_space<vmem>>, vector<64x1xf32>
      %max3A_60 = arith.constant 1.000000e+00 : f32
      %max3A_61 = vector.broadcast %max3A_60 : f32 to vector<64x1xf32>
      %max3A_62 = arith.maximumf %get3A_59, %max3A_61 : vector<64x1xf32>
      %div3A = vector.broadcast %max3A_62 : vector<64x1xf32> to vector<64x32xf32>
      %div3A_63 = arith.divf %get3A_56, %div3A : vector<64x32xf32>
      %get3A_64 = arith.constant 0 : index
      %get3A_65 = arith.constant 0 : index
      %get3A_66 = vector.load %arg7[%get3A_64, %get3A_65] : memref<32x16xf32, #tpu.memory_space<vmem>>, vector<32x16xf32>
      %dot_general3A_67 = arith.constant dense<0.000000e+00> : vector<64x16xf32>
      %dot_general3A_68 = tpu.matmul %div3A_63, %get3A_66, %dot_general3A_67 {dimension_numbers = #tpu.dot_dimension_numbers<[1], [0], [0], [1], [0, 0, 1, 1], [], []>, transpose_lhs_hint = false} : vector<64x32xf32>, vector<32x16xf32>, vector<64x16xf32> -> vector<64x16xf32>
      %get3A_69 = arith.constant 0 : index
      %get3A_70 = arith.constant 0 : index
      %get3A_71 = vector.load %arg8[%get3A_69, %get3A_70] : memref<1x16xf32, #tpu.memory_space<vmem>>, vector<1x16xf32>
      %add3A_72 = vector.broadcast %get3A_71 : vector<1x16xf32> to vector<64x16xf32>
      %add3A_73 = arith.addf %dot_general3A_68, %add3A_72 : vector<64x16xf32>
      %max3A_74 = arith.constant 0.000000e+00 : f32
      %max3A_75 = vector.broadcast %max3A_74 : f32 to vector<64x16xf32>
      %max3A_76 = arith.maximumf %add3A_73, %max3A_75 : vector<64x16xf32>
      %get3A_77 = arith.constant 0 : index
      %get3A_78 = arith.constant 0 : index
      %get3A_79 = vector.load %arg9[%get3A_77, %get3A_78] : memref<16x1xf32, #tpu.memory_space<vmem>>, vector<16x1xf32>
      %dot_general3A_80 = arith.constant dense<0.000000e+00> : vector<64x1xf32>
      %dot_general3A_81 = tpu.matmul %max3A_76, %get3A_79, %dot_general3A_80 {dimension_numbers = #tpu.dot_dimension_numbers<[1], [0], [0], [1], [0, 0, 1, 1], [], []>, transpose_lhs_hint = false} : vector<64x16xf32>, vector<16x1xf32>, vector<64x1xf32> -> vector<64x1xf32>
      %get3A_82 = arith.constant 0 : index
      %get3A_83 = arith.constant 0 : index
      %get3A_84 = vector.load %arg10[%get3A_82, %get3A_83] : memref<1x1xf32, #tpu.memory_space<vmem>>, vector<1x1xf32>
      %add3A_85 = vector.broadcast %get3A_84 : vector<1x1xf32> to vector<64x1xf32>
      %add3A_86 = arith.addf %dot_general3A_81, %add3A_85 : vector<64x1xf32>
      %logistic3A = arith.negf %add3A_86 : vector<64x1xf32>
      %logistic3A_87 = math.exp %logistic3A : vector<64x1xf32>
      %logistic3A_88 = arith.constant 1.000000e+00 : f32
      %logistic3A_89 = vector.broadcast %logistic3A_88 : f32 to vector<64x1xf32>
      %logistic3A_90 = arith.addf %logistic3A_89, %logistic3A_87 : vector<64x1xf32>
      %logistic3A_91 = arith.divf %logistic3A_89, %logistic3A_90 : vector<64x1xf32>
      %swap3A_92 = arith.constant 0 : index
      %swap3A_93 = arith.constant 0 : index
      %swap3A_94 = vector.load %arg11[%swap3A_92, %swap3A_93] : memref<64x1xf32, #tpu.memory_space<vmem>>, vector<64x1xf32>
      tpu.vector_store %arg11[%swap3A_92, %swap3A_93], %logistic3A_91 {strides = array<i32>} : memref<64x1xf32, #tpu.memory_space<vmem>>, vector<64x1xf32>,
    } else {
    }
    return
  }
  func.func @transform_0(%arg0: i32) -> (i32, i32) {
    %c0_i32 = arith.constant 0 : i32
    %c0_i32_0 = arith.constant 0 : i32
    return %arg0, %c0_i32 : i32, i32
  }
  func.func @transform_1(%arg0: i32) -> (i32, i32) {
    %c0_i32 = arith.constant 0 : i32
    %c0_i32_0 = arith.constant 0 : i32
    return %arg0, %c0_i32 : i32, i32
  }
  func.func @transform_2(%arg0: i32) -> (i32, i32) {
    %c0_i32 = arith.constant 0 : i32
    %c0_i32_0 = arith.constant 0 : i32
    return %arg0, %c0_i32 : i32, i32
  }
  func.func @transform_3(%arg0: i32) -> (i32, i32) {
    %c0_i32 = arith.constant 0 : i32
    %c0_i32_0 = arith.constant 0 : i32
    %c0_i32_1 = arith.constant 0 : i32
    return %c0_i32, %c0_i32_0 : i32, i32
  }
  func.func @transform_4(%arg0: i32) -> (i32, i32) {
    %c0_i32 = arith.constant 0 : i32
    %c0_i32_0 = arith.constant 0 : i32
    %c0_i32_1 = arith.constant 0 : i32
    return %c0_i32, %c0_i32_0 : i32, i32
  }
  func.func @transform_5(%arg0: i32) -> (i32, i32) {
    %c0_i32 = arith.constant 0 : i32
    %c0_i32_0 = arith.constant 0 : i32
    %c0_i32_1 = arith.constant 0 : i32
    return %c0_i32, %c0_i32_0 : i32, i32
  }
  func.func @transform_6(%arg0: i32) -> (i32, i32) {
    %c0_i32 = arith.constant 0 : i32
    %c0_i32_0 = arith.constant 0 : i32
    %c0_i32_1 = arith.constant 0 : i32
    return %c0_i32, %c0_i32_0 : i32, i32
  }
  func.func @transform_7(%arg0: i32) -> (i32, i32) {
    %c0_i32 = arith.constant 0 : i32
    %c0_i32_0 = arith.constant 0 : i32
    %c0_i32_1 = arith.constant 0 : i32
    return %c0_i32, %c0_i32_0 : i32, i32
  }
  func.func @transform_8(%arg0: i32) -> (i32, i32) {
    %c0_i32 = arith.constant 0 : i32
    %c0_i32_0 = arith.constant 0 : i32
    %c0_i32_1 = arith.constant 0 : i32
    return %c0_i32, %c0_i32_0 : i32, i32
  }
  func.func @transform_9(%arg0: i32) -> (i32, i32) {
    %c0_i32 = arith.constant 0 : i32
    %c0_i32_0 = arith.constant 0 : i32
    %c0_i32_1 = arith.constant 0 : i32
    return %c0_i32, %c0_i32_0 : i32, i32
  }
  func.func @transform_10(%arg0: i32) -> (i32, i32) {
    %c0_i32 = arith.constant 0 : i32
    %c0_i32_0 = arith.constant 0 : i32
    %c0_i32_1 = arith.constant 0 : i32
    return %c0_i32, %c0_i32_0 : i32, i32
  }
}

</mosaic_0001>

<sc_bundles>
// kernel: kernel.12.cloned.1.call-start
scs
__scs_entry_jumppad:
0x0: {  	(pc) =	sbr.rel $0x88, $3  }
0x1: {  	(tag) =	ssettag $0x0;
	lr =	simm.s32 $0x1  }
0x2: {  	[smem:$0x3F97] =	sst lr;
	_ =	strace $0xD0000000  }
0x3: {  	_ = 	snop  }
0x4: {  	_ = 	snop  }
0x5: {  	_ = 	snop  }
0x6: {  	_ = 	snop  }
0x7: {  	_ = 	snop  }
__scs_overlays_trampoline_lowered:
0x8: {  	[smem:$0x3FA6] =	sst s0  }
0x9: {  	[smem:$0x3FA7] =	sst s1  }
0xa: {  	[smem:$0x3FA8] =	sst s2  }
0xb: {  	[smem:$0x3FA9] =	sst s3  }
0xc: {  	[smem:$0x3FAA] =	sst s4  }
0xd: {  	[smem:$0x3FAB] =	sst s5  }
0xe: {  	[smem:$0x3FAC] =	sst s6  }
0xf: {  	[smem:$0x3FAD] =	sst s7  }
0x10: {  	[smem:$0x3FAE] =	sst s8  }
0x11: {  	[smem:$0x3FAF] =	sst s9;
	s0 =	simm.s32 @!p0 $0x0  }
0x12: {  	s1 =	sld [smem:$0x3F95];
	s0 =	simm.s32 @p0 $0x1  }
0x13: {  	[smem:$0x3FB0] =	sst s0;
	s0 =	simm.s32 @!p1 $0x0  }
0x14: {  	s2 =	sld [smem:$0x3F94];
	s0 =	simm.s32 @p1 $0x1  }
0x15: {  	[smem:$0x3FB1] =	sst s0;
	s0 =	simm.s32 @!p2 $0x0  }
0x16: {  	s3 =	sld [smem:$0x3FDB];
	s0 =	simm.s32 @p2 $0x1  }
0x17: {  	s4 =	simm.s32 $0x1BF5;
	[smem:$0x3FB3] =	sst s0  }
0x18: {  	s0 =	sld [smem:$0x3F96];
	_ =	swait.ge [sflag:s4], $0x0  }
0x19: {  	s7 =	sld [smem:$0x3F97]  }
0x1a: {  	s8 =	sadd.s32 $0xFFFFE003, lr  }
0x1b: {  	s9 =	sadd.s32 $0xFFFFFEF7, lr;
	s5 =	simm.s32 $0xFFFFFFFF;
	p2 =	slt.u32 s8, $0xFFFFF086  }
0x1c: {  	p1 =	slt.u32 s9, $0xF7A;
	s5 =	simm.s32 @!p2 $0x0  }
0x1d: {  	s5 =	simm.s32 @p1 $0x1;
	p0 =	seq.s32 s7, s2  }
0x1e: {  	s7 =	smul.u32 @!p0 $0xF7A, s2;
	p2 =	seq.s32 @!p0 s5, $0x0  }
0x1f: {  	s9 =	smul.u32 $0xF7A, s1;
	s8 =	simm.s32 @!p0 $0x1BF5;
	p2 =	por !p2, p0  }
0x20: {  	[sflag:s8] =	ssyncset.s32 @!p0 $0xFFFFF086;
	s6 =	sadd.s32 @!p0 s3, s7;
	s7 =	simm.s32 @!p0 $0x108  }
0x21: {  	s3 =	sadd.s32 s3, s9;
	s6 =	sadd.s32 @!p0 $0x88, s6;
	s7 =	simm.s32 @p2 $0x1082  }
0x22: {  	[simem:s7], [sflag:s8] =	dma.local @!p0 [hbm:s6], $0xF7A  }
0x23: {  	s9 =	sor.u32 $0xD0000000, s2;
	s6 =	simm.s32 $0x108;
	_ =	swait.ge @!p0 [sflag:s8], $0x0  }
0x24: {  	s3 =	sadd.s32 $0x88, s3;
	s6 =	simm.s32 @!p1 $0x1082;
	[sflag:s4] =	ssyncset.s32 $0xFFFFF086  }
0x25: {  	[simem:s6], [sflag:s4] =	dma.local [hbm:s3], $0xF7A  }
0x26: {  	[smem:$0x3F97] =	sst s1;
	(tag) =	ssettag s2;
	_ =	strace s9  }
0x27: {  	s1 =	sld [smem:$0x3FA7]  }
0x28: {  	s2 =	sld [smem:$0x3FA8]  }
0x29: {  	s4 =	sld [smem:$0x3FAA]  }
0x2a: {  	p0 =	seq.s32 s5, $0x0;
	s5 =	sld [smem:$0x3FAB]  }
0x2b: {  	s6 =	sld [smem:$0x3FAC]  }
0x2c: {  	s7 =	sld [smem:$0x3FAD]  }
0x2d: {  	s3 =	simm.s32 $0x108;
	s8 =	sld [smem:$0x3FAE]  }
0x2e: {  	s3 =	simm.s32 @!p0 $0x1082;
	s9 =	sld [smem:$0x3FAF]  }
0x2f: {  	lr =	sadd.s32 s0, s3;
	s0 =	sld [smem:$0x3FA6]  }
0x30: {  	s3 =	sld [smem:$0x3FA9]  }
0x31: {  	[smem:$0x3FB2] =	sst s10  }
0x32: {  	s10 =	sld [smem:$0x3FB0];
	_ =	sdelay $0x3  }
0x33: {  	p0 =	seq.s32 s10, $0x1;
	s10 =	sld [smem:$0x3FB2];
	_ =	sdelay $0x3  }
0x34: {  	[smem:$0x3FB2] =	sst s10  }
0x35: {  	s10 =	sld [smem:$0x3FB1];
	_ =	sdelay $0x3  }
0x36: {  	p1 =	seq.s32 s10, $0x1;
	s10 =	sld [smem:$0x3FB2];
	_ =	sdelay $0x3  }
0x37: {  	[smem:$0x3FB2] =	sst s10  }
0x38: {  	s10 =	sld [smem:$0x3FB3]  }
0x39: {  	_ = 	snop;
	(pc) =	sbr.ind lr, $3  }
0x3a: {  	_ = 	snop  }
0x3b: {  	_ = 	snop  }
0x3c: {  	p2 =	seq.s32 s10, $0x1;
	s10 =	sld [smem:$0x3FB2]  }
0x3d: {  	_ =	shalt  }
0x3e: {  	_ =	shalt  }
0x3f: {  	_ =	shalt  }
0x40: {  	_ =	shalt  }
0x41: {  	_ =	shalt  }
0x42: {  	_ =	shalt  }
0x43: {  	_ =	shalt  }
0x44: {  	_ =	shalt  }
0x45: {  	_ =	shalt  }
0x46: {  	_ =	shalt  }
0x47: {  	_ =	shalt  }
0x48: {  	_ =	shalt  }
0x49: {  	_ =	shalt  }
0x4a: {  	_ =	shalt  }
0x4b: {  	_ =	shalt  }
0x4c: {  	_ =	shalt  }
0x4d: {  	_ =	shalt  }
0x4e: {  	_ =	shalt  }
0x4f: {  	_ =	shalt  }
0x50: {  	_ =	shalt  }
0x51: {  	_ =	shalt  }
0x52: {  	_ =	shalt  }
0x53: {  	_ =	shalt  }
0x54: {  	_ =	shalt  }
0x55: {  	_ =	shalt  }
0x56: {  	_ =	shalt  }
0x57: {  	_ =	shalt  }
0x58: {  	_ =	shalt  }
0x59: {  	_ =	shalt  }
0x5a: {  	_ =	shalt  }
0x5b: {  	_ =	shalt  }
0x5c: {  	_ =	shalt  }
0x5d: {  	_ =	shalt  }
0x5e: {  	_ =	shalt  }
0x5f: {  	_ =	shalt  }
0x60: {  	_ =	shalt  }
0x61: {  	_ =	shalt  }
0x62: {  	_ =	shalt  }
0x63: {  	_ =	shalt  }
0x64: {  	_ =	shalt  }
0x65: {  	_ =	shalt  }
0x66: {  	_ =	shalt  }
0x67: {  	_ =	shalt  }
0x68: {  	_ =	shalt  }
0x69: {  	_ =	shalt  }
0x6a: {  	_ =	shalt  }
0x6b: {  	_ =	shalt  }
0x6c: {  	_ =	shalt  }
0x6d: {  	_ =	shalt  }
0x6e: {  	_ =	shalt  }
0x6f: {  	_ =	shalt  }
0x70: {  	_ =	shalt  }
0x71: {  	_ =	shalt  }
0x72: {  	_ =	shalt  }
0x73: {  	_ =	shalt  }
0x74: {  	_ =	shalt  }
0x75: {  	_ =	shalt  }
0x76: {  	_ =	shalt  }
0x77: {  	_ =	shalt  }
0x78: {  	_ =	shalt  }
0x79: {  	_ =	shalt  }
0x7a: {  	_ =	shalt  }
0x7b: {  	_ =	shalt  }
0x7c: {  	_ =	shalt  }
0x7d: {  	_ =	shalt  }
0x7e: {  	_ =	shalt  }
0x7f: {  	_ =	shalt  }
0x80: {  	_ =	shalt  }
0x81: {  	_ =	shalt  }
0x82: {  	_ =	shalt  }
0x83: {  	_ =	shalt  }
0x84: {  	_ =	shalt  }
0x85: {  	_ =	shalt  }
0x86: {  	_ =	shalt  }
0x87: {  	_ =	shalt  }
.Lfunc_end0:
.L_simem_size_0:
called_computation.1_lowered:
.L_overlay_start_0:
0x88: {  	s2 =	sld [smem:$0x3FD9]  }
0x89: {  	s3 =	sld [smem:$0x3FFE];
	_ =	sdelay $0x1  }
0x8a: {  	s1 =	srdreg.scid  }
0x8b: {  	s0 =	sand.u32 $0x1, s1  }
0x8c: {  	s16 =	sshll.u32 s0, $0xA;
	s2 =	sadd.s32 s3, s2  }
0x8d: {  	s2 =	sadd.s32 s2, s16  }
0x8e: {  	[smem:$0x3FBE] =	sst s2  }
0x8f: {  	_ = 	snop  }
0x90: {  	(tm) =	ssettm $0x1  }
0x91: {  	s17 =	sld [smem:$0x3FFB];
	_ =	sdelay $0x3  }
0x92: {  	_ =	strace s17  }
0x93: {  	s2 =	sld [smem:$0x3FFC];
	_ =	sdelay $0x3  }
0x94: {  	_ =	strace s2  }
0x95: {  	s2 =	sld [smem:$0x3FFD];
	_ =	sdelay $0x3  }
0x96: {  	_ =	strace s2  }
0x97: {  	_ =	strace $0x8FFFFFFF  }
0x98: {  	s18 =	sld [smem:$0x3FDB];
	_ =	sdelay $0x1  }
0x99: {  	s19 =	simm.s32 $_scs_section_size  }
0x9a: {  	s4 =	simm.s32 $_size__tile_overlayer_lowered;
	s5 =	simm.s32 $_tile_overlayer_lowered  }
0x9b: {  	s22 =	simm.s32 $0x1BFF;
	s21 =	sshll.u32 s5, $0x1;
	s2 =	sadd.s32 s19, s18  }
0x9c: {  	s6 =	simm.s32 $0x0;
	s20 =	sshll.u32 s4, $0x1;
	s4 =	sadd.s32 s21, s2  }
0x9d: {  	[timem:s6], [sflag:s22] =	dma.local [hbm:s4], s20  }
0x9e: {  	_ =	swait.ge [sflag:s22], s20  }
0x9f: {  	s3 =	ssub.s32 $0x0, s20;
	[sflag:s22] =	ssyncset.done $0x0  }
0xa0: {  	[sflag:s22] =	ssyncadd.s32 s3;
	_ =	sdelay $0x1  }
0xa1: {  	s23 =	simm.s32 $0x1B8B  }
0xa2: {  	_ =	swait.ge [sflag:s23], $0x1  }
0xa3: {  	[sflag:s23] =	ssyncset.done $0x0  }
0xa4: {  	s25 =	simm.s32 $0x1B8E;
	s24 =	sld [smem:$0x3FFE];
	[sflag:s23] =	ssyncadd.s32 $0xFFFFFFFF  }
0xa5: {  	s26 =	simm.s32 $execute0_lowered;
	[smem:$0x3FD2] =	sst s25  }
0xa6: {  	s4 =	sshll.u32 s26, $0x1;
	_ =	strace $0x80000049;
	[dreg:$0x1] =	wrdreg $0xFFFFFFFF  }
0xa7: {  	s28 =	simm.s32 $_size_execute0_lowered;
	s2 =	sadd.s32 s2, s4;
	[dreg:$0x0] =	wrdreg $0x0  }
0xa8: {  	s4 =	sshll.u32 s28, $0x1;
	[dreg:$0x2] =	wrdreg s2  }
0xa9: {  	[dreg:$0x3] =	wrdreg s4  }
0xaa: {  	[dreg:$0x4] =	wrdreg $0xC0  }
0xab: {  	_ =	task [dreg:s6], $0x5FFFF  }
0xac: {  	[dreg:$0x1] =	wrdreg $0xFFFFFFFF  }
0xad: {  	[dreg:$0x0] =	wrdreg $0x60  }
0xae: {  	[dreg:$0x2] =	wrdreg s24  }
0xaf: {  	[dreg:$0x3] =	wrdreg $0xC0800  }
0xb0: {  	[dreg:$0x4] =	wrdreg $0xD9000  }
0xb1: {  	[dreg:$0x5] =	wrdreg $0x9  }
0xb2: {  	_ =	task.clear_ibuf [dreg:s6], $0x6FFFF;
	_ =	strace $0x90000049  }
0xb3: {  	s29 =	simm.s32 $0x9;
	_ =	strace $0x8000004B  }
0xb4: {  	_ =	swait.ge [sflag:s29], $0x1  }
0xb5: {  	[sflag:s29] =	ssyncadd.s32 $0xFFFFFFFF  }
0xb6: {  	_ =	strace $0x9000004B  }
0xb7: {  	_ =	sfence  }
0xb8: {  	s30 =	sld [smem:$0x0];
	_ =	sdelay $0x2  }
0xb9: {  	s31 =	sshll.u32 s1, $0xD;
	s1 =	sshrl.u32 s1, $0x2  }
0xba: {  	s3 =	sand.u32 $0x4000, s31;
	s1 =	sadd.s32 s1, s30  }
0xbb: {  	s0 =	sor.u32 s3, s0;
	s1 =	sshll.u32 s1, $0x11  }
0xbc: {  	s0 =	sor.u32 s1, s0  }
0xbd: {  	s0 =	sadd.s32 $0x8F2B, s0  }
0xbe: {  	[sflag:s0] =	ssyncadd.remote.s32 $0x1  }
0xbf: {  	_ =	sfence.sel $0xFFFF  }
0xc0: {  	[dreg:$0x0] =	wrdreg $0xFFFFFFFF;
	(pc) =	sbr.abs _section_cstart, $3  }
0xc1: {  	[dreg:$0x1] =	wrdreg $0xFFFFFFFF  }
0xc2: {  	_ =	task.clear_ibuf [dreg:s6], $0x2FFFF;
	_ =	strace $0x9FFFFFFF  }
0xc3: {  	(tm) =	ssettm $0x7FFFFFFF  }
tec
execute0_lowered:
.L_overlay_start_1:
0x0: {  	(tag) =	ssettag $0x1  }
0x1: {  	s0 =	rddreg [dreg:$0x0]  }
0x2: {  	s2 =	rddreg [dreg:$0x1]  }
0x3: {  	s3 =	rddreg [dreg:$0x2];
	s4 =	simm.s32 $0x0  }
0x4: {  	s1 =	stileid.u32;
	s6 =	srdreg.scid;
	s14 =	simm.s32 $0xA800  }
0x5: {  	s15 =	simm.s32 $0x5;
	s16 =	simm.s32 $0x3800;
	s17 =	simm.s32 $0x80  }
0x6: {  	s18 =	simm.s32 $0x1C00;
	s19 =	simm.s32 $0x5400;
	s20 =	simm.s32 $0x1  }
0x7: {  	s21 =	simm.s32 $0x2;
	s22 =	simm.s32 $0x3;
	s23 =	simm.s32 $0x4  }
0x8: {  	s24 =	simm.s32 $0x20;
	s25 =	simm.s32 $0x10;
	[smem:$0x7FF] =	sst s4  }
0x9: {  	s10 =	smul.u32 $0x1880, s1;
	s5 =	sadd.s32 $0x6A400, s0;
	s8 =	sand.u32 $0x1, s6  }
0xa: {  	s9 =	smul.u32 $0x3100, s1;
	s6 =	sadd.s32 $0x2200, s0;
	_ =	strace $0x8000004A  }
0xb: {  	s30 =	sshll.u32 s8, $0x7;
	s31 =	ssub.s32 $0x2, s8;
	s7 =	sshrl.u32 s10, $0x3  }
0xc: {  	s8 =	sshll.u32 s8, $0x4;
	s11 =	sadd.s32 s7, s0;
	s7 =	sor.u32 s30, s9  }
0xd: {  	s12 =	sshrl.u32 s31, $0x1;
	s8 =	sor.u32 s1, s8;
	s7 =	sshrl.u32 s7, $0x3  }
0xe: {  	s13 =	ssub.s32 s31, s12;
	s0 =	sadd.s32 s7, s0;
	s7 =	smul.u32 $0x18800, s8  }
0xf: {  	s9 =	sadd.s32 $0x64200, s11;
	s13 =	smax.u32 s13, $0x1;
	s8 =	sadd.s32 s10, s2  }
0x10: {  	v0 =	vimm.f32 $0.0e+00;
	s10 =	sadd.s32 s10, s3;
	s12 =	sadd.s32 $0xCC400, s0;
	s11 =	sadd.s32 $0x1C00, s7  }
.LBB2_1:
0x11: {  	s26 =	simm.s32 $0x40;
	s28 =	simm.s32 $0x0  }
.LBB2_2:
0x12: {  	p0 =	sne.s32 s26, $0x61C0;
	[tilespmem:s28+$0xA800] =	vst v0;
	s0 =	smov.u32 s26;
	s26 =	sadd.s32 $0x40, s26  }
.Ltmp0:
0x13: {  	(pc) =	sbr.rel @p0 .LBB2_2-.Ltmp0, $2  }
0x14: {  	_ =	sdelay $0x2  }
0x15: {  	s28 =	sshra.s32 s0, $0x2  }
0x16: {  	[tilespmem:s28+$0xA800] =	vst v0  }
0x17: {  	[spmem:s8] =	stream.linear.scatter [tilespmem:s14], [sflag:$0x5], $0x1880, $0x38;
	[tilespmem:$0xF180] =	vst v63  }
0x18: {  	_ =	swait.ge [sflag:s15], $0x1880  }
0x19: {  	[sflag:s15] =	ssyncset.done $0x0  }
0x1a: {  	s26 =	simm.s32 $0x0;
	[sflag:s15] =	ssyncadd.s32 $0xFFFFE780  }
0x1b: {  	[tilespmem:s14], [sflag:$0x5] =	stream.linear.gather [hbm4b:s9+s26], $0x1880, $0x38;
	[tilespmem:$0xF180] =	vst v63  }
0x1c: {  	_ =	swait.ge [sflag:s15], $0x1880  }
0x1d: {  	[sflag:s15] =	ssyncset.done $0x0  }
0x1e: {  	[sflag:s15] =	ssyncadd.s32 $0xFFFFE780  }
0x1f: {  	[spmem:s10] =	stream.linear.scatter [tilespmem:s14], [sflag:$0x5], $0x1880, $0x38;
	[tilespmem:$0xF180] =	vst v63  }
0x20: {  	_ =	swait.ge [sflag:s15], $0x1880  }
0x21: {  	[sflag:s15] =	ssyncset.done $0x0  }
0x22: {  	[sflag:s15] =	ssyncadd.s32 $0xFFFFE780  }
0x23: {  	s28 =	simm.s32 $0x0;
	[bflag:$0x0] =	sbarrier.arrive $0xFFFF  }
.LBB2_4:
0x24: {  	s29 =	smul.u32 $0x3800, s28;
	_ =	sdelay $0x1  }
0x25: {  	s0 =	sadd.s32 s7, s29  }
0x26: {  	s0 =	sshrl.u32 s0, $0x3  }
0x27: {  	s30 =	sadd.s32 s5, s0  }
0x28: {  	[tilespmem:s26], [sflag:$0x5] =	stream.linear.gather [hbm4b:s30+s26], $0x1C00, $0x38;
	[tilespmem:$0xF180] =	vst v63  }
0x29: {  	_ =	swait.ge [sflag:s15], $0x1C00  }
0x2a: {  	[sflag:s15] =	ssyncset.done $0x0  }
0x2b: {  	s0 =	sadd.s32 s6, s0;
	[sflag:s15] =	ssyncadd.s32 $0xFFFFE400  }
0x2c: {  	[tilespmem:s16], [sflag:$0x5] =	stream.linear.gather [hbm4b:s0+s26], $0x1C00, $0x38;
	[tilespmem:$0xF180] =	vst v63  }
0x2d: {  	_ =	swait.ge [sflag:s15], $0x1C00  }
0x2e: {  	s31 =	simm.s32 $0x0;
	[sflag:s15] =	ssyncset.done $0x0  }
0x2f: {  	s30 =	simm.s32 $0x200;
	s0 =	simm.s32 $0x7000;
	[sflag:s15] =	ssyncadd.s32 $0xFFFFE400  }
.LBB2_5:
0x30: {  	[tilespmem:s0], [sflag:$0x1] =	stream.indirect.gather [spmem:s3], $0x1, s31, s17, $0xb8;
	[tilespmem:$0xF180] =	vst v63  }
0x31: {  	s0 =	smov.u32 s30;
	p0 =	sne.s32 s30, $0x6E00  }
.Ltmp1:
0x32: {  	s30 =	sadd.s32 $0x200, s30;
	(pc) =	sbr.rel @p0 .LBB2_5-.Ltmp1, $3  }
0x33: {  	_ =	sdelay $0x1  }
0x34: {  	s31 =	sshra.s32 s0, $0x2  }
0x35: {  	s0 =	sadd.s32 $0x7000, s31  }
0x36: {  	[tilespmem:s0], [sflag:$0x1] =	stream.indirect.gather [spmem:s3], $0x1, s31, s17, $0xb8;
	[tilespmem:$0xF180] =	vst v63  }
0x37: {  	s31 =	sadd.s32 s11, s29  }
0x38: {  	s0 =	sshrl.u32 s31, $0x3  }
0x39: {  	s29 =	simm.s32 $0x0;
	s30 =	sadd.s32 s5, s0  }
0x3a: {  	[tilespmem:s18], [sflag:$0x5] =	stream.linear.gather [hbm4b:s30+s29], $0x1C00, $0x38;
	[tilespmem:$0xF180] =	vst v63  }
0x3b: {  	_ =	swait.ge [sflag:s15], $0x1C00  }
0x3c: {  	[sflag:s15] =	ssyncset.done $0x0  }
0x3d: {  	s0 =	sadd.s32 s6, s0;
	[sflag:s15] =	ssyncadd.s32 $0xFFFFE400  }
0x3e: {  	[tilespmem:s19], [sflag:$0x5] =	stream.linear.gather [hbm4b:s0+s29], $0x1C00, $0x38;
	[tilespmem:$0xF180] =	vst v63  }
0x3f: {  	_ =	swait.ge [sflag:s15], $0x1C00  }
0x40: {  	[sflag:s15] =	ssyncset.done $0x0  }
0x41: {  	[sflag:s15] =	ssyncadd.s32 $0xFFFFE400  }
.LBB2_7:
0x42: {  	p0 =	sne.s32 s29, $0x6E00  }
.Ltmp2:
0x43: {  	_ = 	snop;
	(pc) =	sbr.rel @p0 .LBB2_7-.Ltmp2, $4  }
0x44: {  	_ = 	snop  }
0x45: {  	s0 =	sshra.s32 s29, $0x2  }
0x46: {  	s29 =	sadd.s32 $0x200, s29;
	s30 =	sadd.s32 $0x8C00, s0;
	s0 =	sadd.s32 $0x1C00, s0  }
0x47: {  	[tilespmem:s30], [sflag:$0x2] =	stream.indirect.gather [spmem:s3], $0x1, s0, s17, $0xb8;
	[tilespmem:$0xF180] =	vst v63  }
0x48: {  	s29 =	simm.s32 $0x38  }
.LBB2_9:
0x49: {  	p0 =	sne.s32 s29, $0x1  }
.Ltmp3:
0x4a: {  	_ = 	snop;
	(pc) =	sbr.rel @p0 .LBB2_9-.Ltmp3, $4  }
0x4b: {  	_ = 	snop  }
0x4c: {  	_ =	swait.ge [sflag:s20], $0x80  }
0x4d: {  	[sflag:s20] =	ssyncset.done $0x0  }
0x4e: {  	s29 =	sadd.s32 $0xFFFFFFFF, s29;
	[sflag:s20] =	ssyncadd.s32 $0xFFFFFF80  }
0x4f: {  	s29 =	simm.s32 $0x0  }
.LBB2_11:
0x50: {  	p0 =	sne.s32 s29, $0x6E00  }
.Ltmp4:
0x51: {  	_ = 	snop;
	(pc) =	sbr.rel @p0 .LBB2_11-.Ltmp4, $4  }
0x52: {  	_ = 	snop  }
0x53: {  	s0 =	sshra.s32 s29, $0x2  }
0x54: {  	s29 =	sadd.s32 $0x200, s29;
	s30 =	sadd.s32 $0x7000, s0;
	s0 =	sadd.s32 $0x3800, s0  }
0x55: {  	[spmem:s2] =	stream.indirect.scatter.add.f32 [tilespmem:s30], [sflag:$0x3], $0x1, s0, s17, $0xb8;
	[tilespmem:$0xF180] =	vst v63  }
0x56: {  	s29 =	simm.s32 $0x38  }
.LBB2_13:
0x57: {  	p0 =	sne.s32 s29, $0x1  }
.Ltmp5:
0x58: {  	_ = 	snop;
	(pc) =	sbr.rel @p0 .LBB2_13-.Ltmp5, $4  }
0x59: {  	_ = 	snop  }
0x5a: {  	_ =	swait.ge [sflag:s21], $0x80  }
0x5b: {  	[sflag:s21] =	ssyncset.done $0x0  }
0x5c: {  	s29 =	sadd.s32 $0xFFFFFFFF, s29;
	[sflag:s21] =	ssyncadd.s32 $0xFFFFFF80  }
0x5d: {  	s29 =	simm.s32 $0x200;
	s30 =	simm.s32 $0x8C00;
	s0 =	simm.s32 $0x5400  }
.LBB2_15:
0x5e: {  	[spmem:s2] =	stream.indirect.scatter.add.f32 [tilespmem:s30], [sflag:$0x4], $0x1, s0, s17, $0xb8;
	[tilespmem:$0xF180] =	vst v63  }
0x5f: {  	s0 =	smov.u32 s29;
	p0 =	sne.s32 s29, $0x6E00  }
.Ltmp6:
0x60: {  	s29 =	sadd.s32 $0x200, s29;
	(pc) =	sbr.rel @p0 .LBB2_15-.Ltmp6, $3  }
0x61: {  	_ =	sdelay $0x1  }
0x62: {  	s0 =	sshra.s32 s0, $0x2  }
0x63: {  	s30 =	sadd.s32 $0x8C00, s0;
	s0 =	sadd.s32 $0x5400, s0  }
0x64: {  	[spmem:s2] =	stream.indirect.scatter.add.f32 [tilespmem:s30], [sflag:$0x4], $0x1, s0, s17, $0xb8;
	[tilespmem:$0xF180] =	vst v63  }
0x65: {  	_ =	swait.ge [sflag:s22], $0x80  }
0x66: {  	s29 =	simm.s32 $0x37;
	[sflag:s22] =	ssyncset.done $0x0  }
.LBB2_17:
0x67: {  	p0 =	sne.s32 s29, $0x1;
	s29 =	sadd.s32 $0xFFFFFFFF, s29;
	[sflag:s22] =	ssyncadd.s32 $0xFFFFFF80  }
.Ltmp7:
0x68: {  	(pc) =	sbr.rel @p0 .LBB2_17-.Ltmp7, $3  }
0x69: {  	_ =	sdelay $0x1  }
0x6a: {  	_ =	swait.ge [sflag:s22], $0x80  }
0x6b: {  	[sflag:s22] =	ssyncset.done $0x0  }
0x6c: {  	[sflag:s22] =	ssyncadd.s32 $0xFFFFFF80  }
0x6d: {  	_ =	swait.ge [sflag:s23], $0x80  }
0x6e: {  	s29 =	simm.s32 $0x37;
	[sflag:s23] =	ssyncset.done $0x0  }
.LBB2_19:
0x6f: {  	p0 =	sne.s32 s29, $0x1;
	s29 =	sadd.s32 $0xFFFFFFFF, s29;
	[sflag:s23] =	ssyncadd.s32 $0xFFFFFF80  }
.Ltmp8:
0x70: {  	(pc) =	sbr.rel @p0 .LBB2_19-.Ltmp8, $3  }
0x71: {  	_ =	sdelay $0x1  }
0x72: {  	_ =	swait.ge [sflag:s23], $0x80  }
0x73: {  	[sflag:s23] =	ssyncset.done $0x0  }
0x74: {  	s28 =	sadd.s32 $0x1, s28  }
0x75: {  	p0 =	sne.s32 s28, $0x7  }
.Ltmp9:
0x76: {  	_ = 	snop;
	(pc) =	sbr.rel @p0 .LBB2_4-.Ltmp9, $2  }
0x77: {  	_ =	sdelay $0x2  }
0x78: {  	[sflag:s23] =	ssyncadd.s32 $0xFFFFFF80  }
0x79: {  	s4 =	sadd.s32 $0x1, s4  }
0x7a: {  	s0 =	sshll.u32 s1, $0x6;
	[bflag:$0x0] =	sbarrier.arrive $0xFFFF;
	p0 =	sne.s32 s4, s13  }
.Ltmp10:
0x7b: {  	s26 =	sshrl.u32 s8, $0x3;
	s0 =	sor.u32 $0x1C05, s0;
	(pc) =	sbr.rel @p0 .LBB2_1-.Ltmp10, $4  }
0x7c: {  	[hbm:s12@s24], [sflag:s0] =	dma.strided [spmem:s26@s25], $0x310, s20, $0x10   }
0x7d: {  	_ =	swait.ge [sflag:s15], $0x310  }
0x7e: {  	[sflag:s15] =	ssyncset.done $0x0  }
0x7f: {  	[sflag:s15] =	ssyncadd.s32 $0xFFFFFCF0  }
0x80: {  	_ =	sfence.sel $0x180000  }
0x81: {  	[bflag:$0x0] =	sbarrier.arrive $0xFFFF  }
0x82: {  	_ =	strace $0x9000004A  }
0x83: {  	[bflag:$0x2] =	sbarrier.arrive $0xFFFF  }
0x84: {  	p0 =	sne.s32 s1, $0x0;
	s0 =	rddreg [dreg:$0x3]  }
0x85: {  	s0 =	sadd.s32 @!p0 $0x100000, s0  }
0x86: {  	[sflag:s0] =	ssyncadd.tile.s32 @!p0 $0x1;
	_ =	shalt  }
.Lfunc_end2:
_tile_overlayer_lowered:
.L_overlay_start_2:
0x87: {  	(tag) =	ssettag $0x2  }
0x88: {  	s0 =	rddreg [dreg:$0x0];
	s2 =	stileid.u32  }
0x89: {  	s1 =	rddreg [dreg:$0x1];
	p0 =	sne.s32 s2, $0x0  }
0x8a: {  	s3 =	rddreg [dreg:$0x2];
	[bflag:$0x3] =	sbarrier.arrive $0xFFFF;
	s2 =	simm.s32 @!p0 $0x1C05  }
0x8b: {  	[timem:s3], [sflag:s2] =	dma.local @!p0 [hbm:s0], s1  }
0x8c: {  	s0 =	simm.s32 @!p0 $0x5  }
0x8d: {  	_ =	swait.ge @!p0 [sflag:s0], s1  }
0x8e: {  	s1 =	ssub.s32 @!p0 $0x0, s1;
	[sflag:s0] =	ssyncset.done @!p0 $0x0  }
0x8f: {  	[sflag:s0] =	ssyncadd.s32 @!p0 s1  }
0x90: {  	[bflag:$0x3] =	sbarrier.arrive $0xFFFF  }
0x91: {  	_ =	shalt  }

// kernel: kernel.15.cloned.1.call-start
scs
__scs_entry_jumppad:
0x0: {  	(pc) =	sbr.rel $0x88, $3  }
0x1: {  	(tag) =	ssettag $0x0;
	lr =	simm.s32 $0x1  }
0x2: {  	[smem:$0x3F97] =	sst lr;
	_ =	strace $0xD0000000  }
0x3: {  	_ = 	snop  }
0x4: {  	_ = 	snop  }
0x5: {  	_ = 	snop  }
0x6: {  	_ = 	snop  }
0x7: {  	_ = 	snop  }
__scs_overlays_trampoline_lowered:
0x8: {  	[smem:$0x3FA6] =	sst s0  }
0x9: {  	[smem:$0x3FA7] =	sst s1  }
0xa: {  	[smem:$0x3FA8] =	sst s2  }
0xb: {  	[smem:$0x3FA9] =	sst s3  }
0xc: {  	[smem:$0x3FAA] =	sst s4  }
0xd: {  	[smem:$0x3FAB] =	sst s5  }
0xe: {  	[smem:$0x3FAC] =	sst s6  }
0xf: {  	[smem:$0x3FAD] =	sst s7  }
0x10: {  	[smem:$0x3FAE] =	sst s8  }
0x11: {  	[smem:$0x3FAF] =	sst s9;
	s0 =	simm.s32 @!p0 $0x0  }
0x12: {  	s1 =	sld [smem:$0x3F95];
	s0 =	simm.s32 @p0 $0x1  }
0x13: {  	[smem:$0x3FB0] =	sst s0;
	s0 =	simm.s32 @!p1 $0x0  }
0x14: {  	s2 =	sld [smem:$0x3F94];
	s0 =	simm.s32 @p1 $0x1  }
0x15: {  	[smem:$0x3FB1] =	sst s0;
	s0 =	simm.s32 @!p2 $0x0  }
0x16: {  	s3 =	sld [smem:$0x3FDB];
	s0 =	simm.s32 @p2 $0x1  }
0x17: {  	s4 =	simm.s32 $0x1BF5;
	[smem:$0x3FB3] =	sst s0  }
0x18: {  	s0 =	sld [smem:$0x3F96];
	_ =	swait.ge [sflag:s4], $0x0  }
0x19: {  	s7 =	sld [smem:$0x3F97]  }
0x1a: {  	s8 =	sadd.s32 $0xFFFFE003, lr  }
0x1b: {  	s9 =	sadd.s32 $0xFFFFFEF7, lr;
	s5 =	simm.s32 $0xFFFFFFFF;
	p2 =	slt.u32 s8, $0xFFFFF086  }
0x1c: {  	p1 =	slt.u32 s9, $0xF7A;
	s5 =	simm.s32 @!p2 $0x0  }
0x1d: {  	s5 =	simm.s32 @p1 $0x1;
	p0 =	seq.s32 s7, s2  }
0x1e: {  	s7 =	smul.u32 @!p0 $0xF7A, s2;
	p2 =	seq.s32 @!p0 s5, $0x0  }
0x1f: {  	s9 =	smul.u32 $0xF7A, s1;
	s8 =	simm.s32 @!p0 $0x1BF5;
	p2 =	por !p2, p0  }
0x20: {  	[sflag:s8] =	ssyncset.s32 @!p0 $0xFFFFF086;
	s6 =	sadd.s32 @!p0 s3, s7;
	s7 =	simm.s32 @!p0 $0x108  }
0x21: {  	s3 =	sadd.s32 s3, s9;
	s6 =	sadd.s32 @!p0 $0x88, s6;
	s7 =	simm.s32 @p2 $0x1082  }
0x22: {  	[simem:s7], [sflag:s8] =	dma.local @!p0 [hbm:s6], $0xF7A  }
0x23: {  	s9 =	sor.u32 $0xD0000000, s2;
	s6 =	simm.s32 $0x108;
	_ =	swait.ge @!p0 [sflag:s8], $0x0  }
0x24: {  	s3 =	sadd.s32 $0x88, s3;
	s6 =	simm.s32 @!p1 $0x1082;
	[sflag:s4] =	ssyncset.s32 $0xFFFFF086  }
0x25: {  	[simem:s6], [sflag:s4] =	dma.local [hbm:s3], $0xF7A  }
0x26: {  	[smem:$0x3F97] =	sst s1;
	(tag) =	ssettag s2;
	_ =	strace s9  }
0x27: {  	s1 =	sld [smem:$0x3FA7]  }
0x28: {  	s2 =	sld [smem:$0x3FA8]  }
0x29: {  	s4 =	sld [smem:$0x3FAA]  }
0x2a: {  	p0 =	seq.s32 s5, $0x0;
	s5 =	sld [smem:$0x3FAB]  }
0x2b: {  	s6 =	sld [smem:$0x3FAC]  }
0x2c: {  	s7 =	sld [smem:$0x3FAD]  }
0x2d: {  	s3 =	simm.s32 $0x108;
	s8 =	sld [smem:$0x3FAE]  }
0x2e: {  	s3 =	simm.s32 @!p0 $0x1082;
	s9 =	sld [smem:$0x3FAF]  }
0x2f: {  	lr =	sadd.s32 s0, s3;
	s0 =	sld [smem:$0x3FA6]  }
0x30: {  	s3 =	sld [smem:$0x3FA9]  }
0x31: {  	[smem:$0x3FB2] =	sst s10  }
0x32: {  	s10 =	sld [smem:$0x3FB0];
	_ =	sdelay $0x3  }
0x33: {  	p0 =	seq.s32 s10, $0x1;
	s10 =	sld [smem:$0x3FB2];
	_ =	sdelay $0x3  }
0x34: {  	[smem:$0x3FB2] =	sst s10  }
0x35: {  	s10 =	sld [smem:$0x3FB1];
	_ =	sdelay $0x3  }
0x36: {  	p1 =	seq.s32 s10, $0x1;
	s10 =	sld [smem:$0x3FB2];
	_ =	sdelay $0x3  }
0x37: {  	[smem:$0x3FB2] =	sst s10  }
0x38: {  	s10 =	sld [smem:$0x3FB3]  }
0x39: {  	_ = 	snop;
	(pc) =	sbr.ind lr, $3  }
0x3a: {  	_ = 	snop  }
0x3b: {  	_ = 	snop  }
0x3c: {  	p2 =	seq.s32 s10, $0x1;
	s10 =	sld [smem:$0x3FB2]  }
0x3d: {  	_ =	shalt  }
0x3e: {  	_ =	shalt  }
0x3f: {  	_ =	shalt  }
0x40: {  	_ =	shalt  }
0x41: {  	_ =	shalt  }
0x42: {  	_ =	shalt  }
0x43: {  	_ =	shalt  }
0x44: {  	_ =	shalt  }
0x45: {  	_ =	shalt  }
0x46: {  	_ =	shalt  }
0x47: {  	_ =	shalt  }
0x48: {  	_ =	shalt  }
0x49: {  	_ =	shalt  }
0x4a: {  	_ =	shalt  }
0x4b: {  	_ =	shalt  }
0x4c: {  	_ =	shalt  }
0x4d: {  	_ =	shalt  }
0x4e: {  	_ =	shalt  }
0x4f: {  	_ =	shalt  }
0x50: {  	_ =	shalt  }
0x51: {  	_ =	shalt  }
0x52: {  	_ =	shalt  }
0x53: {  	_ =	shalt  }
0x54: {  	_ =	shalt  }
0x55: {  	_ =	shalt  }
0x56: {  	_ =	shalt  }
0x57: {  	_ =	shalt  }
0x58: {  	_ =	shalt  }
0x59: {  	_ =	shalt  }
0x5a: {  	_ =	shalt  }
0x5b: {  	_ =	shalt  }
0x5c: {  	_ =	shalt  }
0x5d: {  	_ =	shalt  }
0x5e: {  	_ =	shalt  }
0x5f: {  	_ =	shalt  }
0x60: {  	_ =	shalt  }
0x61: {  	_ =	shalt  }
0x62: {  	_ =	shalt  }
0x63: {  	_ =	shalt  }
0x64: {  	_ =	shalt  }
0x65: {  	_ =	shalt  }
0x66: {  	_ =	shalt  }
0x67: {  	_ =	shalt  }
0x68: {  	_ =	shalt  }
0x69: {  	_ =	shalt  }
0x6a: {  	_ =	shalt  }
0x6b: {  	_ =	shalt  }
0x6c: {  	_ =	shalt  }
0x6d: {  	_ =	shalt  }
0x6e: {  	_ =	shalt  }
0x6f: {  	_ =	shalt  }
0x70: {  	_ =	shalt  }
0x71: {  	_ =	shalt  }
0x72: {  	_ =	shalt  }
0x73: {  	_ =	shalt  }
0x74: {  	_ =	shalt  }
0x75: {  	_ =	shalt  }
0x76: {  	_ =	shalt  }
0x77: {  	_ =	shalt  }
0x78: {  	_ =	shalt  }
0x79: {  	_ =	shalt  }
0x7a: {  	_ =	shalt  }
0x7b: {  	_ =	shalt  }
0x7c: {  	_ =	shalt  }
0x7d: {  	_ =	shalt  }
0x7e: {  	_ =	shalt  }
0x7f: {  	_ =	shalt  }
0x80: {  	_ =	shalt  }
0x81: {  	_ =	shalt  }
0x82: {  	_ =	shalt  }
0x83: {  	_ =	shalt  }
0x84: {  	_ =	shalt  }
0x85: {  	_ =	shalt  }
0x86: {  	_ =	shalt  }
0x87: {  	_ =	shalt  }
.Lfunc_end0:
.L_simem_size_0:
called_computation.2_lowered:
.L_overlay_start_0:
0x88: {  	s2 =	sld [smem:$0x3FD9]  }
0x89: {  	s3 =	sld [smem:$0x3FFE];
	_ =	sdelay $0x1  }
0x8a: {  	s1 =	srdreg.scid  }
0x8b: {  	s0 =	sand.u32 $0x1, s1  }
0x8c: {  	s16 =	sshll.u32 s0, $0xA;
	s2 =	sadd.s32 s3, s2  }
0x8d: {  	s2 =	sadd.s32 s2, s16  }
0x8e: {  	[smem:$0x3FBE] =	sst s2  }
0x8f: {  	_ = 	snop  }
0x90: {  	(tm) =	ssettm $0x1  }
0x91: {  	s17 =	sld [smem:$0x3FFB];
	_ =	sdelay $0x3  }
0x92: {  	_ =	strace s17  }
0x93: {  	s2 =	sld [smem:$0x3FFC];
	_ =	sdelay $0x3  }
0x94: {  	_ =	strace s2  }
0x95: {  	s2 =	sld [smem:$0x3FFD];
	_ =	sdelay $0x3  }
0x96: {  	_ =	strace s2  }
0x97: {  	_ =	strace $0x8FFFFFFF  }
0x98: {  	s18 =	sld [smem:$0x3FDB];
	_ =	sdelay $0x1  }
0x99: {  	s19 =	simm.s32 $_scs_section_size  }
0x9a: {  	s4 =	simm.s32 $_size__tile_overlayer_lowered;
	s5 =	simm.s32 $_tile_overlayer_lowered  }
0x9b: {  	s22 =	simm.s32 $0x1BFF;
	s21 =	sshll.u32 s5, $0x1;
	s2 =	sadd.s32 s19, s18  }
0x9c: {  	s6 =	simm.s32 $0x0;
	s20 =	sshll.u32 s4, $0x1;
	s4 =	sadd.s32 s21, s2  }
0x9d: {  	[timem:s6], [sflag:s22] =	dma.local [hbm:s4], s20  }
0x9e: {  	_ =	swait.ge [sflag:s22], s20  }
0x9f: {  	s3 =	ssub.s32 $0x0, s20;
	[sflag:s22] =	ssyncset.done $0x0  }
0xa0: {  	[sflag:s22] =	ssyncadd.s32 s3;
	_ =	sdelay $0x1  }
0xa1: {  	s23 =	simm.s32 $0x1B8B  }
0xa2: {  	_ =	swait.ge [sflag:s23], $0x1  }
0xa3: {  	[sflag:s23] =	ssyncset.done $0x0  }
0xa4: {  	s25 =	simm.s32 $0x1B8E;
	s24 =	sld [smem:$0x3FFE];
	[sflag:s23] =	ssyncadd.s32 $0xFFFFFFFF  }
0xa5: {  	s26 =	simm.s32 $execute0_lowered;
	[smem:$0x3FD2] =	sst s25  }
0xa6: {  	s4 =	sshll.u32 s26, $0x1;
	_ =	strace $0x8000004C;
	[dreg:$0x1] =	wrdreg $0xFFFFFFFF  }
0xa7: {  	s28 =	simm.s32 $_size_execute0_lowered;
	s2 =	sadd.s32 s2, s4;
	[dreg:$0x0] =	wrdreg $0x0  }
0xa8: {  	s4 =	sshll.u32 s28, $0x1;
	[dreg:$0x2] =	wrdreg s2  }
0xa9: {  	[dreg:$0x3] =	wrdreg s4  }
0xaa: {  	[dreg:$0x4] =	wrdreg $0xC0  }
0xab: {  	_ =	task [dreg:s6], $0x5FFFF  }
0xac: {  	[dreg:$0x1] =	wrdreg $0xFFFFFFFF  }
0xad: {  	[dreg:$0x0] =	wrdreg $0x60  }
0xae: {  	[dreg:$0x2] =	wrdreg s24  }
0xaf: {  	[dreg:$0x3] =	wrdreg $0xF8800  }
0xb0: {  	[dreg:$0x4] =	wrdreg $0x129800  }
0xb1: {  	[dreg:$0x5] =	wrdreg $0x9  }
0xb2: {  	_ =	task.clear_ibuf [dreg:s6], $0x6FFFF;
	_ =	strace $0x9000004C  }
0xb3: {  	s29 =	simm.s32 $0x9;
	_ =	strace $0x8000004E  }
0xb4: {  	_ =	swait.ge [sflag:s29], $0x1  }
0xb5: {  	[sflag:s29] =	ssyncadd.s32 $0xFFFFFFFF  }
0xb6: {  	_ =	strace $0x9000004E  }
0xb7: {  	_ =	sfence  }
0xb8: {  	s30 =	sld [smem:$0x0];
	_ =	sdelay $0x2  }
0xb9: {  	s31 =	sshll.u32 s1, $0xD;
	s1 =	sshrl.u32 s1, $0x2  }
0xba: {  	s3 =	sand.u32 $0x4000, s31;
	s1 =	sadd.s32 s1, s30  }
0xbb: {  	s0 =	sor.u32 s3, s0;
	s1 =	sshll.u32 s1, $0x11  }
0xbc: {  	s0 =	sor.u32 s1, s0  }
0xbd: {  	s0 =	sadd.s32 $0x8F2B, s0  }
0xbe: {  	[sflag:s0] =	ssyncadd.remote.s32 $0x1  }
0xbf: {  	_ =	sfence.sel $0xFFFF  }
0xc0: {  	[dreg:$0x0] =	wrdreg $0xFFFFFFFF;
	(pc) =	sbr.abs _section_cstart, $3  }
0xc1: {  	[dreg:$0x1] =	wrdreg $0xFFFFFFFF  }
0xc2: {  	_ =	task.clear_ibuf [dreg:s6], $0x2FFFF;
	_ =	strace $0x9FFFFFFF  }
0xc3: {  	(tm) =	ssettm $0x7FFFFFFF  }
tec
execute0_lowered:
.L_overlay_start_1:
0x0: {  	(tag) =	ssettag $0x1  }
0x1: {  	s0 =	rddreg [dreg:$0x0]  }
0x2: {  	s2 =	rddreg [dreg:$0x1]  }
0x3: {  	s3 =	rddreg [dreg:$0x2]  }
0x4: {  	s12 =	stileid.u32;
	s1 =	srdreg.scid  }
0x5: {  	s4 =	simm.s32 $0x0;
	s16 =	simm.s32 $0xE000;
	s17 =	simm.s32 $0x5  }
0x6: {  	s18 =	simm.s32 $0x3800;
	s19 =	simm.s32 $0x80;
	s20 =	simm.s32 $0x1C00  }
0x7: {  	s21 =	simm.s32 $0x5400;
	s22 =	simm.s32 $0x1;
	s23 =	simm.s32 $0x2  }
0x8: {  	s24 =	simm.s32 $0x3;
	s25 =	simm.s32 $0x4;
	s28 =	simm.s32 $0x10  }
0x9: {  	s29 =	simm.s32 $0x0;
	s10 =	smul.u32 $0x1880, s12;
	s1 =	sand.u32 $0x1, s1  }
0xa: {  	[smem:$0x7FF] =	sst s4;
	s8 =	smul.u32 $0x3100, s12;
	s5 =	sadd.s32 $0x6A400, s0  }
0xb: {  	s6 =	sadd.s32 $0x2200, s0;
	s7 =	smul.u32 $0x31000, s1;
	_ =	strace $0x8000004D  }
0xc: {  	s26 =	sshll.u32 s1, $0x4;
	s1 =	ssub.s32 $0x2, s1;
	s9 =	sshrl.u32 s10, $0x3  }
0xd: {  	s31 =	sshrl.u32 s1, $0x1;
	s11 =	sadd.s32 s9, s0;
	s7 =	sadd.s32 s8, s7  }
0xe: {  	s8 =	sor.u32 s12, s26;
	s1 =	ssub.s32 s1, s31;
	s26 =	simm.s32 $0x20  }
0xf: {  	s30 =	sshrl.u32 s7, $0x3;
	s7 =	sadd.s32 s10, s2;
	s8 =	smul.u32 $0x18800, s8  }
0x10: {  	s11 =	sadd.s32 $0x64200, s11;
	s15 =	smax.u32 s1, $0x1;
	s0 =	sadd.s32 s30, s0  }
0x11: {  	s9 =	sadd.s32 $0x18800, s7;
	[dreg:$0x4] =	wrdreg s11;
	s11 =	sadd.s32 s10, s3  }
0x12: {  	v0 =	vimm.f32 $0.0e+00;
	v1 =	vimm.s32 $0x0;
	s12 =	sadd.s32 $0x1C00, s8;
	s13 =	sadd.s32 $0xCC400, s0;
	s14 =	sadd.s32 $0xCC410, s0  }
.LBB2_1:
0x13: {  	s0 =	simm.s32 $0x40;
	s1 =	simm.s32 $0x0  }
.LBB2_2:
0x14: {  	p0 =	sne.s32 s0, $0x61C0;
	[tilespmem:s1+$0xE000] =	vst v0;
	s1 =	smov.u32 s0;
	s0 =	sadd.s32 $0x40, s0  }
.Ltmp0:
0x15: {  	(pc) =	sbr.rel @p0 .LBB2_2-.Ltmp0, $2  }
0x16: {  	_ =	sdelay $0x2  }
0x17: {  	s1 =	sshra.s32 s1, $0x2  }
0x18: {  	[tilespmem:s1+$0xE000] =	vst v0  }
0x19: {  	[spmem:s7] =	stream.linear.scatter [tilespmem:s16], [sflag:$0x5], $0x1880, $0x38;
	[tilespmem:$0x14200] =	vst v63  }
0x1a: {  	_ =	swait.ge [sflag:s17], $0x1880  }
0x1b: {  	[sflag:s17] =	ssyncset.done $0x0  }
0x1c: {  	[sflag:s17] =	ssyncadd.s32 $0xFFFFE780  }
0x1d: {  	[spmem:s9] =	stream.linear.scatter [tilespmem:s16], [sflag:$0x5], $0x1880, $0x38;
	[tilespmem:$0x14200] =	vst v63  }
0x1e: {  	_ =	swait.ge [sflag:s17], $0x1880  }
0x1f: {  	[sflag:s17] =	ssyncset.done $0x0  }
0x20: {  	s0 =	rddreg [dreg:$0x4];
	[sflag:s17] =	ssyncadd.s32 $0xFFFFE780  }
0x21: {  	[tilespmem:s16], [sflag:$0x5] =	stream.linear.gather [hbm4b:s0+s29], $0x1880, $0x38;
	[tilespmem:$0x14200] =	vst v63  }
0x22: {  	_ =	swait.ge [sflag:s17], $0x1880  }
0x23: {  	[sflag:s17] =	ssyncset.done $0x0  }
0x24: {  	[sflag:s17] =	ssyncadd.s32 $0xFFFFE780  }
0x25: {  	[spmem:s11] =	stream.linear.scatter [tilespmem:s16], [sflag:$0x5], $0x1880, $0x38;
	[tilespmem:$0x14200] =	vst v63  }
0x26: {  	_ =	swait.ge [sflag:s17], $0x1880  }
0x27: {  	[sflag:s17] =	ssyncset.done $0x0  }
0x28: {  	[sflag:s17] =	ssyncadd.s32 $0xFFFFE780  }
0x29: {  	s30 =	simm.s32 $0x0;
	[bflag:$0x0] =	sbarrier.arrive $0xFFFF  }
.LBB2_4:
0x2a: {  	s0 =	smul.u32 $0x3800, s30;
	_ =	sdelay $0x1  }
0x2b: {  	s1 =	sadd.s32 s8, s0  }
0x2c: {  	s1 =	sshrl.u32 s1, $0x3  }
0x2d: {  	s10 =	sadd.s32 s5, s1  }
0x2e: {  	[tilespmem:s29], [sflag:$0x5] =	stream.linear.gather [hbm4b:s10+s29], $0x1C00, $0x38;
	[tilespmem:$0x14200] =	vst v63  }
0x2f: {  	_ =	swait.ge [sflag:s17], $0x1C00  }
0x30: {  	[sflag:s17] =	ssyncset.done $0x0  }
0x31: {  	s1 =	sadd.s32 s6, s1;
	[sflag:s17] =	ssyncadd.s32 $0xFFFFE400  }
0x32: {  	[tilespmem:s18], [sflag:$0x5] =	stream.linear.gather [hbm4b:s1+s29], $0x1C00, $0x38;
	[tilespmem:$0x14200] =	vst v63  }
0x33: {  	_ =	swait.ge [sflag:s17], $0x1C00  }
0x34: {  	s31 =	simm.s32 $0xA800;
	[sflag:s17] =	ssyncset.done $0x0  }
0x35: {  	s10 =	simm.s32 $0x0;
	s1 =	simm.s32 $0x200;
	[sflag:s17] =	ssyncadd.s32 $0xFFFFE400  }
.LBB2_5:
0x36: {  	[tilespmem:s31], [sflag:$0x1] =	stream.indirect.gather [spmem:s3], $0x1, s10, s19, $0xb8;
	[tilespmem:$0x14200] =	vst v63  }
0x37: {  	s10 =	smov.u32 s1;
	p0 =	sne.s32 s1, $0x6E00  }
.Ltmp1:
0x38: {  	s1 =	sadd.s32 $0x200, s1;
	(pc) =	sbr.rel @p0 .LBB2_5-.Ltmp1, $3  }
0x39: {  	_ =	sdelay $0x1  }
0x3a: {  	s10 =	sshra.s32 s10, $0x2  }
0x3b: {  	s31 =	sadd.s32 $0xA800, s10  }
0x3c: {  	[tilespmem:s31], [sflag:$0x1] =	stream.indirect.gather [spmem:s3], $0x1, s10, s19, $0xb8;
	[tilespmem:$0x14200] =	vst v63  }
0x3d: {  	s0 =	sadd.s32 s12, s0  }
0x3e: {  	s1 =	sshrl.u32 s0, $0x3  }
0x3f: {  	s0 =	simm.s32 $0x0;
	s31 =	sadd.s32 s5, s1  }
0x40: {  	[tilespmem:s20], [sflag:$0x5] =	stream.linear.gather [hbm4b:s31+s0], $0x1C00, $0x38;
	[tilespmem:$0x14200] =	vst v63  }
0x41: {  	_ =	swait.ge [sflag:s17], $0x1C00  }
0x42: {  	[sflag:s17] =	ssyncset.done $0x0  }
0x43: {  	s1 =	sadd.s32 s6, s1;
	[sflag:s17] =	ssyncadd.s32 $0xFFFFE400  }
0x44: {  	[tilespmem:s21], [sflag:$0x5] =	stream.linear.gather [hbm4b:s1+s0], $0x1C00, $0x38;
	[tilespmem:$0x14200] =	vst v63  }
0x45: {  	_ =	swait.ge [sflag:s17], $0x1C00  }
0x46: {  	[sflag:s17] =	ssyncset.done $0x0  }
0x47: {  	[sflag:s17] =	ssyncadd.s32 $0xFFFFE400  }
.LBB2_7:
0x48: {  	p0 =	sne.s32 s0, $0x6E00  }
.Ltmp2:
0x49: {  	_ = 	snop;
	(pc) =	sbr.rel @p0 .LBB2_7-.Ltmp2, $4  }
0x4a: {  	_ = 	snop  }
0x4b: {  	s1 =	sshra.s32 s0, $0x2  }
0x4c: {  	s0 =	sadd.s32 $0x200, s0;
	s10 =	sadd.s32 $0xC400, s1;
	s1 =	sadd.s32 $0x1C00, s1  }
0x4d: {  	[tilespmem:s10], [sflag:$0x2] =	stream.indirect.gather [spmem:s3], $0x1, s1, s19, $0xb8;
	[tilespmem:$0x14200] =	vst v63  }
0x4e: {  	_ =	swait.ge [sflag:s22], $0x80  }
0x4f: {  	s0 =	simm.s32 $0x37;
	[sflag:s22] =	ssyncset.done $0x0  }
.LBB2_9:
0x50: {  	p0 =	sne.s32 s0, $0x1;
	s0 =	sadd.s32 $0xFFFFFFFF, s0;
	[sflag:s22] =	ssyncadd.s32 $0xFFFFFF80  }
.Ltmp3:
0x51: {  	(pc) =	sbr.rel @p0 .LBB2_9-.Ltmp3, $3  }
0x52: {  	_ =	sdelay $0x1  }
0x53: {  	_ =	swait.ge [sflag:s22], $0x80  }
0x54: {  	s31 =	simm.s32 $0x0;
	[sflag:s22] =	ssyncset.done $0x0  }
0x55: {  	[sflag:s22] =	ssyncadd.s32 $0xFFFFFF80;
	s0 =	simm.s32 $0x0  }
0x56: {  	v2 =	vld [tilespmem:s0+$0xA800]  }
0x57: {  	v3 =	vld [tilespmem:s0+$0xA810]  }
0x58: {  	v4 =	vld [tilespmem:s0+$0xA820]  }
0x59: {  	v11 =	vld [tilespmem:s0+$0x3800]  }
0x5a: {  	v5 =	vld [tilespmem:s0+$0xA830]  }
0x5b: {  	v12 =	vld [tilespmem:s0+$0x3810];
	v6 =	vand.u32 $0x7FFFFFFF, v2  }
0x5c: {  	v7 =	vld [tilespmem:s0+$0xA840];
	vm0 =	vlt.f32 v2, $0.0e+00;
	[tilespmem:s0+$0xA800] =	vst v6;
	v6 =	vand.u32 $0x7FFFFFFF, v3  }
0x5d: {  	v8 =	vld [tilespmem:s0+$0xA850];
	v2 =	vsel vm0, $0x18800, v1;
	[tilespmem:s0+$0xA810] =	vst v6;
	v6 =	vand.u32 $0x7FFFFFFF, v4  }
0x5e: {  	v9 =	vld [tilespmem:s0+$0xA860];
	vm9 =	vlt.f32 v3, $0.0e+00;
	v2 =	vadd.s32 v11, v2;
	[tilespmem:s0+$0xA820] =	vst v6  }
0x5f: {  	v10 =	vld [tilespmem:s0+$0xA870];
	v3 =	vsel vm9, $0x18800, v1;
	v6 =	vand.u32 $0x7FFFFFFF, v5;
	[tilespmem:s0+$0x7000] =	vst v2  }
0x60: {  	v13 =	vld [tilespmem:s0+$0x3820];
	v2 =	vadd.s32 v12, v3;
	[tilespmem:s0+$0xA830] =	vst v6  }
0x61: {  	v14 =	vld [tilespmem:s0+$0x3830];
	v6 =	vand.u32 $0x7FFFFFFF, v7;
	[tilespmem:s0+$0x7010] =	vst v2  }
0x62: {  	v15 =	vld [tilespmem:s0+$0x3840];
	[tilespmem:s0+$0xA840] =	vst v6;
	v6 =	vand.u32 $0x7FFFFFFF, v8  }
0x63: {  	v16 =	vld [tilespmem:s0+$0x3850];
	vm10 =	vlt.f32 v4, $0.0e+00;
	[tilespmem:s0+$0xA850] =	vst v6;
	v6 =	vand.u32 $0x7FFFFFFF, v9  }
0x64: {  	vm11 =	vlt.f32 v5, $0.0e+00;
	v3 =	vld [tilespmem:s0+$0x3860];
	v2 =	vsel vm10, $0x18800, v1;
	[tilespmem:s0+$0xA860] =	vst v6;
	v6 =	vand.u32 $0x7FFFFFFF, v10  }
0x65: {  	s1 =	simm.s32 $0x80;
	v63 =	vld [tilespmem:s0+$0x3870];
	vm12 =	vlt.f32 v7, $0.0e+00;
	v4 =	vsel vm11, $0x18800, v1;
	v2 =	vadd.s32 v13, v2;
	[tilespmem:s0+$0xA870] =	vst v6  }
0x66: {  	vm13 =	vlt.f32 v8, $0.0e+00;
	v6 =	vld [tilespmem:s1+$0xA800];
	[tilespmem:s0+$0x7020] =	vst v2;
	v2 =	vadd.s32 v14, v4;
	v4 =	vsel vm12, $0x18800, v1  }
0x67: {  	vm14 =	vlt.f32 v9, $0.0e+00;
	v7 =	vsel vm13, $0x18800, v1;
	v5 =	vld [tilespmem:s1+$0xA810];
	[tilespmem:s0+$0x7030] =	vst v2;
	v2 =	vadd.s32 v15, v4  }
0x68: {  	vm15 =	vlt.f32 v10, $0.0e+00;
	v7 =	vadd.s32 v16, v7;
	v8 =	vsel vm14, $0x18800, v1;
	v4 =	vld [tilespmem:s1+$0xA820];
	[tilespmem:s0+$0x7040] =	vst v2  }
0x69: {  	v8 =	vadd.s32 v3, v8;
	v2 =	vld [tilespmem:s1+$0xA830];
	[tilespmem:s0+$0x7050] =	vst v7;
	v7 =	vsel vm15, $0x18800, v1  }
0x6a: {  	s10 =	simm.s32 $0x400;
	v3 =	vld [tilespmem:s1+$0xA840];
	[tilespmem:s0+$0x7060] =	vst v8;
	v7 =	vadd.s32 v63, v7  }
.LBB2_11:
0x6b: {  	p0 =	sne.s32 s10, $0x6E00;
	vm0 =	vlt.f32 v6, $0.0e+00;
	v6 =	vand.u32 $0x7FFFFFFF, v6;
	v8 =	vld [tilespmem:s1+$0xA850];
	[tilespmem:s0+$0x7070] =	vst v7;
	s0 =	smov.u32 s1  }
0x6c: {  	v7 =	vsel vm0, $0x18800, v1;
	[tilespmem:s0+$0xA800] =	vst v6;
	vm0 =	vlt.f32 v5, $0.0e+00;
	v5 =	vand.u32 $0x7FFFFFFF, v5;
	v6 =	vld [tilespmem:s0+$0xA860]  }
0x6d: {  	v9 =	vsel vm0, $0x18800, v1;
	[tilespmem:s0+$0xA810] =	vst v5;
	vm0 =	vlt.f32 v4, $0.0e+00;
	v4 =	vand.u32 $0x7FFFFFFF, v4;
	v5 =	vld [tilespmem:s0+$0xA870]  }
0x6e: {  	v10 =	vld [tilespmem:s0+$0x3800];
	v11 =	vsel vm0, $0x18800, v1;
	[tilespmem:s0+$0xA820] =	vst v4;
	vm0 =	vlt.f32 v2, $0.0e+00;
	v2 =	vand.u32 $0x7FFFFFFF, v2  }
0x6f: {  	v4 =	vld [tilespmem:s0+$0x3810];
	v12 =	vsel vm0, $0x18800, v1;
	[tilespmem:s0+$0xA830] =	vst v2;
	vm0 =	vlt.f32 v3, $0.0e+00;
	v2 =	vand.u32 $0x7FFFFFFF, v3  }
0x70: {  	v3 =	vld [tilespmem:s0+$0x3820];
	v13 =	vsel vm0, $0x18800, v1;
	[tilespmem:s0+$0xA840] =	vst v2;
	vm0 =	vlt.f32 v8, $0.0e+00;
	v2 =	vand.u32 $0x7FFFFFFF, v8  }
0x71: {  	v8 =	vld [tilespmem:s0+$0x3830];
	v14 =	vsel vm0, $0x18800, v1;
	[tilespmem:s0+$0xA850] =	vst v2;
	vm0 =	vlt.f32 v6, $0.0e+00;
	v2 =	vand.u32 $0x7FFFFFFF, v6  }
0x72: {  	v15 =	vld [tilespmem:s0+$0x3840];
	v16 =	vsel vm0, $0x18800, v1;
	[tilespmem:s0+$0xA860] =	vst v2;
	vm0 =	vlt.f32 v5, $0.0e+00;
	v2 =	vand.u32 $0x7FFFFFFF, v5  }
0x73: {  	v5 =	vadd.s32 v10, v7;
	v7 =	vld [tilespmem:s0+$0x3850];
	v10 =	vsel vm0, $0x18800, v1;
	[tilespmem:s0+$0xA870] =	vst v2  }
0x74: {  	[tilespmem:s0+$0x7000] =	vst v5;
	v2 =	vadd.s32 v4, v9;
	v9 =	vld [tilespmem:s0+$0x3860]  }
0x75: {  	s1 =	sshra.s32 s10, $0x2;
	[tilespmem:s0+$0x7010] =	vst v2;
	v2 =	vadd.s32 v3, v11;
	v11 =	vld [tilespmem:s0+$0x3870]  }
.Ltmp4:
0x76: {  	v6 =	vld [tilespmem:s1+$0xA800];
	[tilespmem:s0+$0x7020] =	vst v2;
	v2 =	vadd.s32 v8, v12;
	(pc) =	sbr.rel @p0 .LBB2_11-.Ltmp4, $4  }
0x77: {  	v5 =	vld [tilespmem:s1+$0xA810];
	[tilespmem:s0+$0x7030] =	vst v2;
	v2 =	vadd.s32 v15, v13  }
0x78: {  	v4 =	vld [tilespmem:s1+$0xA820];
	[tilespmem:s0+$0x7040] =	vst v2;
	v3 =	vadd.s32 v7, v14  }
0x79: {  	v2 =	vld [tilespmem:s1+$0xA830];
	[tilespmem:s0+$0x7050] =	vst v3;
	v7 =	vadd.s32 v9, v16  }
0x7a: {  	s10 =	sadd.s32 $0x200, s10;
	v3 =	vld [tilespmem:s1+$0xA840];
	[tilespmem:s0+$0x7060] =	vst v7;
	v7 =	vadd.s32 v11, v10  }
0x7b: {  	v8 =	vld [tilespmem:s1+$0xA850];
	v9 =	vand.u32 $0x7FFFFFFF, v6;
	[tilespmem:s0+$0x7070] =	vst v7  }
0x7c: {  	[tilespmem:s1+$0xA800] =	vst v9;
	v50 =	vand.u32 $0x7FFFFFFF, v5;
	v51 =	vld [tilespmem:s1+$0xA860]  }
0x7d: {  	v52 =	vld [tilespmem:s1+$0xA870];
	[tilespmem:s1+$0xA810] =	vst v50;
	v10 =	vand.u32 $0x7FFFFFFF, v4  }
0x7e: {  	v11 =	vld [tilespmem:s1+$0x3800];
	[tilespmem:s1+$0xA820] =	vst v10;
	v53 =	vand.u32 $0x7FFFFFFF, v2  }
0x7f: {  	v12 =	vld [tilespmem:s1+$0x3810];
	[tilespmem:s1+$0xA830] =	vst v53;
	v54 =	vand.u32 $0x7FFFFFFF, v3  }
0x80: {  	v13 =	vld [tilespmem:s1+$0x3820];
	[tilespmem:s1+$0xA840] =	vst v54;
	v55 =	vand.u32 $0x7FFFFFFF, v8  }
0x81: {  	vm0 =	vlt.f32 v6, $0.0e+00;
	v14 =	vld [tilespmem:s1+$0x3830];
	[tilespmem:s1+$0xA850] =	vst v55;
	v56 =	vand.u32 $0x7FFFFFFF, v51  }
0x82: {  	v15 =	vld [tilespmem:s1+$0x3840];
	v6 =	vsel vm0, $0x18800, v1;
	vm9 =	vlt.f32 v5, $0.0e+00;
	v57 =	vand.u32 $0x7FFFFFFF, v52;
	[tilespmem:s1+$0xA860] =	vst v56  }
0x83: {  	v16 =	vld [tilespmem:s1+$0x3850];
	v5 =	vsel vm9, $0x18800, v1;
	vm10 =	vlt.f32 v4, $0.0e+00;
	v6 =	vadd.s32 v11, v6;
	[tilespmem:s1+$0xA870] =	vst v57  }
0x84: {  	v59 =	vld [tilespmem:s1+$0x3860];
	v60 =	vsel vm10, $0x18800, v1;
	vm11 =	vlt.f32 v2, $0.0e+00;
	v58 =	vadd.s32 v12, v5;
	[tilespmem:s1+$0x7000] =	vst v6  }
0x85: {  	v61 =	vld [tilespmem:s1+$0x3870];
	v2 =	vsel vm11, $0x18800, v1;
	vm12 =	vlt.f32 v3, $0.0e+00;
	v3 =	vadd.s32 v13, v60;
	[tilespmem:s1+$0x7010] =	vst v58  }
0x86: {  	v62 =	vsel vm12, $0x18800, v1;
	vm13 =	vlt.f32 v8, $0.0e+00;
	v2 =	vadd.s32 v14, v2;
	[tilespmem:s1+$0x7020] =	vst v3  }
0x87: {  	vm14 =	vlt.f32 v51, $0.0e+00;
	v3 =	vsel vm13, $0x18800, v1;
	[tilespmem:s1+$0x7030] =	vst v2;
	v2 =	vadd.s32 v15, v62  }
0x88: {  	vm15 =	vlt.f32 v52, $0.0e+00;
	v63 =	vsel vm14, $0x18800, v1;
	[tilespmem:s1+$0x7040] =	vst v2;
	v2 =	vadd.s32 v16, v3  }
0x89: {  	v3 =	vsel vm15, $0x18800, v1;
	[tilespmem:s1+$0x7050] =	vst v2;
	v2 =	vadd.s32 v59, v63  }
0x8a: {  	[tilespmem:s1+$0x7060] =	vst v2;
	v2 =	vadd.s32 v61, v3  }
0x8b: {  	[tilespmem:s1+$0x7070] =	vst v2  }
.LBB2_13:
0x8c: {  	p0 =	sne.s32 s31, $0x6E00  }
.Ltmp5:
0x8d: {  	_ = 	snop;
	(pc) =	sbr.rel @p0 .LBB2_13-.Ltmp5, $4  }
0x8e: {  	_ = 	snop  }
0x8f: {  	s0 =	sshra.s32 s31, $0x2  }
0x90: {  	s31 =	sadd.s32 $0x200, s31;
	s1 =	sadd.s32 $0xA800, s0;
	s0 =	sadd.s32 $0x7000, s0  }
0x91: {  	[spmem:s2] =	stream.indirect.scatter.add.f32 [tilespmem:s1], [sflag:$0x3], $0x1, s0, s19, $0xb8;
	[tilespmem:$0x14200] =	vst v63  }
0x92: {  	_ =	swait.ge [sflag:s23], $0x80  }
0x93: {  	s0 =	simm.s32 $0x37;
	[sflag:s23] =	ssyncset.done $0x0  }
.LBB2_15:
0x94: {  	p0 =	sne.s32 s0, $0x1;
	s0 =	sadd.s32 $0xFFFFFFFF, s0;
	[sflag:s23] =	ssyncadd.s32 $0xFFFFFF80  }
.Ltmp6:
0x95: {  	(pc) =	sbr.rel @p0 .LBB2_15-.Ltmp6, $3  }
0x96: {  	_ =	sdelay $0x1  }
0x97: {  	_ =	swait.ge [sflag:s23], $0x80  }
0x98: {  	[sflag:s23] =	ssyncset.done $0x0  }
0x99: {  	[sflag:s23] =	ssyncadd.s32 $0xFFFFFF80;
	s0 =	simm.s32 $0x0  }
0x9a: {  	v2 =	vld [tilespmem:s0+$0xC400]  }
0x9b: {  	v3 =	vld [tilespmem:s0+$0xC410]  }
0x9c: {  	v4 =	vld [tilespmem:s0+$0xC420]  }
0x9d: {  	v11 =	vld [tilespmem:s0+$0x5400]  }
0x9e: {  	v5 =	vld [tilespmem:s0+$0xC430]  }
0x9f: {  	v12 =	vld [tilespmem:s0+$0x5410];
	v6 =	vand.u32 $0x7FFFFFFF, v2  }
0xa0: {  	v7 =	vld [tilespmem:s0+$0xC440];
	vm0 =	vlt.f32 v2, $0.0e+00;
	[tilespmem:s0+$0xC400] =	vst v6;
	v6 =	vand.u32 $0x7FFFFFFF, v3  }
0xa1: {  	v8 =	vld [tilespmem:s0+$0xC450];
	v2 =	vsel vm0, $0x18800, v1;
	[tilespmem:s0+$0xC410] =	vst v6;
	v6 =	vand.u32 $0x7FFFFFFF, v4  }
0xa2: {  	v9 =	vld [tilespmem:s0+$0xC460];
	vm9 =	vlt.f32 v3, $0.0e+00;
	v2 =	vadd.s32 v11, v2;
	[tilespmem:s0+$0xC420] =	vst v6  }
0xa3: {  	v10 =	vld [tilespmem:s0+$0xC470];
	v3 =	vsel vm9, $0x18800, v1;
	v6 =	vand.u32 $0x7FFFFFFF, v5;
	[tilespmem:s0+$0x8C00] =	vst v2  }
0xa4: {  	v13 =	vld [tilespmem:s0+$0x5420];
	v2 =	vadd.s32 v12, v3;
	[tilespmem:s0+$0xC430] =	vst v6  }
0xa5: {  	v14 =	vld [tilespmem:s0+$0x5430];
	v6 =	vand.u32 $0x7FFFFFFF, v7;
	[tilespmem:s0+$0x8C10] =	vst v2  }
0xa6: {  	v15 =	vld [tilespmem:s0+$0x5440];
	[tilespmem:s0+$0xC440] =	vst v6;
	v6 =	vand.u32 $0x7FFFFFFF, v8  }
0xa7: {  	v16 =	vld [tilespmem:s0+$0x5450];
	vm10 =	vlt.f32 v4, $0.0e+00;
	[tilespmem:s0+$0xC450] =	vst v6;
	v6 =	vand.u32 $0x7FFFFFFF, v9  }
0xa8: {  	vm11 =	vlt.f32 v5, $0.0e+00;
	v3 =	vld [tilespmem:s0+$0x5460];
	v2 =	vsel vm10, $0x18800, v1;
	[tilespmem:s0+$0xC460] =	vst v6;
	v6 =	vand.u32 $0x7FFFFFFF, v10  }
0xa9: {  	s1 =	simm.s32 $0x80;
	v63 =	vld [tilespmem:s0+$0x5470];
	vm12 =	vlt.f32 v7, $0.0e+00;
	v4 =	vsel vm11, $0x18800, v1;
	v2 =	vadd.s32 v13, v2;
	[tilespmem:s0+$0xC470] =	vst v6  }
0xaa: {  	vm13 =	vlt.f32 v8, $0.0e+00;
	v6 =	vld [tilespmem:s1+$0xC400];
	[tilespmem:s0+$0x8C20] =	vst v2;
	v2 =	vadd.s32 v14, v4;
	v4 =	vsel vm12, $0x18800, v1  }
0xab: {  	vm14 =	vlt.f32 v9, $0.0e+00;
	v7 =	vsel vm13, $0x18800, v1;
	v5 =	vld [tilespmem:s1+$0xC410];
	[tilespmem:s0+$0x8C30] =	vst v2;
	v2 =	vadd.s32 v15, v4  }
0xac: {  	vm15 =	vlt.f32 v10, $0.0e+00;
	v7 =	vadd.s32 v16, v7;
	v8 =	vsel vm14, $0x18800, v1;
	v4 =	vld [tilespmem:s1+$0xC420];
	[tilespmem:s0+$0x8C40] =	vst v2  }
0xad: {  	v8 =	vadd.s32 v3, v8;
	v2 =	vld [tilespmem:s1+$0xC430];
	[tilespmem:s0+$0x8C50] =	vst v7;
	v7 =	vsel vm15, $0x18800, v1  }
0xae: {  	s31 =	simm.s32 $0x200;
	s10 =	simm.s32 $0x400;
	v3 =	vld [tilespmem:s1+$0xC440];
	[tilespmem:s0+$0x8C60] =	vst v8;
	v7 =	vadd.s32 v63, v7  }
.LBB2_17:
0xaf: {  	p0 =	sne.s32 s10, $0x6E00;
	vm0 =	vlt.f32 v6, $0.0e+00;
	v6 =	vand.u32 $0x7FFFFFFF, v6;
	v8 =	vld [tilespmem:s1+$0xC450];
	[tilespmem:s0+$0x8C70] =	vst v7;
	s0 =	smov.u32 s1  }
0xb0: {  	v7 =	vsel vm0, $0x18800, v1;
	[tilespmem:s0+$0xC400] =	vst v6;
	vm0 =	vlt.f32 v5, $0.0e+00;
	v5 =	vand.u32 $0x7FFFFFFF, v5;
	v6 =	vld [tilespmem:s0+$0xC460]  }
0xb1: {  	v9 =	vsel vm0, $0x18800, v1;
	[tilespmem:s0+$0xC410] =	vst v5;
	vm0 =	vlt.f32 v4, $0.0e+00;
	v4 =	vand.u32 $0x7FFFFFFF, v4;
	v5 =	vld [tilespmem:s0+$0xC470]  }
0xb2: {  	v10 =	vld [tilespmem:s0+$0x5400];
	v11 =	vsel vm0, $0x18800, v1;
	[tilespmem:s0+$0xC420] =	vst v4;
	vm0 =	vlt.f32 v2, $0.0e+00;
	v2 =	vand.u32 $0x7FFFFFFF, v2  }
0xb3: {  	v4 =	vld [tilespmem:s0+$0x5410];
	v12 =	vsel vm0, $0x18800, v1;
	[tilespmem:s0+$0xC430] =	vst v2;
	vm0 =	vlt.f32 v3, $0.0e+00;
	v2 =	vand.u32 $0x7FFFFFFF, v3  }
0xb4: {  	v3 =	vld [tilespmem:s0+$0x5420];
	v13 =	vsel vm0, $0x18800, v1;
	[tilespmem:s0+$0xC440] =	vst v2;
	vm0 =	vlt.f32 v8, $0.0e+00;
	v2 =	vand.u32 $0x7FFFFFFF, v8  }
0xb5: {  	v8 =	vld [tilespmem:s0+$0x5430];
	v14 =	vsel vm0, $0x18800, v1;
	[tilespmem:s0+$0xC450] =	vst v2;
	vm0 =	vlt.f32 v6, $0.0e+00;
	v2 =	vand.u32 $0x7FFFFFFF, v6  }
0xb6: {  	v15 =	vld [tilespmem:s0+$0x5440];
	v16 =	vsel vm0, $0x18800, v1;
	[tilespmem:s0+$0xC460] =	vst v2;
	vm0 =	vlt.f32 v5, $0.0e+00;
	v2 =	vand.u32 $0x7FFFFFFF, v5  }
0xb7: {  	v5 =	vadd.s32 v10, v7;
	v7 =	vld [tilespmem:s0+$0x5450];
	v10 =	vsel vm0, $0x18800, v1;
	[tilespmem:s0+$0xC470] =	vst v2  }
0xb8: {  	[tilespmem:s0+$0x8C00] =	vst v5;
	v2 =	vadd.s32 v4, v9;
	v9 =	vld [tilespmem:s0+$0x5460]  }
0xb9: {  	s1 =	sshra.s32 s10, $0x2;
	[tilespmem:s0+$0x8C10] =	vst v2;
	v2 =	vadd.s32 v3, v11;
	v11 =	vld [tilespmem:s0+$0x5470]  }
.Ltmp7:
0xba: {  	v6 =	vld [tilespmem:s1+$0xC400];
	[tilespmem:s0+$0x8C20] =	vst v2;
	v2 =	vadd.s32 v8, v12;
	(pc) =	sbr.rel @p0 .LBB2_17-.Ltmp7, $4  }
0xbb: {  	v5 =	vld [tilespmem:s1+$0xC410];
	[tilespmem:s0+$0x8C30] =	vst v2;
	v2 =	vadd.s32 v15, v13  }
0xbc: {  	v4 =	vld [tilespmem:s1+$0xC420];
	[tilespmem:s0+$0x8C40] =	vst v2;
	v3 =	vadd.s32 v7, v14  }
0xbd: {  	v2 =	vld [tilespmem:s1+$0xC430];
	[tilespmem:s0+$0x8C50] =	vst v3;
	v7 =	vadd.s32 v9, v16  }
0xbe: {  	s10 =	sadd.s32 $0x200, s10;
	v3 =	vld [tilespmem:s1+$0xC440];
	[tilespmem:s0+$0x8C60] =	vst v7;
	v7 =	vadd.s32 v11, v10  }
0xbf: {  	v8 =	vld [tilespmem:s1+$0xC450];
	v9 =	vand.u32 $0x7FFFFFFF, v6;
	[tilespmem:s0+$0x8C70] =	vst v7  }
0xc0: {  	[tilespmem:s1+$0xC400] =	vst v9;
	v50 =	vand.u32 $0x7FFFFFFF, v5;
	v51 =	vld [tilespmem:s1+$0xC460]  }
0xc1: {  	v52 =	vld [tilespmem:s1+$0xC470];
	[tilespmem:s1+$0xC410] =	vst v50;
	v10 =	vand.u32 $0x7FFFFFFF, v4  }
0xc2: {  	v11 =	vld [tilespmem:s1+$0x5400];
	[tilespmem:s1+$0xC420] =	vst v10;
	v53 =	vand.u32 $0x7FFFFFFF, v2  }
0xc3: {  	v12 =	vld [tilespmem:s1+$0x5410];
	[tilespmem:s1+$0xC430] =	vst v53;
	v54 =	vand.u32 $0x7FFFFFFF, v3  }
0xc4: {  	v13 =	vld [tilespmem:s1+$0x5420];
	[tilespmem:s1+$0xC440] =	vst v54;
	v55 =	vand.u32 $0x7FFFFFFF, v8  }
0xc5: {  	vm0 =	vlt.f32 v6, $0.0e+00;
	v14 =	vld [tilespmem:s1+$0x5430];
	[tilespmem:s1+$0xC450] =	vst v55;
	v56 =	vand.u32 $0x7FFFFFFF, v51  }
0xc6: {  	v15 =	vld [tilespmem:s1+$0x5440];
	v6 =	vsel vm0, $0x18800, v1;
	vm9 =	vlt.f32 v5, $0.0e+00;
	v57 =	vand.u32 $0x7FFFFFFF, v52;
	[tilespmem:s1+$0xC460] =	vst v56  }
0xc7: {  	v16 =	vld [tilespmem:s1+$0x5450];
	v5 =	vsel vm9, $0x18800, v1;
	vm10 =	vlt.f32 v4, $0.0e+00;
	v6 =	vadd.s32 v11, v6;
	[tilespmem:s1+$0xC470] =	vst v57  }
0xc8: {  	v59 =	vld [tilespmem:s1+$0x5460];
	v60 =	vsel vm10, $0x18800, v1;
	vm11 =	vlt.f32 v2, $0.0e+00;
	v58 =	vadd.s32 v12, v5;
	[tilespmem:s1+$0x8C00] =	vst v6  }
0xc9: {  	v61 =	vld [tilespmem:s1+$0x5470];
	v2 =	vsel vm11, $0x18800, v1;
	vm12 =	vlt.f32 v3, $0.0e+00;
	v3 =	vadd.s32 v13, v60;
	[tilespmem:s1+$0x8C10] =	vst v58  }
0xca: {  	v62 =	vsel vm12, $0x18800, v1;
	vm13 =	vlt.f32 v8, $0.0e+00;
	v2 =	vadd.s32 v14, v2;
	[tilespmem:s1+$0x8C20] =	vst v3  }
0xcb: {  	vm14 =	vlt.f32 v51, $0.0e+00;
	v3 =	vsel vm13, $0x18800, v1;
	[tilespmem:s1+$0x8C30] =	vst v2;
	v2 =	vadd.s32 v15, v62  }
0xcc: {  	vm15 =	vlt.f32 v52, $0.0e+00;
	v63 =	vsel vm14, $0x18800, v1;
	[tilespmem:s1+$0x8C40] =	vst v2;
	v2 =	vadd.s32 v16, v3  }
0xcd: {  	v3 =	vsel vm15, $0x18800, v1;
	[tilespmem:s1+$0x8C50] =	vst v2;
	v2 =	vadd.s32 v59, v63  }
0xce: {  	[tilespmem:s1+$0x8C60] =	vst v2;
	v2 =	vadd.s32 v61, v3  }
0xcf: {  	s0 =	simm.s32 $0xC400;
	[tilespmem:s1+$0x8C70] =	vst v2;
	s1 =	simm.s32 $0x8C00  }
.LBB2_19:
0xd0: {  	[spmem:s2] =	stream.indirect.scatter.add.f32 [tilespmem:s0], [sflag:$0x4], $0x1, s1, s19, $0xb8;
	[tilespmem:$0x14200] =	vst v63  }
0xd1: {  	s0 =	smov.u32 s31;
	p0 =	sne.s32 s31, $0x6E00  }
.Ltmp8:
0xd2: {  	s31 =	sadd.s32 $0x200, s31;
	(pc) =	sbr.rel @p0 .LBB2_19-.Ltmp8, $3  }
0xd3: {  	_ =	sdelay $0x1  }
0xd4: {  	s1 =	sshra.s32 s0, $0x2  }
0xd5: {  	s0 =	sadd.s32 $0xC400, s1;
	s1 =	sadd.s32 $0x8C00, s1  }
0xd6: {  	[spmem:s2] =	stream.indirect.scatter.add.f32 [tilespmem:s0], [sflag:$0x4], $0x1, s1, s19, $0xb8;
	[tilespmem:$0x14200] =	vst v63  }
0xd7: {  	_ =	swait.ge [sflag:s24], $0x80  }
0xd8: {  	s0 =	simm.s32 $0x37;
	[sflag:s24] =	ssyncset.done $0x0  }
.LBB2_21:
0xd9: {  	p0 =	sne.s32 s0, $0x1;
	s0 =	sadd.s32 $0xFFFFFFFF, s0;
	[sflag:s24] =	ssyncadd.s32 $0xFFFFFF80  }
.Ltmp9:
0xda: {  	(pc) =	sbr.rel @p0 .LBB2_21-.Ltmp9, $3  }
0xdb: {  	_ =	sdelay $0x1  }
0xdc: {  	_ =	swait.ge [sflag:s24], $0x80  }
0xdd: {  	[sflag:s24] =	ssyncset.done $0x0  }
0xde: {  	[sflag:s24] =	ssyncadd.s32 $0xFFFFFF80  }
0xdf: {  	_ =	swait.ge [sflag:s25], $0x80  }
0xe0: {  	s0 =	simm.s32 $0x37;
	[sflag:s25] =	ssyncset.done $0x0  }
.LBB2_23:
0xe1: {  	p0 =	sne.s32 s0, $0x1;
	s0 =	sadd.s32 $0xFFFFFFFF, s0;
	[sflag:s25] =	ssyncadd.s32 $0xFFFFFF80  }
.Ltmp10:
0xe2: {  	(pc) =	sbr.rel @p0 .LBB2_23-.Ltmp10, $3  }
0xe3: {  	_ =	sdelay $0x1  }
0xe4: {  	_ =	swait.ge [sflag:s25], $0x80  }
0xe5: {  	[sflag:s25] =	ssyncset.done $0x0  }
0xe6: {  	s30 =	sadd.s32 $0x1, s30  }
0xe7: {  	p0 =	sne.s32 s30, $0x7  }
.Ltmp11:
0xe8: {  	_ = 	snop;
	(pc) =	sbr.rel @p0 .LBB2_4-.Ltmp11, $2  }
0xe9: {  	_ =	sdelay $0x2  }
0xea: {  	[sflag:s25] =	ssyncadd.s32 $0xFFFFFF80  }
0xeb: {  	s0 =	stileid.u32  }
0xec: {  	s0 =	sshll.u32 s0, $0x6  }
0xed: {  	[bflag:$0x0] =	sbarrier.arrive $0xFFFF;
	s1 =	sshrl.u32 s7, $0x3;
	s0 =	sor.u32 $0x1C05, s0  }
0xee: {  	[hbm:s13@s26], [sflag:s0] =	dma.strided [spmem:s1@s28], $0x310, s22, $0x10   }
0xef: {  	s4 =	sadd.s32 $0x1, s4;
	_ =	swait.ge [sflag:s17], $0x310  }
0xf0: {  	p0 =	sne.s32 s4, s15;
	[sflag:s17] =	ssyncset.done $0x0  }
.Ltmp12:
0xf1: {  	s31 =	sshrl.u32 s9, $0x3;
	[sflag:s17] =	ssyncadd.s32 $0xFFFFFCF0;
	(pc) =	sbr.rel @p0 .LBB2_1-.Ltmp12, $4  }
0xf2: {  	[hbm:s14@s26], [sflag:s0] =	dma.strided [spmem:s31@s28], $0x310, s22, $0x10   }
0xf3: {  	_ =	swait.ge [sflag:s17], $0x310  }
0xf4: {  	[sflag:s17] =	ssyncset.done $0x0  }
0xf5: {  	[sflag:s17] =	ssyncadd.s32 $0xFFFFFCF0  }
0xf6: {  	_ =	sfence.sel $0x180000  }
0xf7: {  	[bflag:$0x0] =	sbarrier.arrive $0xFFFF  }
0xf8: {  	_ =	strace $0x9000004D  }
0xf9: {  	s0 =	stileid.u32;
	[bflag:$0x2] =	sbarrier.arrive $0xFFFF  }
0xfa: {  	p0 =	sne.s32 s0, $0x0;
	s0 =	rddreg [dreg:$0x3]  }
0xfb: {  	s0 =	sadd.s32 @!p0 $0x100000, s0  }
0xfc: {  	[sflag:s0] =	ssyncadd.tile.s32 @!p0 $0x1;
	_ =	shalt  }
.Lfunc_end2:
_tile_overlayer_lowered:
.L_overlay_start_2:
0xfd: {  	(tag) =	ssettag $0x2  }
0xfe: {  	s0 =	rddreg [dreg:$0x0];
	s2 =	stileid.u32  }
0xff: {  	s1 =	rddreg [dreg:$0x1];
	p0 =	sne.s32 s2, $0x0  }
0x100: {  	s3 =	rddreg [dreg:$0x2];
	[bflag:$0x3] =	sbarrier.arrive $0xFFFF;
	s2 =	simm.s32 @!p0 $0x1C05  }
0x101: {  	[timem:s3], [sflag:s2] =	dma.local @!p0 [hbm:s0], s1  }
0x102: {  	s0 =	simm.s32 @!p0 $0x5  }
0x103: {  	_ =	swait.ge @!p0 [sflag:s0], s1  }
0x104: {  	s1 =	ssub.s32 @!p0 $0x0, s1;
	[sflag:s0] =	ssyncset.done @!p0 $0x0  }
0x105: {  	[sflag:s0] =	ssyncadd.s32 @!p0 s1  }
0x106: {  	[bflag:$0x3] =	sbarrier.arrive $0xFFFF  }
0x107: {  	_ =	shalt  }

// kernel: kernel.9.cloned.1.call-start
scs
__scs_entry_jumppad:
0x0: {  	(pc) =	sbr.rel $0x88, $3  }
0x1: {  	(tag) =	ssettag $0x0;
	lr =	simm.s32 $0x1  }
0x2: {  	[smem:$0x3F97] =	sst lr;
	_ =	strace $0xD0000000  }
0x3: {  	_ = 	snop  }
0x4: {  	_ = 	snop  }
0x5: {  	_ = 	snop  }
0x6: {  	_ = 	snop  }
0x7: {  	_ = 	snop  }
__scs_overlays_trampoline_lowered:
0x8: {  	[smem:$0x3FA6] =	sst s0  }
0x9: {  	[smem:$0x3FA7] =	sst s1  }
0xa: {  	[smem:$0x3FA8] =	sst s2  }
0xb: {  	[smem:$0x3FA9] =	sst s3  }
0xc: {  	[smem:$0x3FAA] =	sst s4  }
0xd: {  	[smem:$0x3FAB] =	sst s5  }
0xe: {  	[smem:$0x3FAC] =	sst s6  }
0xf: {  	[smem:$0x3FAD] =	sst s7  }
0x10: {  	[smem:$0x3FAE] =	sst s8  }
0x11: {  	[smem:$0x3FAF] =	sst s9;
	s0 =	simm.s32 @!p0 $0x0  }
0x12: {  	s1 =	sld [smem:$0x3F95];
	s0 =	simm.s32 @p0 $0x1  }
0x13: {  	[smem:$0x3FB0] =	sst s0;
	s0 =	simm.s32 @!p1 $0x0  }
0x14: {  	s2 =	sld [smem:$0x3F94];
	s0 =	simm.s32 @p1 $0x1  }
0x15: {  	[smem:$0x3FB1] =	sst s0;
	s0 =	simm.s32 @!p2 $0x0  }
0x16: {  	s3 =	sld [smem:$0x3FDB];
	s0 =	simm.s32 @p2 $0x1  }
0x17: {  	s4 =	simm.s32 $0x1BF5;
	[smem:$0x3FB3] =	sst s0  }
0x18: {  	s0 =	sld [smem:$0x3F96];
	_ =	swait.ge [sflag:s4], $0x0  }
0x19: {  	s7 =	sld [smem:$0x3F97]  }
0x1a: {  	s8 =	sadd.s32 $0xFFFFE003, lr  }
0x1b: {  	s9 =	sadd.s32 $0xFFFFFEF7, lr;
	s5 =	simm.s32 $0xFFFFFFFF;
	p2 =	slt.u32 s8, $0xFFFFF086  }
0x1c: {  	p1 =	slt.u32 s9, $0xF7A;
	s5 =	simm.s32 @!p2 $0x0  }
0x1d: {  	s5 =	simm.s32 @p1 $0x1;
	p0 =	seq.s32 s7, s2  }
0x1e: {  	s7 =	smul.u32 @!p0 $0xF7A, s2;
	p2 =	seq.s32 @!p0 s5, $0x0  }
0x1f: {  	s9 =	smul.u32 $0xF7A, s1;
	s8 =	simm.s32 @!p0 $0x1BF5;
	p2 =	por !p2, p0  }
0x20: {  	[sflag:s8] =	ssyncset.s32 @!p0 $0xFFFFF086;
	s6 =	sadd.s32 @!p0 s3, s7;
	s7 =	simm.s32 @!p0 $0x108  }
0x21: {  	s3 =	sadd.s32 s3, s9;
	s6 =	sadd.s32 @!p0 $0x88, s6;
	s7 =	simm.s32 @p2 $0x1082  }
0x22: {  	[simem:s7], [sflag:s8] =	dma.local @!p0 [hbm:s6], $0xF7A  }
0x23: {  	s9 =	sor.u32 $0xD0000000, s2;
	s6 =	simm.s32 $0x108;
	_ =	swait.ge @!p0 [sflag:s8], $0x0  }
0x24: {  	s3 =	sadd.s32 $0x88, s3;
	s6 =	simm.s32 @!p1 $0x1082;
	[sflag:s4] =	ssyncset.s32 $0xFFFFF086  }
0x25: {  	[simem:s6], [sflag:s4] =	dma.local [hbm:s3], $0xF7A  }
0x26: {  	[smem:$0x3F97] =	sst s1;
	(tag) =	ssettag s2;
	_ =	strace s9  }
0x27: {  	s1 =	sld [smem:$0x3FA7]  }
0x28: {  	s2 =	sld [smem:$0x3FA8]  }
0x29: {  	s4 =	sld [smem:$0x3FAA]  }
0x2a: {  	p0 =	seq.s32 s5, $0x0;
	s5 =	sld [smem:$0x3FAB]  }
0x2b: {  	s6 =	sld [smem:$0x3FAC]  }
0x2c: {  	s7 =	sld [smem:$0x3FAD]  }
0x2d: {  	s3 =	simm.s32 $0x108;
	s8 =	sld [smem:$0x3FAE]  }
0x2e: {  	s3 =	simm.s32 @!p0 $0x1082;
	s9 =	sld [smem:$0x3FAF]  }
0x2f: {  	lr =	sadd.s32 s0, s3;
	s0 =	sld [smem:$0x3FA6]  }
0x30: {  	s3 =	sld [smem:$0x3FA9]  }
0x31: {  	[smem:$0x3FB2] =	sst s10  }
0x32: {  	s10 =	sld [smem:$0x3FB0];
	_ =	sdelay $0x3  }
0x33: {  	p0 =	seq.s32 s10, $0x1;
	s10 =	sld [smem:$0x3FB2];
	_ =	sdelay $0x3  }
0x34: {  	[smem:$0x3FB2] =	sst s10  }
0x35: {  	s10 =	sld [smem:$0x3FB1];
	_ =	sdelay $0x3  }
0x36: {  	p1 =	seq.s32 s10, $0x1;
	s10 =	sld [smem:$0x3FB2];
	_ =	sdelay $0x3  }
0x37: {  	[smem:$0x3FB2] =	sst s10  }
0x38: {  	s10 =	sld [smem:$0x3FB3]  }
0x39: {  	_ = 	snop;
	(pc) =	sbr.ind lr, $3  }
0x3a: {  	_ = 	snop  }
0x3b: {  	_ = 	snop  }
0x3c: {  	p2 =	seq.s32 s10, $0x1;
	s10 =	sld [smem:$0x3FB2]  }
0x3d: {  	_ =	shalt  }
0x3e: {  	_ =	shalt  }
0x3f: {  	_ =	shalt  }
0x40: {  	_ =	shalt  }
0x41: {  	_ =	shalt  }
0x42: {  	_ =	shalt  }
0x43: {  	_ =	shalt  }
0x44: {  	_ =	shalt  }
0x45: {  	_ =	shalt  }
0x46: {  	_ =	shalt  }
0x47: {  	_ =	shalt  }
0x48: {  	_ =	shalt  }
0x49: {  	_ =	shalt  }
0x4a: {  	_ =	shalt  }
0x4b: {  	_ =	shalt  }
0x4c: {  	_ =	shalt  }
0x4d: {  	_ =	shalt  }
0x4e: {  	_ =	shalt  }
0x4f: {  	_ =	shalt  }
0x50: {  	_ =	shalt  }
0x51: {  	_ =	shalt  }
0x52: {  	_ =	shalt  }
0x53: {  	_ =	shalt  }
0x54: {  	_ =	shalt  }
0x55: {  	_ =	shalt  }
0x56: {  	_ =	shalt  }
0x57: {  	_ =	shalt  }
0x58: {  	_ =	shalt  }
0x59: {  	_ =	shalt  }
0x5a: {  	_ =	shalt  }
0x5b: {  	_ =	shalt  }
0x5c: {  	_ =	shalt  }
0x5d: {  	_ =	shalt  }
0x5e: {  	_ =	shalt  }
0x5f: {  	_ =	shalt  }
0x60: {  	_ =	shalt  }
0x61: {  	_ =	shalt  }
0x62: {  	_ =	shalt  }
0x63: {  	_ =	shalt  }
0x64: {  	_ =	shalt  }
0x65: {  	_ =	shalt  }
0x66: {  	_ =	shalt  }
0x67: {  	_ =	shalt  }
0x68: {  	_ =	shalt  }
0x69: {  	_ =	shalt  }
0x6a: {  	_ =	shalt  }
0x6b: {  	_ =	shalt  }
0x6c: {  	_ =	shalt  }
0x6d: {  	_ =	shalt  }
0x6e: {  	_ =	shalt  }
0x6f: {  	_ =	shalt  }
0x70: {  	_ =	shalt  }
0x71: {  	_ =	shalt  }
0x72: {  	_ =	shalt  }
0x73: {  	_ =	shalt  }
0x74: {  	_ =	shalt  }
0x75: {  	_ =	shalt  }
0x76: {  	_ =	shalt  }
0x77: {  	_ =	shalt  }
0x78: {  	_ =	shalt  }
0x79: {  	_ =	shalt  }
0x7a: {  	_ =	shalt  }
0x7b: {  	_ =	shalt  }
0x7c: {  	_ =	shalt  }
0x7d: {  	_ =	shalt  }
0x7e: {  	_ =	shalt  }
0x7f: {  	_ =	shalt  }
0x80: {  	_ =	shalt  }
0x81: {  	_ =	shalt  }
0x82: {  	_ =	shalt  }
0x83: {  	_ =	shalt  }
0x84: {  	_ =	shalt  }
0x85: {  	_ =	shalt  }
0x86: {  	_ =	shalt  }
0x87: {  	_ =	shalt  }
.Lfunc_end0:
.L_simem_size_0:
called_computation_lowered:
.L_overlay_start_0:
0x88: {  	s2 =	sld [smem:$0x3FD9]  }
0x89: {  	s3 =	sld [smem:$0x3FFE];
	_ =	sdelay $0x1  }
0x8a: {  	s1 =	srdreg.scid  }
0x8b: {  	s0 =	sand.u32 $0x1, s1  }
0x8c: {  	s16 =	sshll.u32 s0, $0xA;
	s2 =	sadd.s32 s3, s2  }
0x8d: {  	s2 =	sadd.s32 s2, s16  }
0x8e: {  	[smem:$0x3FBE] =	sst s2  }
0x8f: {  	_ = 	snop  }
0x90: {  	(tm) =	ssettm $0x1  }
0x91: {  	s17 =	sld [smem:$0x3FFB];
	_ =	sdelay $0x3  }
0x92: {  	_ =	strace s17  }
0x93: {  	s2 =	sld [smem:$0x3FFC];
	_ =	sdelay $0x3  }
0x94: {  	_ =	strace s2  }
0x95: {  	s2 =	sld [smem:$0x3FFD];
	_ =	sdelay $0x3  }
0x96: {  	_ =	strace s2  }
0x97: {  	_ =	strace $0x8FFFFFFF  }
0x98: {  	s18 =	sld [smem:$0x3FDB];
	_ =	sdelay $0x1  }
0x99: {  	s19 =	simm.s32 $_scs_section_size  }
0x9a: {  	s4 =	simm.s32 $_size__tile_overlayer_lowered;
	s5 =	simm.s32 $_tile_overlayer_lowered  }
0x9b: {  	s22 =	simm.s32 $0x1BFF;
	s21 =	sshll.u32 s5, $0x1;
	s2 =	sadd.s32 s19, s18  }
0x9c: {  	s6 =	simm.s32 $0x0;
	s20 =	sshll.u32 s4, $0x1;
	s4 =	sadd.s32 s21, s2  }
0x9d: {  	[timem:s6], [sflag:s22] =	dma.local [hbm:s4], s20  }
0x9e: {  	_ =	swait.ge [sflag:s22], s20  }
0x9f: {  	s3 =	ssub.s32 $0x0, s20;
	[sflag:s22] =	ssyncset.done $0x0  }
0xa0: {  	[sflag:s22] =	ssyncadd.s32 s3;
	_ =	sdelay $0x1  }
0xa1: {  	s23 =	simm.s32 $0x1B8B  }
0xa2: {  	_ =	swait.ge [sflag:s23], $0x1  }
0xa3: {  	[sflag:s23] =	ssyncset.done $0x0  }
0xa4: {  	s25 =	simm.s32 $0x1B8E;
	s24 =	sld [smem:$0x3FFE];
	[sflag:s23] =	ssyncadd.s32 $0xFFFFFFFF  }
0xa5: {  	s26 =	simm.s32 $execute0_lowered;
	[smem:$0x3FD2] =	sst s25  }
0xa6: {  	s4 =	sshll.u32 s26, $0x1;
	_ =	strace $0x80000046;
	[dreg:$0x1] =	wrdreg $0xFFFFFFFF  }
0xa7: {  	s28 =	simm.s32 $_size_execute0_lowered;
	s2 =	sadd.s32 s2, s4;
	[dreg:$0x0] =	wrdreg $0x0  }
0xa8: {  	s4 =	sshll.u32 s28, $0x1;
	[dreg:$0x2] =	wrdreg s2  }
0xa9: {  	[dreg:$0x3] =	wrdreg s4  }
0xaa: {  	[dreg:$0x4] =	wrdreg $0xC0  }
0xab: {  	_ =	task [dreg:s6], $0x5FFFF  }
0xac: {  	[dreg:$0x1] =	wrdreg $0xFFFFFFFF  }
0xad: {  	[dreg:$0x0] =	wrdreg $0x60  }
0xae: {  	[dreg:$0x2] =	wrdreg s24  }
0xaf: {  	[dreg:$0x3] =	wrdreg $0x51000  }
0xb0: {  	[dreg:$0x4] =	wrdreg $0x9  }
0xb1: {  	_ =	task.clear_ibuf [dreg:s6], $0x5FFFF;
	_ =	strace $0x90000046  }
0xb2: {  	s29 =	simm.s32 $0x9;
	_ =	strace $0x80000048  }
0xb3: {  	_ =	swait.ge [sflag:s29], $0x1  }
0xb4: {  	[sflag:s29] =	ssyncadd.s32 $0xFFFFFFFF  }
0xb5: {  	_ =	strace $0x90000048  }
0xb6: {  	_ =	sfence  }
0xb7: {  	s30 =	sld [smem:$0x0];
	_ =	sdelay $0x2  }
0xb8: {  	s31 =	sshll.u32 s1, $0xD;
	s1 =	sshrl.u32 s1, $0x2  }
0xb9: {  	s3 =	sand.u32 $0x4000, s31;
	s1 =	sadd.s32 s1, s30  }
0xba: {  	s0 =	sor.u32 s3, s0;
	s1 =	sshll.u32 s1, $0x11  }
0xbb: {  	s0 =	sor.u32 s1, s0  }
0xbc: {  	s0 =	sadd.s32 $0x8F2B, s0  }
0xbd: {  	[sflag:s0] =	ssyncadd.remote.s32 $0x1  }
0xbe: {  	_ =	sfence.sel $0xFFFF  }
0xbf: {  	[dreg:$0x0] =	wrdreg $0xFFFFFFFF;
	(pc) =	sbr.abs _section_cstart, $3  }
0xc0: {  	[dreg:$0x1] =	wrdreg $0xFFFFFFFF  }
0xc1: {  	_ =	task.clear_ibuf [dreg:s6], $0x2FFFF;
	_ =	strace $0x9FFFFFFF  }
0xc2: {  	(tm) =	ssettm $0x7FFFFFFF  }
0xc3: {  	_ =	shalt  }
tec
execute0_lowered:
.L_overlay_start_1:
0x0: {  	(tag) =	ssettag $0x1  }
0x1: {  	s6 =	rddreg [dreg:$0x0]  }
0x2: {  	s2 =	rddreg [dreg:$0x1]  }
0x3: {  	s0 =	rddreg [dreg:$0x2]  }
0x4: {  	s3 =	simm.s32 $0x0;
	s4 =	srdreg.scid;
	s1 =	stileid.u32  }
0x5: {  	s12 =	simm.s32 $0x80;
	s13 =	simm.s32 $0x3800;
	s14 =	simm.s32 $0x1C00  }
0x6: {  	s15 =	simm.s32 $0x1;
	s16 =	simm.s32 $0x2;
	s17 =	simm.s32 $0x20  }
0x7: {  	s18 =	simm.s32 $0x10;
	[smem:$0x7FF] =	sst s3;
	s7 =	smul.u32 $0x3100, s1  }
0x8: {  	s5 =	sand.u32 $0x1, s4;
	s4 =	sadd.s32 $0x2200, s6;
	s9 =	smul.u32 $0x6200, s1  }
0x9: {  	_ =	strace $0x80000047;
	s8 =	sshll.u32 s5, $0x7;
	s29 =	sshll.u32 s5, $0x4  }
0xa: {  	s10 =	ssub.s32 $0x2, s5;
	s7 =	sor.u32 s8, s7;
	s30 =	sor.u32 s1, s29  }
0xb: {  	s31 =	sshrl.u32 s10, $0x1;
	s9 =	sshrl.u32 s9, $0x2;
	s7 =	sshrl.u32 s7, $0x3  }
0xc: {  	s5 =	smul.u32 $0x18800, s30;
	s10 =	ssub.s32 s10, s31;
	s11 =	sadd.s32 s7, s6  }
0xd: {  	s6 =	sadd.s32 s9, s2;
	s9 =	smax.u32 s10, $0x1;
	s10 =	simm.s32 $0x3880  }
0xe: {  	v0 =	vimm.f32 $1.000000000e+00;
	v1 =	vimm.f32 $0.0e+00;
	s7 =	sadd.s32 $0x1C00, s5;
	s8 =	sadd.s32 $0x64200, s11;
	s11 =	simm.s32 $0x3  }
.LBB2_1:
0xf: {  	[tilespmem:$0x3800] =	vst v0  }
0x10: {  	[tilespmem:$0x3810] =	vst v0  }
0x11: {  	[tilespmem:$0x3820] =	vst v0  }
0x12: {  	[tilespmem:$0x3830] =	vst v0  }
0x13: {  	[tilespmem:$0x3840] =	vst v0  }
0x14: {  	[tilespmem:$0x3850] =	vst v0  }
0x15: {  	[tilespmem:$0x3860] =	vst v0  }
0x16: {  	[tilespmem:$0x3870] =	vst v0;
	s19 =	simm.s32 $0x40;
	s20 =	simm.s32 $0x0  }
.LBB2_2:
0x17: {  	p0 =	sne.s32 s19, $0x61C0;
	[tilespmem:s20+$0x3880] =	vst v1;
	s20 =	smov.u32 s19;
	s19 =	sadd.s32 $0x40, s19  }
.Ltmp0:
0x18: {  	(pc) =	sbr.rel @p0 .LBB2_2-.Ltmp0, $2  }
0x19: {  	_ =	sdelay $0x2  }
0x1a: {  	s20 =	sshra.s32 s20, $0x2  }
0x1b: {  	[tilespmem:s20+$0x3880] =	vst v1  }
0x1c: {  	[spmem:s6] =	stream.linear.scatter [tilespmem:s10], [sflag:$0x3], $0x1880, $0x38;
	[tilespmem:$0x6980] =	vst v63  }
0x1d: {  	_ =	swait.ge [sflag:s11], $0x1880  }
0x1e: {  	[sflag:s11] =	ssyncset.done $0x0  }
0x1f: {  	[sflag:s11] =	ssyncadd.s32 $0xFFFFE780  }
0x20: {  	s19 =	simm.s32 $0x0;
	s20 =	simm.s32 $0x0;
	[bflag:$0x0] =	sbarrier.arrive $0xFFFF  }
.LBB2_4:
0x21: {  	s21 =	smul.u32 $0x3800, s20;
	_ =	sdelay $0x1  }
0x22: {  	s22 =	sadd.s32 s5, s21  }
0x23: {  	s22 =	sshrl.u32 s22, $0x3  }
0x24: {  	s22 =	sadd.s32 s4, s22  }
0x25: {  	[tilespmem:s19], [sflag:$0x3] =	stream.linear.gather [hbm4b:s22+s19], $0x1C00, $0x38;
	[tilespmem:$0x6980] =	vst v63  }
0x26: {  	_ =	swait.ge [sflag:s11], $0x1C00  }
0x27: {  	[sflag:s11] =	ssyncset.done $0x0  }
0x28: {  	s23 =	simm.s32 $0x0;
	s22 =	simm.s32 $0x200;
	[sflag:s11] =	ssyncadd.s32 $0xFFFFE400  }
.LBB2_5:
0x29: {  	[spmem:s2] =	stream.indirect.scatter.add.f32 [tilespmem:s13], [sflag:$0x1], $0x1, s23, s12, $0xb8;
	[tilespmem:$0x6980] =	vst v63  }
0x2a: {  	s23 =	smov.u32 s22;
	p0 =	sne.s32 s22, $0x6E00  }
.Ltmp1:
0x2b: {  	s22 =	sadd.s32 $0x200, s22;
	(pc) =	sbr.rel @p0 .LBB2_5-.Ltmp1, $2  }
0x2c: {  	_ =	sdelay $0x2  }
0x2d: {  	s23 =	sshra.s32 s23, $0x2  }
0x2e: {  	[spmem:s2] =	stream.indirect.scatter.add.f32 [tilespmem:s13], [sflag:$0x1], $0x1, s23, s12, $0xb8;
	[tilespmem:$0x6980] =	vst v63  }
0x2f: {  	s21 =	sadd.s32 s7, s21  }
0x30: {  	s21 =	sshrl.u32 s21, $0x3  }
0x31: {  	s22 =	simm.s32 $0x0;
	s21 =	sadd.s32 s4, s21  }
0x32: {  	[tilespmem:s14], [sflag:$0x3] =	stream.linear.gather [hbm4b:s21+s22], $0x1C00, $0x38;
	[tilespmem:$0x6980] =	vst v63  }
0x33: {  	_ =	swait.ge [sflag:s11], $0x1C00  }
0x34: {  	[sflag:s11] =	ssyncset.done $0x0  }
0x35: {  	s21 =	simm.s32 $0x200;
	s22 =	simm.s32 $0x1C00;
	[sflag:s11] =	ssyncadd.s32 $0xFFFFE400  }
.LBB2_7:
0x36: {  	[spmem:s2] =	stream.indirect.scatter.add.f32 [tilespmem:s13], [sflag:$0x2], $0x1, s22, s12, $0xb8;
	[tilespmem:$0x6980] =	vst v63  }
0x37: {  	s22 =	smov.u32 s21;
	p0 =	sne.s32 s21, $0x6E00  }
.Ltmp2:
0x38: {  	s21 =	sadd.s32 $0x200, s21;
	(pc) =	sbr.rel @p0 .LBB2_7-.Ltmp2, $3  }
0x39: {  	_ =	sdelay $0x1  }
0x3a: {  	s22 =	sshra.s32 s22, $0x2  }
0x3b: {  	s22 =	sadd.s32 $0x1C00, s22  }
0x3c: {  	[spmem:s2] =	stream.indirect.scatter.add.f32 [tilespmem:s13], [sflag:$0x2], $0x1, s22, s12, $0xb8;
	[tilespmem:$0x6980] =	vst v63  }
0x3d: {  	_ =	swait.ge [sflag:s15], $0x80  }
0x3e: {  	s21 =	simm.s32 $0x37;
	[sflag:s15] =	ssyncset.done $0x0  }
.LBB2_9:
0x3f: {  	p0 =	sne.s32 s21, $0x1;
	s21 =	sadd.s32 $0xFFFFFFFF, s21;
	[sflag:s15] =	ssyncadd.s32 $0xFFFFFF80  }
.Ltmp3:
0x40: {  	(pc) =	sbr.rel @p0 .LBB2_9-.Ltmp3, $3  }
0x41: {  	_ =	sdelay $0x1  }
0x42: {  	_ =	swait.ge [sflag:s15], $0x80  }
0x43: {  	[sflag:s15] =	ssyncset.done $0x0  }
0x44: {  	[sflag:s15] =	ssyncadd.s32 $0xFFFFFF80  }
0x45: {  	_ =	swait.ge [sflag:s16], $0x80  }
0x46: {  	s21 =	simm.s32 $0x37;
	[sflag:s16] =	ssyncset.done $0x0  }
.LBB2_11:
0x47: {  	p0 =	sne.s32 s21, $0x1;
	s21 =	sadd.s32 $0xFFFFFFFF, s21;
	[sflag:s16] =	ssyncadd.s32 $0xFFFFFF80  }
.Ltmp4:
0x48: {  	(pc) =	sbr.rel @p0 .LBB2_11-.Ltmp4, $3  }
0x49: {  	_ =	sdelay $0x1  }
0x4a: {  	_ =	swait.ge [sflag:s16], $0x80  }
0x4b: {  	[sflag:s16] =	ssyncset.done $0x0  }
0x4c: {  	s20 =	sadd.s32 $0x1, s20  }
0x4d: {  	p0 =	sne.s32 s20, $0x7  }
.Ltmp5:
0x4e: {  	_ = 	snop;
	(pc) =	sbr.rel @p0 .LBB2_4-.Ltmp5, $2  }
0x4f: {  	_ =	sdelay $0x2  }
0x50: {  	[sflag:s16] =	ssyncadd.s32 $0xFFFFFF80  }
0x51: {  	s3 =	sadd.s32 $0x1, s3  }
0x52: {  	s19 =	sshll.u32 s1, $0x6;
	[bflag:$0x0] =	sbarrier.arrive $0xFFFF;
	p0 =	sne.s32 s3, s9  }
.Ltmp6:
0x53: {  	s20 =	sshrl.u32 s6, $0x3;
	s19 =	sor.u32 $0x1C03, s19;
	(pc) =	sbr.rel @p0 .LBB2_1-.Ltmp6, $4  }
0x54: {  	[hbm:s8@s17], [sflag:s19] =	dma.strided [spmem:s20@s18], $0x310, s15, $0x10   }
0x55: {  	_ =	swait.ge [sflag:s11], $0x310  }
0x56: {  	[sflag:s11] =	ssyncset.done $0x0  }
0x57: {  	[sflag:s11] =	ssyncadd.s32 $0xFFFFFCF0  }
0x58: {  	_ =	sfence.sel $0x180000  }
0x59: {  	[bflag:$0x0] =	sbarrier.arrive $0xFFFF  }
0x5a: {  	p0 =	sne.s32 s1, $0x0;
	_ =	strace $0x90000047  }
0x5b: {  	s0 =	sadd.s32 @!p0 $0x100000, s0;
	[bflag:$0x2] =	sbarrier.arrive $0xFFFF  }
0x5c: {  	[sflag:s0] =	ssyncadd.tile.s32 @!p0 $0x1;
	_ =	shalt  }
.Lfunc_end2:
_tile_overlayer_lowered:
.L_overlay_start_2:
0x5d: {  	(tag) =	ssettag $0x2  }
0x5e: {  	s0 =	rddreg [dreg:$0x0];
	s2 =	stileid.u32  }
0x5f: {  	s1 =	rddreg [dreg:$0x1];
	p0 =	sne.s32 s2, $0x0  }
0x60: {  	s3 =	rddreg [dreg:$0x2];
	[bflag:$0x3] =	sbarrier.arrive $0xFFFF;
	s2 =	simm.s32 @!p0 $0x1C03  }
0x61: {  	[timem:s3], [sflag:s2] =	dma.local @!p0 [hbm:s0], s1  }
0x62: {  	s0 =	simm.s32 @!p0 $0x3  }
0x63: {  	_ =	swait.ge @!p0 [sflag:s0], s1  }
0x64: {  	s1 =	ssub.s32 @!p0 $0x0, s1;
	[sflag:s0] =	ssyncset.done @!p0 $0x0  }
0x65: {  	[sflag:s0] =	ssyncadd.s32 @!p0 s1  }
0x66: {  	[bflag:$0x3] =	sbarrier.arrive $0xFFFF  }
0x67: {  	_ =	shalt  }

</sc_bundles>
